<compile_context>
chip_gen: v7x
topology: tpu7x:2x2x1
jax: 0.10.2.dev20260603
libtpu: 0.0.44.dev20260713+nightly
codegen_flags: <defaults>
</compile_context>

<pallas_src>
import functools

import jax
import jax.numpy as jnp
from jax import lax
from jax.experimental import pallas as pl
from jax.experimental.pallas import tpu as pltpu
from jax.experimental.pallas import tpu_sc as plsc

N = 10000
E = 160000
G = 64
BERT = 768
N2V = 128
FUS = 256
HID = 256
NC = 10

NP = 10240
EP = 163840
CNTP = 12288
F2 = 128
NT = NP // 16
CHUNK = 128
CH = EP // 16 // CHUNK

_mesh = plsc.VectorSubcoreMesh(core_axis_name="c", subcore_axis_name="s")


@functools.partial(
    pl.kernel,
    out_type=(
        jax.ShapeDtypeStruct((2, NP, 128), jnp.float32),
        jax.ShapeDtypeStruct((2, 128, 128), jnp.float32),
    ),
    mesh=_mesh,
    scratch_types=[
        [pltpu.VMEM((128,), jnp.int32) for _ in range(2)],
        [pltpu.SemaphoreType.DMA for _ in range(2)],
        pltpu.VMEM((128, 128), jnp.float32),
        pltpu.VMEM((128, 128), jnp.float32),
        pltpu.VMEM_SHARED((NP, 128), jnp.float32),
        pltpu.VMEM_SHARED((128, 128), jnp.float32),
    ],
)
def _deg_kernel(dst1d, bc1d, ones_h, zeros_h, degp, cntp,
                ibuf, ssem, onesv, zerosv, dacc, cacc):
    c = lax.axis_index("c")
    s = lax.axis_index("s")
    w = c * 16 + s
    nd = EP // 32 // 128
    pltpu.sync_copy(ones_h, onesv)
    pltpu.sync_copy(zeros_h, zerosv)
    for k in range(NT // 128):
        pltpu.sync_copy(zerosv, dacc.at[pl.ds(s * NT + k * 128, 128)])

    @pl.when(s == 0)
    def _():
        pltpu.sync_copy(zerosv, cacc)

    plsc.subcore_barrier()

    def load(b, j):
        pltpu.sync_copy(dst1d.at[pl.ds(w * (EP // 32) + j * 128, 128)], ibuf[b])

    def start(b):
        pltpu.async_copy(onesv, dacc.at[ibuf[b]], ssem[b], add=True)

    def swait(b):
        pltpu.make_async_copy(onesv, dacc.at[ibuf[b]], ssem[b]).wait()

    load(0, 0)
    start(0)
    load(1, 1)
    start(1)

    def dbody(jj, carry):
        for b in range(2):
            swait(b)
            load(b, 2 * jj + 2 + b)
            start(b)
        return carry

    lax.fori_loop(0, nd // 2 - 1, dbody, 0)
    swait(0)
    swait(1)

    def cbody(j, carry):
        pltpu.sync_copy(bc1d.at[pl.ds(w * (CNTP // 32) + j * 128, 128)], ibuf[0])
        pltpu.sync_copy(onesv, cacc.at[ibuf[0]], add=True)
        return carry

    lax.fori_loop(0, CNTP // 32 // 128, cbody, 0)
    plsc.subcore_barrier()
    pltpu.sync_copy(dacc.at[pl.ds(s * NT, NT)], degp.at[c, pl.ds(s * NT, NT)])

    @pl.when(s == 0)
    def _():
        pltpu.sync_copy(cacc, cntp.at[c])


NBUF = 2

@functools.partial(
    pl.kernel,
    out_type=jax.ShapeDtypeStruct((2, NP, F2), jnp.float32),
    mesh=_mesh,
    scratch_types=[
        [pltpu.VMEM((CHUNK,), jnp.int32) for _ in range(NBUF)],
        [pltpu.VMEM((CHUNK,), jnp.int32) for _ in range(NBUF)],
        [pltpu.VMEM((CHUNK, F2), jnp.float32) for _ in range(NBUF)],
        [pltpu.SemaphoreType.DMA for _ in range(NBUF)],
        pltpu.VMEM_SHARED((NP, F2), jnp.float32),
    ],
)
def _scatter_kernel(tflat, srcoff, dst1d, s_out, sibuf, dibuf, rows, gsem, acc):
    c = lax.axis_index("c")
    s = lax.axis_index("s")
    ebase = s * (CH * CHUNK)

    def load_idx(b, j):
        pltpu.sync_copy(srcoff.at[pl.ds(c * EP + ebase + j * CHUNK, CHUNK)], sibuf[b])
        pltpu.sync_copy(dst1d.at[pl.ds(ebase + j * CHUNK, CHUNK)], dibuf[b])

    def gwait(b):
        pltpu.make_async_copy(tflat.at[sibuf[b]], rows[b], gsem[b]).wait()

    for b in range(NBUF):
        load_idx(b, b)
        pltpu.async_copy(tflat.at[sibuf[b]], rows[b], gsem[b])
    pltpu.sync_copy(tflat.at[pl.ds(c * NP + s * NT, NT)], acc.at[pl.ds(s * NT, NT)])
    plsc.subcore_barrier()

    def body(jj, carry):
        for b in range(NBUF):
            gwait(b)
            pltpu.sync_copy(rows[b], acc.at[dibuf[b]], add=True)
            load_idx(b, jj * NBUF + b + NBUF)
            pltpu.async_copy(tflat.at[sibuf[b]], rows[b], gsem[b])
        return carry

    lax.fori_loop(0, CH // NBUF - 1, body, 0)
    for b in range(NBUF):
        gwait(b)
        pltpu.sync_copy(rows[b], acc.at[dibuf[b]], add=True)
    plsc.subcore_barrier()
    pltpu.sync_copy(acc.at[pl.ds(s * NT, NT)], s_out.at[c, pl.ds(s * NT, NT)])


@functools.partial(
    pl.kernel,
    out_type=jax.ShapeDtypeStruct((2, G, F2), jnp.float32),
    mesh=_mesh,
    scratch_types=[
        pltpu.VMEM((128,), jnp.int32),
        pltpu.VMEM((128, F2), jnp.float32),
        pltpu.VMEM_SHARED((128, F2), jnp.float32),
    ],
)
def _pool_kernel(hflat, bp1d, zeros_h, sums, ibuf, rows, pacc):
    c = lax.axis_index("c")
    s = lax.axis_index("s")

    @pl.when(s == 0)
    def _():
        pltpu.sync_copy(zeros_h, pacc)

    plsc.subcore_barrier()

    def body(j, carry):
        base = s * NT + j * 128
        pltpu.sync_copy(hflat.at[pl.ds(c * NP + base, 128)], rows)
        pltpu.sync_copy(bp1d.at[pl.ds(base, 128)], ibuf)
        pltpu.sync_copy(rows, pacc.at[ibuf], add=True)
        return carry

    lax.fori_loop(0, NT // 128, body, 0)
    plsc.subcore_barrier()

    @pl.when(s == 0)
    def _():
        pltpu.sync_copy(pacc.at[pl.ds(0, G)], sums.at[c])


def _fusion_body(x_ref, se_ref, w1_ref, b1_ref, w2_ref, b2_ref, wa_ref, ba_ref, out_ref):
    h1 = jnp.dot(x_ref[...], w1_ref[...], preferred_element_type=jnp.float32) + b1_ref[...]
    h2 = jnp.dot(se_ref[...], w2_ref[...], preferred_element_type=jnp.float32) + b2_ref[...]
    a1 = jnp.sum(h1 * wa_ref[...], axis=1, keepdims=True) + ba_ref[...]
    a2 = jnp.sum(h2 * wa_ref[...], axis=1, keepdims=True) + ba_ref[...]
    m = jnp.maximum(a1, a2)
    e1 = jnp.exp(a1 - m)
    e2 = jnp.exp(a2 - m)
    out_ref[...] = (e1 * h1 + e2 * h2) / (e1 + e2)


def _dinv_body(dp_ref, out_ref):
    deg = jnp.sum(dp_ref[...], axis=(0, 2)) * (1.0 / 128.0) + 1.0
    out_ref[...] = jnp.broadcast_to(lax.rsqrt(deg)[:, None], out_ref.shape)


def _t1_body(f_ref, di_ref, wg_ref, out_ref):
    dinv = di_ref[...][:, :1]
    hw = jnp.dot(f_ref[...], wg_ref[...], preferred_element_type=jnp.float32)
    t = hw * dinv
    out_ref[0, :, :] = t[:, :F2]
    out_ref[1, :, :] = t[:, F2:]


def _t2_body(s_ref, di_ref, bg_ref, wg_ref, out_ref):
    dinv = di_ref[...][:, :1]
    sfull = jnp.concatenate([s_ref[0], s_ref[1]], axis=1)
    h = jnp.maximum(sfull * dinv + bg_ref[...], 0.0)
    hw = jnp.dot(h, wg_ref[...], preferred_element_type=jnp.float32)
    t = hw * dinv
    out_ref[0, :, :] = t[:, :F2]
    out_ref[1, :, :] = t[:, F2:]


def _h2_body(s_ref, di_ref, bg_ref, out_ref):
    dinv = di_ref[...][:, :1]
    sfull = jnp.concatenate([s_ref[0], s_ref[1]], axis=1)
    h = jnp.maximum(sfull * dinv + bg_ref[...], 0.0)
    out_ref[0, :, :] = h[:, :F2]
    out_ref[1, :, :] = h[:, F2:]


def _cls_body(sums_ref, cntp_ref, wc1_ref, bc1_ref, wc2_ref, bc2_ref, out_ref):
    counts = jnp.sum(cntp_ref[...], axis=(0, 2)) * (1.0 / 128.0)
    pooled = jnp.concatenate([sums_ref[0], sums_ref[1]], axis=1)
    pooled = pooled / jnp.maximum(counts[:G], 1.0)[:, None]
    z = jnp.maximum(jnp.dot(pooled, wc1_ref[...], preferred_element_type=jnp.float32)
                    + bc1_ref[...], 0.0)
    out_ref[...] = jnp.dot(z, wc2_ref[...], preferred_element_type=jnp.float32) + bc2_ref[...]


def _full(shape):
    return pl.BlockSpec(shape, lambda *b: (0,) * len(shape))


def kernel(x, struct_emb, edge_index, batch, W1, b1, W2, b2, Wa, ba,
           Wg1, bg1, Wg2, bg2, Wc1, bc1, Wc2, bc2):
    f32 = jnp.float32
    i32 = jnp.int32

    src = jnp.concatenate([edge_index[0], jnp.zeros((EP - E,), i32)])
    dst1d = jnp.concatenate([edge_index[1], jnp.full((EP - E,), N, i32)])
    srcoff = jnp.concatenate([src, src + NP])
    bc1d = jnp.concatenate([batch, jnp.full((CNTP - N,), G, i32)])
    bp1d = jnp.concatenate([batch, jnp.full((NP - N,), G, i32)])
    ones_h = jnp.ones((128, 128), f32)
    zeros_h = jnp.zeros((128, 128), f32)
    b1r = b1.reshape(1, FUS)
    b2r = b2.reshape(1, FUS)
    war = Wa.reshape(1, FUS)
    bar = ba.reshape(1, 1)
    bg1r = bg1.reshape(1, HID)
    bg2r = bg2.reshape(1, HID)
    bc1r = bc1.reshape(1, HID // 2)
    bc2r = bc2.reshape(1, NC)

    BN = 400
    fused = pl.pallas_call(
        _fusion_body,
        grid=(N // BN,),
        in_specs=[
            pl.BlockSpec((BN, BERT), lambda b: (b, 0)),
            pl.BlockSpec((BN, N2V), lambda b: (b, 0)),
            _full((BERT, FUS)), _full((1, FUS)),
            _full((N2V, FUS)), _full((1, FUS)),
            _full((1, FUS)), _full((1, 1)),
        ],
        out_specs=pl.BlockSpec((BN, FUS), lambda b: (b, 0)),
        out_shape=jax.ShapeDtypeStruct((N, FUS), f32),
    )(x, struct_emb, W1, b1r, W2, b2r, war, bar)

    degp, cntp = _deg_kernel(dst1d, bc1d, ones_h, zeros_h)

    BM = 320
    grid = (NP // BM,)
    dp_spec = pl.BlockSpec((2, BM, 128), lambda b: (0, b, 0))
    dinv8 = pl.pallas_call(
        _dinv_body,
        grid=grid,
        in_specs=[dp_spec],
        out_specs=pl.BlockSpec((BM, 8), lambda b: (b, 0)),
        out_shape=jax.ShapeDtypeStruct((NP, 8), f32),
    )(degp)

    di_spec = pl.BlockSpec((BM, 8), lambda b: (b, 0))
    t3_spec = dict(
        out_specs=pl.BlockSpec((2, BM, F2), lambda b: (0, b, 0)),
        out_shape=jax.ShapeDtypeStruct((2, NP, F2), f32),
    )

    t3 = pl.pallas_call(
        _t1_body,
        grid=grid,
        in_specs=[pl.BlockSpec((BM, FUS), lambda b: (b, 0)), di_spec,
                  _full((FUS, HID))],
        **t3_spec,
    )(fused, dinv8, Wg1)

    s1 = _scatter_kernel(t3.reshape(2 * NP, F2), srcoff, dst1d)

    s_spec = pl.BlockSpec((2, BM, F2), lambda b: (0, b, 0))
    t3b = pl.pallas_call(
        _t2_body,
        grid=grid,
        in_specs=[s_spec, di_spec, _full((1, HID)), _full((HID, HID))],
        **t3_spec,
    )(s1, dinv8, bg1r, Wg2)

    s2 = _scatter_kernel(t3b.reshape(2 * NP, F2), srcoff, dst1d)

    h3 = pl.pallas_call(
        _h2_body,
        grid=grid,
        in_specs=[s_spec, di_spec, _full((1, HID))],
        **t3_spec,
    )(s2, dinv8, bg2r)

    sums = _pool_kernel(h3.reshape(2 * NP, F2), bp1d, zeros_h)

    out = pl.pallas_call(
        _cls_body,
        in_specs=[_full((2, G, F2)), _full((2, 128, 128)),
                  _full((HID, HID // 2)), _full((1, HID // 2)),
                  _full((HID // 2, NC)), _full((1, NC))],
        out_specs=_full((G, NC)),
        out_shape=jax.ShapeDtypeStruct((G, NC), f32),
    )(sums, cntp, Wc1, bc1r, Wc2, bc2r)
    return out

# --- scband reference (transcript-rebuilt; emitter-appended) ---
"""Pipeline reference for scband-hybrid-graph-classifier-12120397710030 (READ-ONLY COPY).

The authoritative reference and input builder live on the scoring server;
editing this copy changes nothing except your own understanding.
"""

import jax, jax.numpy as jnp
import numpy as np

N = 10000
E = 160000
G = 64
BERT = 768
N2V = 128
FUS = 256
HID = 256
NC = 10


def setup_inputs(seed: int = 0):
    key = jax.random.key(seed)
    ks = jax.random.split(key, 20)
    inp = {}
    inp['x'] = jax.random.normal(ks[0], (N, BERT), dtype=jnp.float32)
    inp['struct_emb'] = jax.random.normal(ks[1], (N, N2V), dtype=jnp.float32)
    inp['edge_index'] = jax.random.randint(ks[2], (2, E), 0, N, dtype=jnp.int32)
    inp['batch'] = jnp.sort(jax.random.randint(ks[3], (N,), 0, G, dtype=jnp.int32))
    s = 0.02
    inp['W1'] = jax.random.normal(ks[4], (BERT, FUS), dtype=jnp.float32) * s
    inp['b1'] = jnp.zeros((FUS,), dtype=jnp.float32)
    inp['W2'] = jax.random.normal(ks[5], (N2V, FUS), dtype=jnp.float32) * s
    inp['b2'] = jnp.zeros((FUS,), dtype=jnp.float32)
    inp['Wa'] = jax.random.normal(ks[6], (FUS, 1), dtype=jnp.float32) * s
    inp['ba'] = jnp.zeros((1,), dtype=jnp.float32)
    inp['Wg1'] = jax.random.normal(ks[7], (FUS, HID), dtype=jnp.float32) * s
    inp['bg1'] = jnp.zeros((HID,), dtype=jnp.float32)
    inp['Wg2'] = jax.random.normal(ks[8], (HID, HID), dtype=jnp.float32) * s
    inp['bg2'] = jnp.zeros((HID,), dtype=jnp.float32)
    inp['Wc1'] = jax.random.normal(ks[9], (HID, HID // 2), dtype=jnp.float32) * s
    inp['bc1'] = jnp.zeros((HID // 2,), dtype=jnp.float32)
    inp['Wc2'] = jax.random.normal(ks[10], (HID // 2, NC), dtype=jnp.float32) * s
    inp['bc2'] = jnp.zeros((NC,), dtype=jnp.float32)
    return inp


def _gcn(h, src, dst, norm, W, b):
    hw = h @ W
    msgs = hw[src] * norm[:, None]
    agg = jnp.zeros((N, hw.shape[1]), dtype=hw.dtype).at[dst].add(msgs)
    return agg + b


def reference(x, struct_emb, edge_index, batch, W1, b1, W2, b2, Wa, ba, Wg1, bg1, Wg2, bg2, Wc1, bc1, Wc2, bc2):
    # AttentionFusion
    h1 = x @ W1 + b1
    h2 = struct_emb @ W2 + b2
    a1 = h1 @ Wa + ba
    a2 = h2 @ Wa + ba
    alphas = jnp.concatenate([a1, a2], axis=1)
    w = jax.nn.softmax(alphas, axis=1)
    fused = w[:, 0:1] * h1 + w[:, 1:2] * h2
    # GCN normalization with self loops
    loop = jnp.arange(N, dtype=edge_index.dtype)
    src = jnp.concatenate([edge_index[0], loop])
    dst = jnp.concatenate([edge_index[1], loop])
    deg = jnp.zeros((N,), dtype=jnp.float32).at[dst].add(1.0)
    dinv = jnp.where(deg > 0, 1.0 / jnp.sqrt(jnp.maximum(deg, 1e-12)), 0.0)
    norm = dinv[src] * dinv[dst]
    h = jax.nn.relu(_gcn(fused, src, dst, norm, Wg1, bg1))
    h = jax.nn.relu(_gcn(h, src, dst, norm, Wg2, bg2))
    # global mean pool
    sums = jnp.zeros((G, HID), dtype=jnp.float32).at[batch].add(h)
    counts = jnp.zeros((G,), dtype=jnp.float32).at[batch].add(1.0)
    pooled = sums / jnp.maximum(counts, 1.0)[:, None]
    # classifier (dropout is identity in eval)
    z = jax.nn.relu(pooled @ Wc1 + bc1)
    out = z @ Wc2 + bc2
    return out

if __name__ == "__main__":
    import jax
    _d = setup_inputs()
    print(jax.jit(kernel)(*tuple(_d.values())))

</pallas_src>

<mosaic_0001>
#map = affine_map<(d0, d1) -> (0, 0)>
#map1 = affine_map<(d0, d1) -> (0)>
#map2 = affine_map<(d0, d1) -> (0, 0, 0)>
module attributes {stable_mosaic.version = 14 : i64} {
  func.func @_scatter_kernel(%arg0: i32, %arg1: i32, %arg2: memref<20480x128xf32, #tpu.memory_space<hbm>>, %arg3: memref<327680xi32, #tpu.memory_space<hbm>>, %arg4: memref<163840xi32, #tpu.memory_space<hbm>>, %arg5: memref<2x10240x128xf32, #tpu.memory_space<hbm>>, %arg6: memref<128xi32, #tpu.memory_space<vmem>>, %arg7: memref<128xi32, #tpu.memory_space<vmem>>, %arg8: memref<128xi32, #tpu.memory_space<vmem>>, %arg9: memref<128xi32, #tpu.memory_space<vmem>>, %arg10: memref<128x128xf32, #tpu.memory_space<vmem>>, %arg11: memref<128x128xf32, #tpu.memory_space<vmem>>, %arg12: memref<!tpu.dma_semaphore, #tpu.memory_space<semaphore_mem>>, %arg13: memref<!tpu.dma_semaphore, #tpu.memory_space<semaphore_mem>>, %arg14: memref<10240x128xf32, #tpu.memory_space<vmem_shared>>) attributes {dimension_semantics = [#tpu.dimension_semantics<core_parallel>, #tpu.dimension_semantics<subcore_parallel>], iteration_bounds = array<i64: 2, 16>, scalar_prefetch = 0 : i64, scratch_operands = 9 : i64, tpu.core_type = #tpu.core_type<sc_vector_subcore>, window_params = [{transform_indices = #map}, {transform_indices = #map1}, {transform_indices = #map1}, {transform_indices = #map2}]} {
    %mul3A = arith.constant 10240 : i32
    %mul3A_0 = arith.muli %arg1, %mul3A : i32
    %mul3A_1 = arith.constant 163840 : i32
    %mul3A_2 = arith.muli %arg0, %mul3A_1 : i32
    %add3A = arith.addi %mul3A_2, %mul3A_0 : i32
    %add3A_3 = arith.constant 0 : i32
    %add3A_4 = arith.addi %add3A, %add3A_3 : i32
    "tpu.region"() ({
      %run_scoped3A = tpu.sem_alloc : memref<!tpu.dma_semaphore, #tpu.memory_space<semaphore_mem>>
      %dma_start3A_41 = tpu.memref_slice %arg3[%add3A_4] : memref<327680xi32, #tpu.memory_space<hbm>> -> memref<128xi32, #tpu.memory_space<hbm>>
      %dma_start3A_42 = tpu.memref_slice %arg3[%add3A_4] : memref<327680xi32, #tpu.memory_space<hbm>> -> memref<128xi32, #tpu.memory_space<hbm>>
      tpu.enqueue_dma source(%dma_start3A_42 : memref<128xi32, #tpu.memory_space<hbm>>) target(%arg6 : memref<128xi32, #tpu.memory_space<vmem>>) target_semaphore(%run_scoped3A : memref<!tpu.dma_semaphore, #tpu.memory_space<semaphore_mem>>)
      %dma_wait3A_43 = tpu.memref_slice %arg3[%add3A_4] : memref<327680xi32, #tpu.memory_space<hbm>> -> memref<128xi32, #tpu.memory_space<hbm>>
      %dma_wait3A_44 = tpu.memref_slice %arg3[%add3A_4] : memref<327680xi32, #tpu.memory_space<hbm>> -> memref<128xi32, #tpu.memory_space<hbm>>
      tpu.wait_dma2 semaphore(%run_scoped3A : memref<!tpu.dma_semaphore, #tpu.memory_space<semaphore_mem>>) src(%dma_wait3A_44 : memref<128xi32, #tpu.memory_space<hbm>>) dst(%arg6 : memref<128xi32, #tpu.memory_space<vmem>>)
      tpu.yield
    }) : () -> ()
    %add3A_5 = arith.constant 0 : i32
    %add3A_6 = arith.addi %mul3A_0, %add3A_5 : i32
    "tpu.region"() ({
      %run_scoped3A = tpu.sem_alloc : memref<!tpu.dma_semaphore, #tpu.memory_space<semaphore_mem>>
      %dma_start3A_41 = tpu.memref_slice %arg4[%add3A_6] : memref<163840xi32, #tpu.memory_space<hbm>> -> memref<128xi32, #tpu.memory_space<hbm>>
      %dma_start3A_42 = tpu.memref_slice %arg4[%add3A_6] : memref<163840xi32, #tpu.memory_space<hbm>> -> memref<128xi32, #tpu.memory_space<hbm>>
      tpu.enqueue_dma source(%dma_start3A_42 : memref<128xi32, #tpu.memory_space<hbm>>) target(%arg8 : memref<128xi32, #tpu.memory_space<vmem>>) target_semaphore(%run_scoped3A : memref<!tpu.dma_semaphore, #tpu.memory_space<semaphore_mem>>)
      %dma_wait3A_43 = tpu.memref_slice %arg4[%add3A_6] : memref<163840xi32, #tpu.memory_space<hbm>> -> memref<128xi32, #tpu.memory_space<hbm>>
      %dma_wait3A_44 = tpu.memref_slice %arg4[%add3A_6] : memref<163840xi32, #tpu.memory_space<hbm>> -> memref<128xi32, #tpu.memory_space<hbm>>
      tpu.wait_dma2 semaphore(%run_scoped3A : memref<!tpu.dma_semaphore, #tpu.memory_space<semaphore_mem>>) src(%dma_wait3A_44 : memref<128xi32, #tpu.memory_space<hbm>>) dst(%arg8 : memref<128xi32, #tpu.memory_space<vmem>>)
      tpu.yield
    }) : () -> ()
    %dma_start3A = arith.constant 0 : i32
    %dma_start3A_7 = arith.constant 0 : i32
    %dma_start3A_8 = tpu.memref_slice %arg2[%dma_start3A, %dma_start3A_7] : memref<20480x128xf32, #tpu.memory_space<hbm>> -> memref<20480x128xf32, #tpu.memory_space<hbm>>
    tpu.enqueue_indirect_dma source(%dma_start3A_8 : memref<20480x128xf32, #tpu.memory_space<hbm>>) target(%arg10 : memref<128x128xf32, #tpu.memory_space<vmem>>) offsets(%arg6 : memref<128xi32, #tpu.memory_space<vmem>>) semaphore(%arg12 : memref<!tpu.dma_semaphore, #tpu.memory_space<semaphore_mem>>)
    %mul3A_9 = arith.constant 163840 : i32
    %mul3A_10 = arith.muli %arg0, %mul3A_9 : i32
    %add3A_11 = arith.addi %mul3A_10, %mul3A_0 : i32
    %add3A_12 = arith.constant 128 : i32
    %add3A_13 = arith.addi %add3A_11, %add3A_12 : i32
    "tpu.region"() ({
      %run_scoped3A = tpu.sem_alloc : memref<!tpu.dma_semaphore, #tpu.memory_space<semaphore_mem>>
      %dma_start3A_41 = tpu.memref_slice %arg3[%add3A_13] : memref<327680xi32, #tpu.memory_space<hbm>> -> memref<128xi32, #tpu.memory_space<hbm>>
      %dma_start3A_42 = tpu.memref_slice %arg3[%add3A_13] : memref<327680xi32, #tpu.memory_space<hbm>> -> memref<128xi32, #tpu.memory_space<hbm>>
      tpu.enqueue_dma source(%dma_start3A_42 : memref<128xi32, #tpu.memory_space<hbm>>) target(%arg7 : memref<128xi32, #tpu.memory_space<vmem>>) target_semaphore(%run_scoped3A : memref<!tpu.dma_semaphore, #tpu.memory_space<semaphore_mem>>)
      %dma_wait3A_43 = tpu.memref_slice %arg3[%add3A_13] : memref<327680xi32, #tpu.memory_space<hbm>> -> memref<128xi32, #tpu.memory_space<hbm>>
      %dma_wait3A_44 = tpu.memref_slice %arg3[%add3A_13] : memref<327680xi32, #tpu.memory_space<hbm>> -> memref<128xi32, #tpu.memory_space<hbm>>
      tpu.wait_dma2 semaphore(%run_scoped3A : memref<!tpu.dma_semaphore, #tpu.memory_space<semaphore_mem>>) src(%dma_wait3A_44 : memref<128xi32, #tpu.memory_space<hbm>>) dst(%arg7 : memref<128xi32, #tpu.memory_space<vmem>>)
      tpu.yield
    }) : () -> ()
    %add3A_14 = arith.constant 128 : i32
    %add3A_15 = arith.addi %mul3A_0, %add3A_14 : i32
    "tpu.region"() ({
      %run_scoped3A = tpu.sem_alloc : memref<!tpu.dma_semaphore, #tpu.memory_space<semaphore_mem>>
      %dma_start3A_41 = tpu.memref_slice %arg4[%add3A_15] : memref<163840xi32, #tpu.memory_space<hbm>> -> memref<128xi32, #tpu.memory_space<hbm>>
      %dma_start3A_42 = tpu.memref_slice %arg4[%add3A_15] : memref<163840xi32, #tpu.memory_space<hbm>> -> memref<128xi32, #tpu.memory_space<hbm>>
      tpu.enqueue_dma source(%dma_start3A_42 : memref<128xi32, #tpu.memory_space<hbm>>) target(%arg9 : memref<128xi32, #tpu.memory_space<vmem>>) target_semaphore(%run_scoped3A : memref<!tpu.dma_semaphore, #tpu.memory_space<semaphore_mem>>)
      %dma_wait3A_43 = tpu.memref_slice %arg4[%add3A_15] : memref<163840xi32, #tpu.memory_space<hbm>> -> memref<128xi32, #tpu.memory_space<hbm>>
      %dma_wait3A_44 = tpu.memref_slice %arg4[%add3A_15] : memref<163840xi32, #tpu.memory_space<hbm>> -> memref<128xi32, #tpu.memory_space<hbm>>
      tpu.wait_dma2 semaphore(%run_scoped3A : memref<!tpu.dma_semaphore, #tpu.memory_space<semaphore_mem>>) src(%dma_wait3A_44 : memref<128xi32, #tpu.memory_space<hbm>>) dst(%arg9 : memref<128xi32, #tpu.memory_space<vmem>>)
      tpu.yield
    }) : () -> ()
    %dma_start3A_16 = arith.constant 0 : i32
    %dma_start3A_17 = arith.constant 0 : i32
    %dma_start3A_18 = tpu.memref_slice %arg2[%dma_start3A_16, %dma_start3A_17] : memref<20480x128xf32, #tpu.memory_space<hbm>> -> memref<20480x128xf32, #tpu.memory_space<hbm>>
    tpu.enqueue_indirect_dma source(%dma_start3A_18 : memref<20480x128xf32, #tpu.memory_space<hbm>>) target(%arg11 : memref<128x128xf32, #tpu.memory_space<vmem>>) offsets(%arg7 : memref<128xi32, #tpu.memory_space<vmem>>) semaphore(%arg13 : memref<!tpu.dma_semaphore, #tpu.memory_space<semaphore_mem>>)
    %mul3A_19 = arith.constant 10240 : i32
    %mul3A_20 = arith.muli %arg0, %mul3A_19 : i32
    %mul3A_21 = arith.constant 640 : i32
    %mul3A_22 = arith.muli %arg1, %mul3A_21 : i32
    %add3A_23 = arith.addi %mul3A_20, %mul3A_22 : i32
    %mul3A_24 = arith.constant 640 : i32
    %mul3A_25 = arith.muli %arg1, %mul3A_24 : i32
    "tpu.region"() ({
      %run_scoped3A = tpu.sem_alloc : memref<!tpu.dma_semaphore, #tpu.memory_space<semaphore_mem>>
      %dma_start3A_41 = arith.constant 0 : i32
      %dma_start3A_42 = tpu.memref_slice %arg14[%mul3A_25, %dma_start3A_41] : memref<10240x128xf32, #tpu.memory_space<vmem_shared>> -> memref<640x128xf32, #tpu.memory_space<vmem_shared>>
      %dma_start3A_43 = arith.constant 0 : i32
      %dma_start3A_44 = tpu.memref_slice %arg2[%add3A_23, %dma_start3A_43] : memref<20480x128xf32, #tpu.memory_space<hbm>> -> memref<640x128xf32, #tpu.memory_space<hbm>>
      tpu.enqueue_dma source(%dma_start3A_44 : memref<640x128xf32, #tpu.memory_space<hbm>>) target(%dma_start3A_42 : memref<640x128xf32, #tpu.memory_space<vmem_shared>>) target_semaphore(%run_scoped3A : memref<!tpu.dma_semaphore, #tpu.memory_space<semaphore_mem>>)
      %dma_wait3A_45 = arith.constant 0 : i32
      %dma_wait3A_46 = tpu.memref_slice %arg14[%mul3A_25, %dma_wait3A_45] : memref<10240x128xf32, #tpu.memory_space<vmem_shared>> -> memref<640x128xf32, #tpu.memory_space<vmem_shared>>
      %dma_wait3A_47 = arith.constant 0 : i32
      %dma_wait3A_48 = tpu.memref_slice %arg2[%add3A_23, %dma_wait3A_47] : memref<20480x128xf32, #tpu.memory_space<hbm>> -> memref<640x128xf32, #tpu.memory_space<hbm>>
      tpu.wait_dma2 semaphore(%run_scoped3A : memref<!tpu.dma_semaphore, #tpu.memory_space<semaphore_mem>>) src(%dma_wait3A_48 : memref<640x128xf32, #tpu.memory_space<hbm>>) dst(%dma_wait3A_46 : memref<640x128xf32, #tpu.memory_space<vmem_shared>>)
      tpu.yield
    }) : () -> ()
    %barrier3A = arith.constant 0 : index
    tpu.barrier barrier_id(%barrier3A)
    %scan3A = arith.constant 0 : i32
    %scan3A_26 = arith.constant 0 : i32
    %scan3A_27 = arith.constant 39 : i32
    %scan3A_28 = arith.addi %scan3A_26, %scan3A_27 : i32
    %scan3A_29 = arith.constant 1 : i32
    scf.for %scan3A_41 = %scan3A_26 to %scan3A_28 step %scan3A_29  : i32 {
      %dma_wait3A_42 = arith.constant 0 : i32
      %dma_wait3A_43 = arith.constant 0 : i32
      %dma_wait3A_44 = tpu.memref_slice %arg2[%dma_wait3A_42, %dma_wait3A_43] : memref<20480x128xf32, #tpu.memory_space<hbm>> -> memref<20480x128xf32, #tpu.memory_space<hbm>>
      tpu.wait_indirect_dma semaphore(%arg12 : memref<!tpu.dma_semaphore, #tpu.memory_space<semaphore_mem>>) src(%dma_wait3A_44 : memref<20480x128xf32, #tpu.memory_space<hbm>>) dst(%arg10 : memref<128x128xf32, #tpu.memory_space<vmem>>)
      "tpu.region"() ({
        %run_scoped3A = tpu.sem_alloc : memref<!tpu.dma_semaphore, #tpu.memory_space<semaphore_mem>>
        %dma_start3A_84 = arith.constant 0 : i32
        %dma_start3A_85 = arith.constant 0 : i32
        %dma_start3A_86 = tpu.memref_slice %arg14[%dma_start3A_84, %dma_start3A_85] : memref<10240x128xf32, #tpu.memory_space<vmem_shared>> -> memref<10240x128xf32, #tpu.memory_space<vmem_shared>>
        tpu.enqueue_indirect_dma source(%arg10 : memref<128x128xf32, #tpu.memory_space<vmem>>) target(%dma_start3A_86 : memref<10240x128xf32, #tpu.memory_space<vmem_shared>>) offsets(%arg8 : memref<128xi32, #tpu.memory_space<vmem>>) semaphore(%run_scoped3A : memref<!tpu.dma_semaphore, #tpu.memory_space<semaphore_mem>>) {add = true}
        %dma_wait3A_87 = arith.constant 0 : i32
        %dma_wait3A_88 = arith.constant 0 : i32
        %dma_wait3A_89 = tpu.memref_slice %arg14[%dma_wait3A_87, %dma_wait3A_88] : memref<10240x128xf32, #tpu.memory_space<vmem_shared>> -> memref<10240x128xf32, #tpu.memory_space<vmem_shared>>
        tpu.wait_indirect_dma semaphore(%run_scoped3A : memref<!tpu.dma_semaphore, #tpu.memory_space<semaphore_mem>>) src(%arg10 : memref<128x128xf32, #tpu.memory_space<vmem>>) dst(%dma_wait3A_89 : memref<10240x128xf32, #tpu.memory_space<vmem_shared>>)
        tpu.yield
      }) : () -> ()
      %mul3A_45 = arith.constant 2 : i32
      %mul3A_46 = arith.muli %scan3A_41, %mul3A_45 : i32
      %add3A_47 = arith.constant 0 : i32
      %add3A_48 = arith.addi %mul3A_46, %add3A_47 : i32
      %add3A_49 = arith.constant 2 : i32
      %add3A_50 = arith.addi %add3A_48, %add3A_49 : i32
      %mul3A_51 = arith.constant 163840 : i32
      %mul3A_52 = arith.muli %arg0, %mul3A_51 : i32
      %add3A_53 = arith.addi %mul3A_52, %mul3A_0 : i32
      %mul3A_54 = arith.constant 128 : i32
      %mul3A_55 = arith.muli %add3A_50, %mul3A_54 : i32
      %add3A_56 = arith.addi %add3A_53, %mul3A_55 : i32
      "tpu.region"() ({
        %run_scoped3A = tpu.sem_alloc : memref<!tpu.dma_semaphore, #tpu.memory_space<semaphore_mem>>
        %dma_start3A_84 = tpu.memref_slice %arg3[%add3A_56] : memref<327680xi32, #tpu.memory_space<hbm>> -> memref<128xi32, #tpu.memory_space<hbm>>
        %dma_start3A_85 = tpu.memref_slice %arg3[%add3A_56] : memref<327680xi32, #tpu.memory_space<hbm>> -> memref<128xi32, #tpu.memory_space<hbm>>
        tpu.enqueue_dma source(%dma_start3A_85 : memref<128xi32, #tpu.memory_space<hbm>>) target(%arg6 : memref<128xi32, #tpu.memory_space<vmem>>) target_semaphore(%run_scoped3A : memref<!tpu.dma_semaphore, #tpu.memory_space<semaphore_mem>>)
        %dma_wait3A_86 = tpu.memref_slice %arg3[%add3A_56] : memref<327680xi32, #tpu.memory_space<hbm>> -> memref<128xi32, #tpu.memory_space<hbm>>
        %dma_wait3A_87 = tpu.memref_slice %arg3[%add3A_56] : memref<327680xi32, #tpu.memory_space<hbm>> -> memref<128xi32, #tpu.memory_space<hbm>>
        tpu.wait_dma2 semaphore(%run_scoped3A : memref<!tpu.dma_semaphore, #tpu.memory_space<semaphore_mem>>) src(%dma_wait3A_87 : memref<128xi32, #tpu.memory_space<hbm>>) dst(%arg6 : memref<128xi32, #tpu.memory_space<vmem>>)
        tpu.yield
      }) : () -> ()
      %mul3A_57 = arith.constant 128 : i32
      %mul3A_58 = arith.muli %add3A_50, %mul3A_57 : i32
      %add3A_59 = arith.addi %mul3A_0, %mul3A_58 : i32
      "tpu.region"() ({
        %run_scoped3A = tpu.sem_alloc : memref<!tpu.dma_semaphore, #tpu.memory_space<semaphore_mem>>
        %dma_start3A_84 = tpu.memref_slice %arg4[%add3A_59] : memref<163840xi32, #tpu.memory_space<hbm>> -> memref<128xi32, #tpu.memory_space<hbm>>
        %dma_start3A_85 = tpu.memref_slice %arg4[%add3A_59] : memref<163840xi32, #tpu.memory_space<hbm>> -> memref<128xi32, #tpu.memory_space<hbm>>
        tpu.enqueue_dma source(%dma_start3A_85 : memref<128xi32, #tpu.memory_space<hbm>>) target(%arg8 : memref<128xi32, #tpu.memory_space<vmem>>) target_semaphore(%run_scoped3A : memref<!tpu.dma_semaphore, #tpu.memory_space<semaphore_mem>>)
        %dma_wait3A_86 = tpu.memref_slice %arg4[%add3A_59] : memref<163840xi32, #tpu.memory_space<hbm>> -> memref<128xi32, #tpu.memory_space<hbm>>
        %dma_wait3A_87 = tpu.memref_slice %arg4[%add3A_59] : memref<163840xi32, #tpu.memory_space<hbm>> -> memref<128xi32, #tpu.memory_space<hbm>>
        tpu.wait_dma2 semaphore(%run_scoped3A : memref<!tpu.dma_semaphore, #tpu.memory_space<semaphore_mem>>) src(%dma_wait3A_87 : memref<128xi32, #tpu.memory_space<hbm>>) dst(%arg8 : memref<128xi32, #tpu.memory_space<vmem>>)
        tpu.yield
      }) : () -> ()
      %dma_start3A_60 = arith.constant 0 : i32
      %dma_start3A_61 = arith.constant 0 : i32
      %dma_start3A_62 = tpu.memref_slice %arg2[%dma_start3A_60, %dma_start3A_61] : memref<20480x128xf32, #tpu.memory_space<hbm>> -> memref<20480x128xf32, #tpu.memory_space<hbm>>
      tpu.enqueue_indirect_dma source(%dma_start3A_62 : memref<20480x128xf32, #tpu.memory_space<hbm>>) target(%arg10 : memref<128x128xf32, #tpu.memory_space<vmem>>) offsets(%arg6 : memref<128xi32, #tpu.memory_space<vmem>>) semaphore(%arg12 : memref<!tpu.dma_semaphore, #tpu.memory_space<semaphore_mem>>)
      %dma_wait3A_63 = arith.constant 0 : i32
      %dma_wait3A_64 = arith.constant 0 : i32
      %dma_wait3A_65 = tpu.memref_slice %arg2[%dma_wait3A_63, %dma_wait3A_64] : memref<20480x128xf32, #tpu.memory_space<hbm>> -> memref<20480x128xf32, #tpu.memory_space<hbm>>
      tpu.wait_indirect_dma semaphore(%arg13 : memref<!tpu.dma_semaphore, #tpu.memory_space<semaphore_mem>>) src(%dma_wait3A_65 : memref<20480x128xf32, #tpu.memory_space<hbm>>) dst(%arg11 : memref<128x128xf32, #tpu.memory_space<vmem>>)
      "tpu.region"() ({
        %run_scoped3A = tpu.sem_alloc : memref<!tpu.dma_semaphore, #tpu.memory_space<semaphore_mem>>
        %dma_start3A_84 = arith.constant 0 : i32
        %dma_start3A_85 = arith.constant 0 : i32
        %dma_start3A_86 = tpu.memref_slice %arg14[%dma_start3A_84, %dma_start3A_85] : memref<10240x128xf32, #tpu.memory_space<vmem_shared>> -> memref<10240x128xf32, #tpu.memory_space<vmem_shared>>
        tpu.enqueue_indirect_dma source(%arg11 : memref<128x128xf32, #tpu.memory_space<vmem>>) target(%dma_start3A_86 : memref<10240x128xf32, #tpu.memory_space<vmem_shared>>) offsets(%arg9 : memref<128xi32, #tpu.memory_space<vmem>>) semaphore(%run_scoped3A : memref<!tpu.dma_semaphore, #tpu.memory_space<semaphore_mem>>) {add = true}
        %dma_wait3A_87 = arith.constant 0 : i32
        %dma_wait3A_88 = arith.constant 0 : i32
        %dma_wait3A_89 = tpu.memref_slice %arg14[%dma_wait3A_87, %dma_wait3A_88] : memref<10240x128xf32, #tpu.memory_space<vmem_shared>> -> memref<10240x128xf32, #tpu.memory_space<vmem_shared>>
        tpu.wait_indirect_dma semaphore(%run_scoped3A : memref<!tpu.dma_semaphore, #tpu.memory_space<semaphore_mem>>) src(%arg11 : memref<128x128xf32, #tpu.memory_space<vmem>>) dst(%dma_wait3A_89 : memref<10240x128xf32, #tpu.memory_space<vmem_shared>>)
        tpu.yield
      }) : () -> ()
      %mul3A_66 = arith.constant 2 : i32
      %mul3A_67 = arith.muli %scan3A_41, %mul3A_66 : i32
      %add3A_68 = arith.constant 1 : i32
      %add3A_69 = arith.addi %mul3A_67, %add3A_68 : i32
      %add3A_70 = arith.constant 2 : i32
      %add3A_71 = arith.addi %add3A_69, %add3A_70 : i32
      %mul3A_72 = arith.constant 163840 : i32
      %mul3A_73 = arith.muli %arg0, %mul3A_72 : i32
      %add3A_74 = arith.addi %mul3A_73, %mul3A_0 : i32
      %mul3A_75 = arith.constant 128 : i32
      %mul3A_76 = arith.muli %add3A_71, %mul3A_75 : i32
      %add3A_77 = arith.addi %add3A_74, %mul3A_76 : i32
      "tpu.region"() ({
        %run_scoped3A = tpu.sem_alloc : memref<!tpu.dma_semaphore, #tpu.memory_space<semaphore_mem>>
        %dma_start3A_84 = tpu.memref_slice %arg3[%add3A_77] : memref<327680xi32, #tpu.memory_space<hbm>> -> memref<128xi32, #tpu.memory_space<hbm>>
        %dma_start3A_85 = tpu.memref_slice %arg3[%add3A_77] : memref<327680xi32, #tpu.memory_space<hbm>> -> memref<128xi32, #tpu.memory_space<hbm>>
        tpu.enqueue_dma source(%dma_start3A_85 : memref<128xi32, #tpu.memory_space<hbm>>) target(%arg7 : memref<128xi32, #tpu.memory_space<vmem>>) target_semaphore(%run_scoped3A : memref<!tpu.dma_semaphore, #tpu.memory_space<semaphore_mem>>)
        %dma_wait3A_86 = tpu.memref_slice %arg3[%add3A_77] : memref<327680xi32, #tpu.memory_space<hbm>> -> memref<128xi32, #tpu.memory_space<hbm>>
        %dma_wait3A_87 = tpu.memref_slice %arg3[%add3A_77] : memref<327680xi32, #tpu.memory_space<hbm>> -> memref<128xi32, #tpu.memory_space<hbm>>
        tpu.wait_dma2 semaphore(%run_scoped3A : memref<!tpu.dma_semaphore, #tpu.memory_space<semaphore_mem>>) src(%dma_wait3A_87 : memref<128xi32, #tpu.memory_space<hbm>>) dst(%arg7 : memref<128xi32, #tpu.memory_space<vmem>>)
        tpu.yield
      }) : () -> ()
      %mul3A_78 = arith.constant 128 : i32
      %mul3A_79 = arith.muli %add3A_71, %mul3A_78 : i32
      %add3A_80 = arith.addi %mul3A_0, %mul3A_79 : i32
      "tpu.region"() ({
        %run_scoped3A = tpu.sem_alloc : memref<!tpu.dma_semaphore, #tpu.memory_space<semaphore_mem>>
        %dma_start3A_84 = tpu.memref_slice %arg4[%add3A_80] : memref<163840xi32, #tpu.memory_space<hbm>> -> memref<128xi32, #tpu.memory_space<hbm>>
        %dma_start3A_85 = tpu.memref_slice %arg4[%add3A_80] : memref<163840xi32, #tpu.memory_space<hbm>> -> memref<128xi32, #tpu.memory_space<hbm>>
        tpu.enqueue_dma source(%dma_start3A_85 : memref<128xi32, #tpu.memory_space<hbm>>) target(%arg9 : memref<128xi32, #tpu.memory_space<vmem>>) target_semaphore(%run_scoped3A : memref<!tpu.dma_semaphore, #tpu.memory_space<semaphore_mem>>)
        %dma_wait3A_86 = tpu.memref_slice %arg4[%add3A_80] : memref<163840xi32, #tpu.memory_space<hbm>> -> memref<128xi32, #tpu.memory_space<hbm>>
        %dma_wait3A_87 = tpu.memref_slice %arg4[%add3A_80] : memref<163840xi32, #tpu.memory_space<hbm>> -> memref<128xi32, #tpu.memory_space<hbm>>
        tpu.wait_dma2 semaphore(%run_scoped3A : memref<!tpu.dma_semaphore, #tpu.memory_space<semaphore_mem>>) src(%dma_wait3A_87 : memref<128xi32, #tpu.memory_space<hbm>>) dst(%arg9 : memref<128xi32, #tpu.memory_space<vmem>>)
        tpu.yield
      }) : () -> ()
      %dma_start3A_81 = arith.constant 0 : i32
      %dma_start3A_82 = arith.constant 0 : i32
      %dma_start3A_83 = tpu.memref_slice %arg2[%dma_start3A_81, %dma_start3A_82] : memref<20480x128xf32, #tpu.memory_space<hbm>> -> memref<20480x128xf32, #tpu.memory_space<hbm>>
      tpu.enqueue_indirect_dma source(%dma_start3A_83 : memref<20480x128xf32, #tpu.memory_space<hbm>>) target(%arg11 : memref<128x128xf32, #tpu.memory_space<vmem>>) offsets(%arg7 : memref<128xi32, #tpu.memory_space<vmem>>) semaphore(%arg13 : memref<!tpu.dma_semaphore, #tpu.memory_space<semaphore_mem>>)
    }
    %scan3A_30 = arith.constant 39 : i32
    %dma_wait3A = arith.constant 0 : i32
    %dma_wait3A_31 = arith.constant 0 : i32
    %dma_wait3A_32 = tpu.memref_slice %arg2[%dma_wait3A, %dma_wait3A_31] : memref<20480x128xf32, #tpu.memory_space<hbm>> -> memref<20480x128xf32, #tpu.memory_space<hbm>>
    tpu.wait_indirect_dma semaphore(%arg12 : memref<!tpu.dma_semaphore, #tpu.memory_space<semaphore_mem>>) src(%dma_wait3A_32 : memref<20480x128xf32, #tpu.memory_space<hbm>>) dst(%arg10 : memref<128x128xf32, #tpu.memory_space<vmem>>)
    "tpu.region"() ({
      %run_scoped3A = tpu.sem_alloc : memref<!tpu.dma_semaphore, #tpu.memory_space<semaphore_mem>>
      %dma_start3A_41 = arith.constant 0 : i32
      %dma_start3A_42 = arith.constant 0 : i32
      %dma_start3A_43 = tpu.memref_slice %arg14[%dma_start3A_41, %dma_start3A_42] : memref<10240x128xf32, #tpu.memory_space<vmem_shared>> -> memref<10240x128xf32, #tpu.memory_space<vmem_shared>>
      tpu.enqueue_indirect_dma source(%arg10 : memref<128x128xf32, #tpu.memory_space<vmem>>) target(%dma_start3A_43 : memref<10240x128xf32, #tpu.memory_space<vmem_shared>>) offsets(%arg8 : memref<128xi32, #tpu.memory_space<vmem>>) semaphore(%run_scoped3A : memref<!tpu.dma_semaphore, #tpu.memory_space<semaphore_mem>>) {add = true}
      %dma_wait3A_44 = arith.constant 0 : i32
      %dma_wait3A_45 = arith.constant 0 : i32
      %dma_wait3A_46 = tpu.memref_slice %arg14[%dma_wait3A_44, %dma_wait3A_45] : memref<10240x128xf32, #tpu.memory_space<vmem_shared>> -> memref<10240x128xf32, #tpu.memory_space<vmem_shared>>
      tpu.wait_indirect_dma semaphore(%run_scoped3A : memref<!tpu.dma_semaphore, #tpu.memory_space<semaphore_mem>>) src(%arg10 : memref<128x128xf32, #tpu.memory_space<vmem>>) dst(%dma_wait3A_46 : memref<10240x128xf32, #tpu.memory_space<vmem_shared>>)
      tpu.yield
    }) : () -> ()
    %dma_wait3A_33 = arith.constant 0 : i32
    %dma_wait3A_34 = arith.constant 0 : i32
    %dma_wait3A_35 = tpu.memref_slice %arg2[%dma_wait3A_33, %dma_wait3A_34] : memref<20480x128xf32, #tpu.memory_space<hbm>> -> memref<20480x128xf32, #tpu.memory_space<hbm>>
    tpu.wait_indirect_dma semaphore(%arg13 : memref<!tpu.dma_semaphore, #tpu.memory_space<semaphore_mem>>) src(%dma_wait3A_35 : memref<20480x128xf32, #tpu.memory_space<hbm>>) dst(%arg11 : memref<128x128xf32, #tpu.memory_space<vmem>>)
    "tpu.region"() ({
      %run_scoped3A = tpu.sem_alloc : memref<!tpu.dma_semaphore, #tpu.memory_space<semaphore_mem>>
      %dma_start3A_41 = arith.constant 0 : i32
      %dma_start3A_42 = arith.constant 0 : i32
      %dma_start3A_43 = tpu.memref_slice %arg14[%dma_start3A_41, %dma_start3A_42] : memref<10240x128xf32, #tpu.memory_space<vmem_shared>> -> memref<10240x128xf32, #tpu.memory_space<vmem_shared>>
      tpu.enqueue_indirect_dma source(%arg11 : memref<128x128xf32, #tpu.memory_space<vmem>>) target(%dma_start3A_43 : memref<10240x128xf32, #tpu.memory_space<vmem_shared>>) offsets(%arg9 : memref<128xi32, #tpu.memory_space<vmem>>) semaphore(%run_scoped3A : memref<!tpu.dma_semaphore, #tpu.memory_space<semaphore_mem>>) {add = true}
      %dma_wait3A_44 = arith.constant 0 : i32
      %dma_wait3A_45 = arith.constant 0 : i32
      %dma_wait3A_46 = tpu.memref_slice %arg14[%dma_wait3A_44, %dma_wait3A_45] : memref<10240x128xf32, #tpu.memory_space<vmem_shared>> -> memref<10240x128xf32, #tpu.memory_space<vmem_shared>>
      tpu.wait_indirect_dma semaphore(%run_scoped3A : memref<!tpu.dma_semaphore, #tpu.memory_space<semaphore_mem>>) src(%arg11 : memref<128x128xf32, #tpu.memory_space<vmem>>) dst(%dma_wait3A_46 : memref<10240x128xf32, #tpu.memory_space<vmem_shared>>)
      tpu.yield
    }) : () -> ()
    %barrier3A_36 = arith.constant 0 : index
    tpu.barrier barrier_id(%barrier3A_36)
    %mul3A_37 = arith.constant 640 : i32
    %mul3A_38 = arith.muli %arg1, %mul3A_37 : i32
    %mul3A_39 = arith.constant 640 : i32
    %mul3A_40 = arith.muli %arg1, %mul3A_39 : i32
    "tpu.region"() ({
      %run_scoped3A = tpu.sem_alloc : memref<!tpu.dma_semaphore, #tpu.memory_space<semaphore_mem>>
      %dma_start3A_41 = arith.constant 0 : i32
      %dma_start3A_42 = tpu.memref_slice %arg5[%arg0, %mul3A_40, %dma_start3A_41] : memref<2x10240x128xf32, #tpu.memory_space<hbm>> -> memref<1x640x128xf32, #tpu.memory_space<hbm>>
      %dma_start3A_43 = tpu.memref_squeeze %dma_start3A_42 : memref<1x640x128xf32, #tpu.memory_space<hbm>> -> memref<640x128xf32, #tpu.memory_space<hbm>>
      %dma_start3A_44 = arith.constant 0 : i32
      %dma_start3A_45 = tpu.memref_slice %arg14[%mul3A_38, %dma_start3A_44] : memref<10240x128xf32, #tpu.memory_space<vmem_shared>> -> memref<640x128xf32, #tpu.memory_space<vmem_shared>>
      tpu.enqueue_dma source(%dma_start3A_45 : memref<640x128xf32, #tpu.memory_space<vmem_shared>>) target(%dma_start3A_43 : memref<640x128xf32, #tpu.memory_space<hbm>>) target_semaphore(%run_scoped3A : memref<!tpu.dma_semaphore, #tpu.memory_space<semaphore_mem>>)
      %dma_wait3A_46 = arith.constant 0 : i32
      %dma_wait3A_47 = tpu.memref_slice %arg5[%arg0, %mul3A_40, %dma_wait3A_46] : memref<2x10240x128xf32, #tpu.memory_space<hbm>> -> memref<1x640x128xf32, #tpu.memory_space<hbm>>
      %dma_wait3A_48 = tpu.memref_squeeze %dma_wait3A_47 : memref<1x640x128xf32, #tpu.memory_space<hbm>> -> memref<640x128xf32, #tpu.memory_space<hbm>>
      %dma_wait3A_49 = arith.constant 0 : i32
      %dma_wait3A_50 = tpu.memref_slice %arg14[%mul3A_38, %dma_wait3A_49] : memref<10240x128xf32, #tpu.memory_space<vmem_shared>> -> memref<640x128xf32, #tpu.memory_space<vmem_shared>>
      tpu.wait_dma2 semaphore(%run_scoped3A : memref<!tpu.dma_semaphore, #tpu.memory_space<semaphore_mem>>) src(%dma_wait3A_50 : memref<640x128xf32, #tpu.memory_space<vmem_shared>>) dst(%dma_wait3A_48 : memref<640x128xf32, #tpu.memory_space<hbm>>)
      tpu.yield
    }) : () -> ()
    return
  }
}

#map = affine_map<(d0, d1) -> (0, 0)>
#map1 = affine_map<(d0, d1) -> (0)>
#map2 = affine_map<(d0, d1) -> (0, 0, 0)>
module attributes {stable_mosaic.version = 14 : i64} {
  func.func @_scatter_kernel(%arg0: i32, %arg1: i32, %arg2: memref<20480x128xf32, #tpu.memory_space<hbm>>, %arg3: memref<327680xi32, #tpu.memory_space<hbm>>, %arg4: memref<163840xi32, #tpu.memory_space<hbm>>, %arg5: memref<2x10240x128xf32, #tpu.memory_space<hbm>>, %arg6: memref<128xi32, #tpu.memory_space<vmem>>, %arg7: memref<128xi32, #tpu.memory_space<vmem>>, %arg8: memref<128xi32, #tpu.memory_space<vmem>>, %arg9: memref<128xi32, #tpu.memory_space<vmem>>, %arg10: memref<128x128xf32, #tpu.memory_space<vmem>>, %arg11: memref<128x128xf32, #tpu.memory_space<vmem>>, %arg12: memref<!tpu.dma_semaphore, #tpu.memory_space<semaphore_mem>>, %arg13: memref<!tpu.dma_semaphore, #tpu.memory_space<semaphore_mem>>, %arg14: memref<10240x128xf32, #tpu.memory_space<vmem_shared>>) attributes {dimension_semantics = [#tpu.dimension_semantics<core_parallel>, #tpu.dimension_semantics<subcore_parallel>], iteration_bounds = array<i64: 2, 16>, scalar_prefetch = 0 : i64, scratch_operands = 9 : i64, tpu.core_type = #tpu.core_type<sc_vector_subcore>, window_params = [{transform_indices = #map}, {transform_indices = #map1}, {transform_indices = #map1}, {transform_indices = #map2}]} {
    %mul3A = arith.constant 10240 : i32
    %mul3A_0 = arith.muli %arg1, %mul3A : i32
    %mul3A_1 = arith.constant 163840 : i32
    %mul3A_2 = arith.muli %arg0, %mul3A_1 : i32
    %add3A = arith.addi %mul3A_2, %mul3A_0 : i32
    %add3A_3 = arith.constant 0 : i32
    %add3A_4 = arith.addi %add3A, %add3A_3 : i32
    "tpu.region"() ({
      %run_scoped3A = tpu.sem_alloc : memref<!tpu.dma_semaphore, #tpu.memory_space<semaphore_mem>>
      %dma_start3A_41 = tpu.memref_slice %arg3[%add3A_4] : memref<327680xi32, #tpu.memory_space<hbm>> -> memref<128xi32, #tpu.memory_space<hbm>>
      %dma_start3A_42 = tpu.memref_slice %arg3[%add3A_4] : memref<327680xi32, #tpu.memory_space<hbm>> -> memref<128xi32, #tpu.memory_space<hbm>>
      tpu.enqueue_dma source(%dma_start3A_42 : memref<128xi32, #tpu.memory_space<hbm>>) target(%arg6 : memref<128xi32, #tpu.memory_space<vmem>>) target_semaphore(%run_scoped3A : memref<!tpu.dma_semaphore, #tpu.memory_space<semaphore_mem>>)
      %dma_wait3A_43 = tpu.memref_slice %arg3[%add3A_4] : memref<327680xi32, #tpu.memory_space<hbm>> -> memref<128xi32, #tpu.memory_space<hbm>>
      %dma_wait3A_44 = tpu.memref_slice %arg3[%add3A_4] : memref<327680xi32, #tpu.memory_space<hbm>> -> memref<128xi32, #tpu.memory_space<hbm>>
      tpu.wait_dma2 semaphore(%run_scoped3A : memref<!tpu.dma_semaphore, #tpu.memory_space<semaphore_mem>>) src(%dma_wait3A_44 : memref<128xi32, #tpu.memory_space<hbm>>) dst(%arg6 : memref<128xi32, #tpu.memory_space<vmem>>)
      tpu.yield
    }) : () -> ()
    %add3A_5 = arith.constant 0 : i32
    %add3A_6 = arith.addi %mul3A_0, %add3A_5 : i32
    "tpu.region"() ({
      %run_scoped3A = tpu.sem_alloc : memref<!tpu.dma_semaphore, #tpu.memory_space<semaphore_mem>>
      %dma_start3A_41 = tpu.memref_slice %arg4[%add3A_6] : memref<163840xi32, #tpu.memory_space<hbm>> -> memref<128xi32, #tpu.memory_space<hbm>>
      %dma_start3A_42 = tpu.memref_slice %arg4[%add3A_6] : memref<163840xi32, #tpu.memory_space<hbm>> -> memref<128xi32, #tpu.memory_space<hbm>>
      tpu.enqueue_dma source(%dma_start3A_42 : memref<128xi32, #tpu.memory_space<hbm>>) target(%arg8 : memref<128xi32, #tpu.memory_space<vmem>>) target_semaphore(%run_scoped3A : memref<!tpu.dma_semaphore, #tpu.memory_space<semaphore_mem>>)
      %dma_wait3A_43 = tpu.memref_slice %arg4[%add3A_6] : memref<163840xi32, #tpu.memory_space<hbm>> -> memref<128xi32, #tpu.memory_space<hbm>>
      %dma_wait3A_44 = tpu.memref_slice %arg4[%add3A_6] : memref<163840xi32, #tpu.memory_space<hbm>> -> memref<128xi32, #tpu.memory_space<hbm>>
      tpu.wait_dma2 semaphore(%run_scoped3A : memref<!tpu.dma_semaphore, #tpu.memory_space<semaphore_mem>>) src(%dma_wait3A_44 : memref<128xi32, #tpu.memory_space<hbm>>) dst(%arg8 : memref<128xi32, #tpu.memory_space<vmem>>)
      tpu.yield
    }) : () -> ()
    %dma_start3A = arith.constant 0 : i32
    %dma_start3A_7 = arith.constant 0 : i32
    %dma_start3A_8 = tpu.memref_slice %arg2[%dma_start3A, %dma_start3A_7] : memref<20480x128xf32, #tpu.memory_space<hbm>> -> memref<20480x128xf32, #tpu.memory_space<hbm>>
    tpu.enqueue_indirect_dma source(%dma_start3A_8 : memref<20480x128xf32, #tpu.memory_space<hbm>>) target(%arg10 : memref<128x128xf32, #tpu.memory_space<vmem>>) offsets(%arg6 : memref<128xi32, #tpu.memory_space<vmem>>) semaphore(%arg12 : memref<!tpu.dma_semaphore, #tpu.memory_space<semaphore_mem>>)
    %mul3A_9 = arith.constant 163840 : i32
    %mul3A_10 = arith.muli %arg0, %mul3A_9 : i32
    %add3A_11 = arith.addi %mul3A_10, %mul3A_0 : i32
    %add3A_12 = arith.constant 128 : i32
    %add3A_13 = arith.addi %add3A_11, %add3A_12 : i32
    "tpu.region"() ({
      %run_scoped3A = tpu.sem_alloc : memref<!tpu.dma_semaphore, #tpu.memory_space<semaphore_mem>>
      %dma_start3A_41 = tpu.memref_slice %arg3[%add3A_13] : memref<327680xi32, #tpu.memory_space<hbm>> -> memref<128xi32, #tpu.memory_space<hbm>>
      %dma_start3A_42 = tpu.memref_slice %arg3[%add3A_13] : memref<327680xi32, #tpu.memory_space<hbm>> -> memref<128xi32, #tpu.memory_space<hbm>>
      tpu.enqueue_dma source(%dma_start3A_42 : memref<128xi32, #tpu.memory_space<hbm>>) target(%arg7 : memref<128xi32, #tpu.memory_space<vmem>>) target_semaphore(%run_scoped3A : memref<!tpu.dma_semaphore, #tpu.memory_space<semaphore_mem>>)
      %dma_wait3A_43 = tpu.memref_slice %arg3[%add3A_13] : memref<327680xi32, #tpu.memory_space<hbm>> -> memref<128xi32, #tpu.memory_space<hbm>>
      %dma_wait3A_44 = tpu.memref_slice %arg3[%add3A_13] : memref<327680xi32, #tpu.memory_space<hbm>> -> memref<128xi32, #tpu.memory_space<hbm>>
      tpu.wait_dma2 semaphore(%run_scoped3A : memref<!tpu.dma_semaphore, #tpu.memory_space<semaphore_mem>>) src(%dma_wait3A_44 : memref<128xi32, #tpu.memory_space<hbm>>) dst(%arg7 : memref<128xi32, #tpu.memory_space<vmem>>)
      tpu.yield
    }) : () -> ()
    %add3A_14 = arith.constant 128 : i32
    %add3A_15 = arith.addi %mul3A_0, %add3A_14 : i32
    "tpu.region"() ({
      %run_scoped3A = tpu.sem_alloc : memref<!tpu.dma_semaphore, #tpu.memory_space<semaphore_mem>>
      %dma_start3A_41 = tpu.memref_slice %arg4[%add3A_15] : memref<163840xi32, #tpu.memory_space<hbm>> -> memref<128xi32, #tpu.memory_space<hbm>>
      %dma_start3A_42 = tpu.memref_slice %arg4[%add3A_15] : memref<163840xi32, #tpu.memory_space<hbm>> -> memref<128xi32, #tpu.memory_space<hbm>>
      tpu.enqueue_dma source(%dma_start3A_42 : memref<128xi32, #tpu.memory_space<hbm>>) target(%arg9 : memref<128xi32, #tpu.memory_space<vmem>>) target_semaphore(%run_scoped3A : memref<!tpu.dma_semaphore, #tpu.memory_space<semaphore_mem>>)
      %dma_wait3A_43 = tpu.memref_slice %arg4[%add3A_15] : memref<163840xi32, #tpu.memory_space<hbm>> -> memref<128xi32, #tpu.memory_space<hbm>>
      %dma_wait3A_44 = tpu.memref_slice %arg4[%add3A_15] : memref<163840xi32, #tpu.memory_space<hbm>> -> memref<128xi32, #tpu.memory_space<hbm>>
      tpu.wait_dma2 semaphore(%run_scoped3A : memref<!tpu.dma_semaphore, #tpu.memory_space<semaphore_mem>>) src(%dma_wait3A_44 : memref<128xi32, #tpu.memory_space<hbm>>) dst(%arg9 : memref<128xi32, #tpu.memory_space<vmem>>)
      tpu.yield
    }) : () -> ()
    %dma_start3A_16 = arith.constant 0 : i32
    %dma_start3A_17 = arith.constant 0 : i32
    %dma_start3A_18 = tpu.memref_slice %arg2[%dma_start3A_16, %dma_start3A_17] : memref<20480x128xf32, #tpu.memory_space<hbm>> -> memref<20480x128xf32, #tpu.memory_space<hbm>>
    tpu.enqueue_indirect_dma source(%dma_start3A_18 : memref<20480x128xf32, #tpu.memory_space<hbm>>) target(%arg11 : memref<128x128xf32, #tpu.memory_space<vmem>>) offsets(%arg7 : memref<128xi32, #tpu.memory_space<vmem>>) semaphore(%arg13 : memref<!tpu.dma_semaphore, #tpu.memory_space<semaphore_mem>>)
    %mul3A_19 = arith.constant 10240 : i32
    %mul3A_20 = arith.muli %arg0, %mul3A_19 : i32
    %mul3A_21 = arith.constant 640 : i32
    %mul3A_22 = arith.muli %arg1, %mul3A_21 : i32
    %add3A_23 = arith.addi %mul3A_20, %mul3A_22 : i32
    %mul3A_24 = arith.constant 640 : i32
    %mul3A_25 = arith.muli %arg1, %mul3A_24 : i32
    "tpu.region"() ({
      %run_scoped3A = tpu.sem_alloc : memref<!tpu.dma_semaphore, #tpu.memory_space<semaphore_mem>>
      %dma_start3A_41 = arith.constant 0 : i32
      %dma_start3A_42 = tpu.memref_slice %arg14[%mul3A_25, %dma_start3A_41] : memref<10240x128xf32, #tpu.memory_space<vmem_shared>> -> memref<640x128xf32, #tpu.memory_space<vmem_shared>>
      %dma_start3A_43 = arith.constant 0 : i32
      %dma_start3A_44 = tpu.memref_slice %arg2[%add3A_23, %dma_start3A_43] : memref<20480x128xf32, #tpu.memory_space<hbm>> -> memref<640x128xf32, #tpu.memory_space<hbm>>
      tpu.enqueue_dma source(%dma_start3A_44 : memref<640x128xf32, #tpu.memory_space<hbm>>) target(%dma_start3A_42 : memref<640x128xf32, #tpu.memory_space<vmem_shared>>) target_semaphore(%run_scoped3A : memref<!tpu.dma_semaphore, #tpu.memory_space<semaphore_mem>>)
      %dma_wait3A_45 = arith.constant 0 : i32
      %dma_wait3A_46 = tpu.memref_slice %arg14[%mul3A_25, %dma_wait3A_45] : memref<10240x128xf32, #tpu.memory_space<vmem_shared>> -> memref<640x128xf32, #tpu.memory_space<vmem_shared>>
      %dma_wait3A_47 = arith.constant 0 : i32
      %dma_wait3A_48 = tpu.memref_slice %arg2[%add3A_23, %dma_wait3A_47] : memref<20480x128xf32, #tpu.memory_space<hbm>> -> memref<640x128xf32, #tpu.memory_space<hbm>>
      tpu.wait_dma2 semaphore(%run_scoped3A : memref<!tpu.dma_semaphore, #tpu.memory_space<semaphore_mem>>) src(%dma_wait3A_48 : memref<640x128xf32, #tpu.memory_space<hbm>>) dst(%dma_wait3A_46 : memref<640x128xf32, #tpu.memory_space<vmem_shared>>)
      tpu.yield
    }) : () -> ()
    %barrier3A = arith.constant 0 : index
    tpu.barrier barrier_id(%barrier3A)
    %scan3A = arith.constant 0 : i32
    %scan3A_26 = arith.constant 0 : i32
    %scan3A_27 = arith.constant 39 : i32
    %scan3A_28 = arith.addi %scan3A_26, %scan3A_27 : i32
    %scan3A_29 = arith.constant 1 : i32
    scf.for %scan3A_41 = %scan3A_26 to %scan3A_28 step %scan3A_29  : i32 {
      %dma_wait3A_42 = arith.constant 0 : i32
      %dma_wait3A_43 = arith.constant 0 : i32
      %dma_wait3A_44 = tpu.memref_slice %arg2[%dma_wait3A_42, %dma_wait3A_43] : memref<20480x128xf32, #tpu.memory_space<hbm>> -> memref<20480x128xf32, #tpu.memory_space<hbm>>
      tpu.wait_indirect_dma semaphore(%arg12 : memref<!tpu.dma_semaphore, #tpu.memory_space<semaphore_mem>>) src(%dma_wait3A_44 : memref<20480x128xf32, #tpu.memory_space<hbm>>) dst(%arg10 : memref<128x128xf32, #tpu.memory_space<vmem>>)
      "tpu.region"() ({
        %run_scoped3A = tpu.sem_alloc : memref<!tpu.dma_semaphore, #tpu.memory_space<semaphore_mem>>
        %dma_start3A_84 = arith.constant 0 : i32
        %dma_start3A_85 = arith.constant 0 : i32
        %dma_start3A_86 = tpu.memref_slice %arg14[%dma_start3A_84, %dma_start3A_85] : memref<10240x128xf32, #tpu.memory_space<vmem_shared>> -> memref<10240x128xf32, #tpu.memory_space<vmem_shared>>
        tpu.enqueue_indirect_dma source(%arg10 : memref<128x128xf32, #tpu.memory_space<vmem>>) target(%dma_start3A_86 : memref<10240x128xf32, #tpu.memory_space<vmem_shared>>) offsets(%arg8 : memref<128xi32, #tpu.memory_space<vmem>>) semaphore(%run_scoped3A : memref<!tpu.dma_semaphore, #tpu.memory_space<semaphore_mem>>) {add = true}
        %dma_wait3A_87 = arith.constant 0 : i32
        %dma_wait3A_88 = arith.constant 0 : i32
        %dma_wait3A_89 = tpu.memref_slice %arg14[%dma_wait3A_87, %dma_wait3A_88] : memref<10240x128xf32, #tpu.memory_space<vmem_shared>> -> memref<10240x128xf32, #tpu.memory_space<vmem_shared>>
        tpu.wait_indirect_dma semaphore(%run_scoped3A : memref<!tpu.dma_semaphore, #tpu.memory_space<semaphore_mem>>) src(%arg10 : memref<128x128xf32, #tpu.memory_space<vmem>>) dst(%dma_wait3A_89 : memref<10240x128xf32, #tpu.memory_space<vmem_shared>>)
        tpu.yield
      }) : () -> ()
      %mul3A_45 = arith.constant 2 : i32
      %mul3A_46 = arith.muli %scan3A_41, %mul3A_45 : i32
      %add3A_47 = arith.constant 0 : i32
      %add3A_48 = arith.addi %mul3A_46, %add3A_47 : i32
      %add3A_49 = arith.constant 2 : i32
      %add3A_50 = arith.addi %add3A_48, %add3A_49 : i32
      %mul3A_51 = arith.constant 163840 : i32
      %mul3A_52 = arith.muli %arg0, %mul3A_51 : i32
      %add3A_53 = arith.addi %mul3A_52, %mul3A_0 : i32
      %mul3A_54 = arith.constant 128 : i32
      %mul3A_55 = arith.muli %add3A_50, %mul3A_54 : i32
      %add3A_56 = arith.addi %add3A_53, %mul3A_55 : i32
      "tpu.region"() ({
        %run_scoped3A = tpu.sem_alloc : memref<!tpu.dma_semaphore, #tpu.memory_space<semaphore_mem>>
        %dma_start3A_84 = tpu.memref_slice %arg3[%add3A_56] : memref<327680xi32, #tpu.memory_space<hbm>> -> memref<128xi32, #tpu.memory_space<hbm>>
        %dma_start3A_85 = tpu.memref_slice %arg3[%add3A_56] : memref<327680xi32, #tpu.memory_space<hbm>> -> memref<128xi32, #tpu.memory_space<hbm>>
        tpu.enqueue_dma source(%dma_start3A_85 : memref<128xi32, #tpu.memory_space<hbm>>) target(%arg6 : memref<128xi32, #tpu.memory_space<vmem>>) target_semaphore(%run_scoped3A : memref<!tpu.dma_semaphore, #tpu.memory_space<semaphore_mem>>)
        %dma_wait3A_86 = tpu.memref_slice %arg3[%add3A_56] : memref<327680xi32, #tpu.memory_space<hbm>> -> memref<128xi32, #tpu.memory_space<hbm>>
        %dma_wait3A_87 = tpu.memref_slice %arg3[%add3A_56] : memref<327680xi32, #tpu.memory_space<hbm>> -> memref<128xi32, #tpu.memory_space<hbm>>
        tpu.wait_dma2 semaphore(%run_scoped3A : memref<!tpu.dma_semaphore, #tpu.memory_space<semaphore_mem>>) src(%dma_wait3A_87 : memref<128xi32, #tpu.memory_space<hbm>>) dst(%arg6 : memref<128xi32, #tpu.memory_space<vmem>>)
        tpu.yield
      }) : () -> ()
      %mul3A_57 = arith.constant 128 : i32
      %mul3A_58 = arith.muli %add3A_50, %mul3A_57 : i32
      %add3A_59 = arith.addi %mul3A_0, %mul3A_58 : i32
      "tpu.region"() ({
        %run_scoped3A = tpu.sem_alloc : memref<!tpu.dma_semaphore, #tpu.memory_space<semaphore_mem>>
        %dma_start3A_84 = tpu.memref_slice %arg4[%add3A_59] : memref<163840xi32, #tpu.memory_space<hbm>> -> memref<128xi32, #tpu.memory_space<hbm>>
        %dma_start3A_85 = tpu.memref_slice %arg4[%add3A_59] : memref<163840xi32, #tpu.memory_space<hbm>> -> memref<128xi32, #tpu.memory_space<hbm>>
        tpu.enqueue_dma source(%dma_start3A_85 : memref<128xi32, #tpu.memory_space<hbm>>) target(%arg8 : memref<128xi32, #tpu.memory_space<vmem>>) target_semaphore(%run_scoped3A : memref<!tpu.dma_semaphore, #tpu.memory_space<semaphore_mem>>)
        %dma_wait3A_86 = tpu.memref_slice %arg4[%add3A_59] : memref<163840xi32, #tpu.memory_space<hbm>> -> memref<128xi32, #tpu.memory_space<hbm>>
        %dma_wait3A_87 = tpu.memref_slice %arg4[%add3A_59] : memref<163840xi32, #tpu.memory_space<hbm>> -> memref<128xi32, #tpu.memory_space<hbm>>
        tpu.wait_dma2 semaphore(%run_scoped3A : memref<!tpu.dma_semaphore, #tpu.memory_space<semaphore_mem>>) src(%dma_wait3A_87 : memref<128xi32, #tpu.memory_space<hbm>>) dst(%arg8 : memref<128xi32, #tpu.memory_space<vmem>>)
        tpu.yield
      }) : () -> ()
      %dma_start3A_60 = arith.constant 0 : i32
      %dma_start3A_61 = arith.constant 0 : i32
      %dma_start3A_62 = tpu.memref_slice %arg2[%dma_start3A_60, %dma_start3A_61] : memref<20480x128xf32, #tpu.memory_space<hbm>> -> memref<20480x128xf32, #tpu.memory_space<hbm>>
      tpu.enqueue_indirect_dma source(%dma_start3A_62 : memref<20480x128xf32, #tpu.memory_space<hbm>>) target(%arg10 : memref<128x128xf32, #tpu.memory_space<vmem>>) offsets(%arg6 : memref<128xi32, #tpu.memory_space<vmem>>) semaphore(%arg12 : memref<!tpu.dma_semaphore, #tpu.memory_space<semaphore_mem>>)
      %dma_wait3A_63 = arith.constant 0 : i32
      %dma_wait3A_64 = arith.constant 0 : i32
      %dma_wait3A_65 = tpu.memref_slice %arg2[%dma_wait3A_63, %dma_wait3A_64] : memref<20480x128xf32, #tpu.memory_space<hbm>> -> memref<20480x128xf32, #tpu.memory_space<hbm>>
      tpu.wait_indirect_dma semaphore(%arg13 : memref<!tpu.dma_semaphore, #tpu.memory_space<semaphore_mem>>) src(%dma_wait3A_65 : memref<20480x128xf32, #tpu.memory_space<hbm>>) dst(%arg11 : memref<128x128xf32, #tpu.memory_space<vmem>>)
      "tpu.region"() ({
        %run_scoped3A = tpu.sem_alloc : memref<!tpu.dma_semaphore, #tpu.memory_space<semaphore_mem>>
        %dma_start3A_84 = arith.constant 0 : i32
        %dma_start3A_85 = arith.constant 0 : i32
        %dma_start3A_86 = tpu.memref_slice %arg14[%dma_start3A_84, %dma_start3A_85] : memref<10240x128xf32, #tpu.memory_space<vmem_shared>> -> memref<10240x128xf32, #tpu.memory_space<vmem_shared>>
        tpu.enqueue_indirect_dma source(%arg11 : memref<128x128xf32, #tpu.memory_space<vmem>>) target(%dma_start3A_86 : memref<10240x128xf32, #tpu.memory_space<vmem_shared>>) offsets(%arg9 : memref<128xi32, #tpu.memory_space<vmem>>) semaphore(%run_scoped3A : memref<!tpu.dma_semaphore, #tpu.memory_space<semaphore_mem>>) {add = true}
        %dma_wait3A_87 = arith.constant 0 : i32
        %dma_wait3A_88 = arith.constant 0 : i32
        %dma_wait3A_89 = tpu.memref_slice %arg14[%dma_wait3A_87, %dma_wait3A_88] : memref<10240x128xf32, #tpu.memory_space<vmem_shared>> -> memref<10240x128xf32, #tpu.memory_space<vmem_shared>>
        tpu.wait_indirect_dma semaphore(%run_scoped3A : memref<!tpu.dma_semaphore, #tpu.memory_space<semaphore_mem>>) src(%arg11 : memref<128x128xf32, #tpu.memory_space<vmem>>) dst(%dma_wait3A_89 : memref<10240x128xf32, #tpu.memory_space<vmem_shared>>)
        tpu.yield
      }) : () -> ()
      %mul3A_66 = arith.constant 2 : i32
      %mul3A_67 = arith.muli %scan3A_41, %mul3A_66 : i32
      %add3A_68 = arith.constant 1 : i32
      %add3A_69 = arith.addi %mul3A_67, %add3A_68 : i32
      %add3A_70 = arith.constant 2 : i32
      %add3A_71 = arith.addi %add3A_69, %add3A_70 : i32
      %mul3A_72 = arith.constant 163840 : i32
      %mul3A_73 = arith.muli %arg0, %mul3A_72 : i32
      %add3A_74 = arith.addi %mul3A_73, %mul3A_0 : i32
      %mul3A_75 = arith.constant 128 : i32
      %mul3A_76 = arith.muli %add3A_71, %mul3A_75 : i32
      %add3A_77 = arith.addi %add3A_74, %mul3A_76 : i32
      "tpu.region"() ({
        %run_scoped3A = tpu.sem_alloc : memref<!tpu.dma_semaphore, #tpu.memory_space<semaphore_mem>>
        %dma_start3A_84 = tpu.memref_slice %arg3[%add3A_77] : memref<327680xi32, #tpu.memory_space<hbm>> -> memref<128xi32, #tpu.memory_space<hbm>>
        %dma_start3A_85 = tpu.memref_slice %arg3[%add3A_77] : memref<327680xi32, #tpu.memory_space<hbm>> -> memref<128xi32, #tpu.memory_space<hbm>>
        tpu.enqueue_dma source(%dma_start3A_85 : memref<128xi32, #tpu.memory_space<hbm>>) target(%arg7 : memref<128xi32, #tpu.memory_space<vmem>>) target_semaphore(%run_scoped3A : memref<!tpu.dma_semaphore, #tpu.memory_space<semaphore_mem>>)
        %dma_wait3A_86 = tpu.memref_slice %arg3[%add3A_77] : memref<327680xi32, #tpu.memory_space<hbm>> -> memref<128xi32, #tpu.memory_space<hbm>>
        %dma_wait3A_87 = tpu.memref_slice %arg3[%add3A_77] : memref<327680xi32, #tpu.memory_space<hbm>> -> memref<128xi32, #tpu.memory_space<hbm>>
        tpu.wait_dma2 semaphore(%run_scoped3A : memref<!tpu.dma_semaphore, #tpu.memory_space<semaphore_mem>>) src(%dma_wait3A_87 : memref<128xi32, #tpu.memory_space<hbm>>) dst(%arg7 : memref<128xi32, #tpu.memory_space<vmem>>)
        tpu.yield
      }) : () -> ()
      %mul3A_78 = arith.constant 128 : i32
      %mul3A_79 = arith.muli %add3A_71, %mul3A_78 : i32
      %add3A_80 = arith.addi %mul3A_0, %mul3A_79 : i32
      "tpu.region"() ({
        %run_scoped3A = tpu.sem_alloc : memref<!tpu.dma_semaphore, #tpu.memory_space<semaphore_mem>>
        %dma_start3A_84 = tpu.memref_slice %arg4[%add3A_80] : memref<163840xi32, #tpu.memory_space<hbm>> -> memref<128xi32, #tpu.memory_space<hbm>>
        %dma_start3A_85 = tpu.memref_slice %arg4[%add3A_80] : memref<163840xi32, #tpu.memory_space<hbm>> -> memref<128xi32, #tpu.memory_space<hbm>>
        tpu.enqueue_dma source(%dma_start3A_85 : memref<128xi32, #tpu.memory_space<hbm>>) target(%arg9 : memref<128xi32, #tpu.memory_space<vmem>>) target_semaphore(%run_scoped3A : memref<!tpu.dma_semaphore, #tpu.memory_space<semaphore_mem>>)
        %dma_wait3A_86 = tpu.memref_slice %arg4[%add3A_80] : memref<163840xi32, #tpu.memory_space<hbm>> -> memref<128xi32, #tpu.memory_space<hbm>>
        %dma_wait3A_87 = tpu.memref_slice %arg4[%add3A_80] : memref<163840xi32, #tpu.memory_space<hbm>> -> memref<128xi32, #tpu.memory_space<hbm>>
        tpu.wait_dma2 semaphore(%run_scoped3A : memref<!tpu.dma_semaphore, #tpu.memory_space<semaphore_mem>>) src(%dma_wait3A_87 : memref<128xi32, #tpu.memory_space<hbm>>) dst(%arg9 : memref<128xi32, #tpu.memory_space<vmem>>)
        tpu.yield
      }) : () -> ()
      %dma_start3A_81 = arith.constant 0 : i32
      %dma_start3A_82 = arith.constant 0 : i32
      %dma_start3A_83 = tpu.memref_slice %arg2[%dma_start3A_81, %dma_start3A_82] : memref<20480x128xf32, #tpu.memory_space<hbm>> -> memref<20480x128xf32, #tpu.memory_space<hbm>>
      tpu.enqueue_indirect_dma source(%dma_start3A_83 : memref<20480x128xf32, #tpu.memory_space<hbm>>) target(%arg11 : memref<128x128xf32, #tpu.memory_space<vmem>>) offsets(%arg7 : memref<128xi32, #tpu.memory_space<vmem>>) semaphore(%arg13 : memref<!tpu.dma_semaphore, #tpu.memory_space<semaphore_mem>>)
    }
    %scan3A_30 = arith.constant 39 : i32
    %dma_wait3A = arith.constant 0 : i32
    %dma_wait3A_31 = arith.constant 0 : i32
    %dma_wait3A_32 = tpu.memref_slice %arg2[%dma_wait3A, %dma_wait3A_31] : memref<20480x128xf32, #tpu.memory_space<hbm>> -> memref<20480x128xf32, #tpu.memory_space<hbm>>
    tpu.wait_indirect_dma semaphore(%arg12 : memref<!tpu.dma_semaphore, #tpu.memory_space<semaphore_mem>>) src(%dma_wait3A_32 : memref<20480x128xf32, #tpu.memory_space<hbm>>) dst(%arg10 : memref<128x128xf32, #tpu.memory_space<vmem>>)
    "tpu.region"() ({
      %run_scoped3A = tpu.sem_alloc : memref<!tpu.dma_semaphore, #tpu.memory_space<semaphore_mem>>
      %dma_start3A_41 = arith.constant 0 : i32
      %dma_start3A_42 = arith.constant 0 : i32
      %dma_start3A_43 = tpu.memref_slice %arg14[%dma_start3A_41, %dma_start3A_42] : memref<10240x128xf32, #tpu.memory_space<vmem_shared>> -> memref<10240x128xf32, #tpu.memory_space<vmem_shared>>
      tpu.enqueue_indirect_dma source(%arg10 : memref<128x128xf32, #tpu.memory_space<vmem>>) target(%dma_start3A_43 : memref<10240x128xf32, #tpu.memory_space<vmem_shared>>) offsets(%arg8 : memref<128xi32, #tpu.memory_space<vmem>>) semaphore(%run_scoped3A : memref<!tpu.dma_semaphore, #tpu.memory_space<semaphore_mem>>) {add = true}
      %dma_wait3A_44 = arith.constant 0 : i32
      %dma_wait3A_45 = arith.constant 0 : i32
      %dma_wait3A_46 = tpu.memref_slice %arg14[%dma_wait3A_44, %dma_wait3A_45] : memref<10240x128xf32, #tpu.memory_space<vmem_shared>> -> memref<10240x128xf32, #tpu.memory_space<vmem_shared>>
      tpu.wait_indirect_dma semaphore(%run_scoped3A : memref<!tpu.dma_semaphore, #tpu.memory_space<semaphore_mem>>) src(%arg10 : memref<128x128xf32, #tpu.memory_space<vmem>>) dst(%dma_wait3A_46 : memref<10240x128xf32, #tpu.memory_space<vmem_shared>>)
      tpu.yield
    }) : () -> ()
    %dma_wait3A_33 = arith.constant 0 : i32
    %dma_wait3A_34 = arith.constant 0 : i32
    %dma_wait3A_35 = tpu.memref_slice %arg2[%dma_wait3A_33, %dma_wait3A_34] : memref<20480x128xf32, #tpu.memory_space<hbm>> -> memref<20480x128xf32, #tpu.memory_space<hbm>>
    tpu.wait_indirect_dma semaphore(%arg13 : memref<!tpu.dma_semaphore, #tpu.memory_space<semaphore_mem>>) src(%dma_wait3A_35 : memref<20480x128xf32, #tpu.memory_space<hbm>>) dst(%arg11 : memref<128x128xf32, #tpu.memory_space<vmem>>)
    "tpu.region"() ({
      %run_scoped3A = tpu.sem_alloc : memref<!tpu.dma_semaphore, #tpu.memory_space<semaphore_mem>>
      %dma_start3A_41 = arith.constant 0 : i32
      %dma_start3A_42 = arith.constant 0 : i32
      %dma_start3A_43 = tpu.memref_slice %arg14[%dma_start3A_41, %dma_start3A_42] : memref<10240x128xf32, #tpu.memory_space<vmem_shared>> -> memref<10240x128xf32, #tpu.memory_space<vmem_shared>>
      tpu.enqueue_indirect_dma source(%arg11 : memref<128x128xf32, #tpu.memory_space<vmem>>) target(%dma_start3A_43 : memref<10240x128xf32, #tpu.memory_space<vmem_shared>>) offsets(%arg9 : memref<128xi32, #tpu.memory_space<vmem>>) semaphore(%run_scoped3A : memref<!tpu.dma_semaphore, #tpu.memory_space<semaphore_mem>>) {add = true}
      %dma_wait3A_44 = arith.constant 0 : i32
      %dma_wait3A_45 = arith.constant 0 : i32
      %dma_wait3A_46 = tpu.memref_slice %arg14[%dma_wait3A_44, %dma_wait3A_45] : memref<10240x128xf32, #tpu.memory_space<vmem_shared>> -> memref<10240x128xf32, #tpu.memory_space<vmem_shared>>
      tpu.wait_indirect_dma semaphore(%run_scoped3A : memref<!tpu.dma_semaphore, #tpu.memory_space<semaphore_mem>>) src(%arg11 : memref<128x128xf32, #tpu.memory_space<vmem>>) dst(%dma_wait3A_46 : memref<10240x128xf32, #tpu.memory_space<vmem_shared>>)
      tpu.yield
    }) : () -> ()
    %barrier3A_36 = arith.constant 0 : index
    tpu.barrier barrier_id(%barrier3A_36)
    %mul3A_37 = arith.constant 640 : i32
    %mul3A_38 = arith.muli %arg1, %mul3A_37 : i32
    %mul3A_39 = arith.constant 640 : i32
    %mul3A_40 = arith.muli %arg1, %mul3A_39 : i32
    "tpu.region"() ({
      %run_scoped3A = tpu.sem_alloc : memref<!tpu.dma_semaphore, #tpu.memory_space<semaphore_mem>>
      %dma_start3A_41 = arith.constant 0 : i32
      %dma_start3A_42 = tpu.memref_slice %arg5[%arg0, %mul3A_40, %dma_start3A_41] : memref<2x10240x128xf32, #tpu.memory_space<hbm>> -> memref<1x640x128xf32, #tpu.memory_space<hbm>>
      %dma_start3A_43 = tpu.memref_squeeze %dma_start3A_42 : memref<1x640x128xf32, #tpu.memory_space<hbm>> -> memref<640x128xf32, #tpu.memory_space<hbm>>
      %dma_start3A_44 = arith.constant 0 : i32
      %dma_start3A_45 = tpu.memref_slice %arg14[%mul3A_38, %dma_start3A_44] : memref<10240x128xf32, #tpu.memory_space<vmem_shared>> -> memref<640x128xf32, #tpu.memory_space<vmem_shared>>
      tpu.enqueue_dma source(%dma_start3A_45 : memref<640x128xf32, #tpu.memory_space<vmem_shared>>) target(%dma_start3A_43 : memref<640x128xf32, #tpu.memory_space<hbm>>) target_semaphore(%run_scoped3A : memref<!tpu.dma_semaphore, #tpu.memory_space<semaphore_mem>>)
      %dma_wait3A_46 = arith.constant 0 : i32
      %dma_wait3A_47 = tpu.memref_slice %arg5[%arg0, %mul3A_40, %dma_wait3A_46] : memref<2x10240x128xf32, #tpu.memory_space<hbm>> -> memref<1x640x128xf32, #tpu.memory_space<hbm>>
      %dma_wait3A_48 = tpu.memref_squeeze %dma_wait3A_47 : memref<1x640x128xf32, #tpu.memory_space<hbm>> -> memref<640x128xf32, #tpu.memory_space<hbm>>
      %dma_wait3A_49 = arith.constant 0 : i32
      %dma_wait3A_50 = tpu.memref_slice %arg14[%mul3A_38, %dma_wait3A_49] : memref<10240x128xf32, #tpu.memory_space<vmem_shared>> -> memref<640x128xf32, #tpu.memory_space<vmem_shared>>
      tpu.wait_dma2 semaphore(%run_scoped3A : memref<!tpu.dma_semaphore, #tpu.memory_space<semaphore_mem>>) src(%dma_wait3A_50 : memref<640x128xf32, #tpu.memory_space<vmem_shared>>) dst(%dma_wait3A_48 : memref<640x128xf32, #tpu.memory_space<hbm>>)
      tpu.yield
    }) : () -> ()
    return
  }
}

#map = affine_map<(d0, d1) -> (0)>
#map1 = affine_map<(d0, d1) -> (0, 0)>
#map2 = affine_map<(d0, d1) -> (0, 0, 0)>
module attributes {stable_mosaic.version = 14 : i64} {
  func.func @_deg_kernel(%arg0: i32, %arg1: i32, %arg2: memref<163840xi32, #tpu.memory_space<hbm>>, %arg3: memref<12288xi32, #tpu.memory_space<hbm>>, %arg4: memref<128x128xf32, #tpu.memory_space<hbm>>, %arg5: memref<128x128xf32, #tpu.memory_space<hbm>>, %arg6: memref<2x10240x128xf32, #tpu.memory_space<hbm>>, %arg7: memref<2x128x128xf32, #tpu.memory_space<hbm>>, %arg8: memref<128xi32, #tpu.memory_space<vmem>>, %arg9: memref<128xi32, #tpu.memory_space<vmem>>, %arg10: memref<!tpu.dma_semaphore, #tpu.memory_space<semaphore_mem>>, %arg11: memref<!tpu.dma_semaphore, #tpu.memory_space<semaphore_mem>>, %arg12: memref<128x128xf32, #tpu.memory_space<vmem>>, %arg13: memref<128x128xf32, #tpu.memory_space<vmem>>, %arg14: memref<10240x128xf32, #tpu.memory_space<vmem_shared>>, %arg15: memref<128x128xf32, #tpu.memory_space<vmem_shared>>) attributes {dimension_semantics = [#tpu.dimension_semantics<core_parallel>, #tpu.dimension_semantics<subcore_parallel>], iteration_bounds = array<i64: 2, 16>, scalar_prefetch = 0 : i64, scratch_operands = 8 : i64, tpu.core_type = #tpu.core_type<sc_vector_subcore>, window_params = [{transform_indices = #map}, {transform_indices = #map}, {transform_indices = #map1}, {transform_indices = #map1}, {transform_indices = #map2}, {transform_indices = #map2}]} {
    %mul3A = arith.constant 16 : i32
    %mul3A_0 = arith.muli %arg0, %mul3A : i32
    %add3A = arith.addi %mul3A_0, %arg1 : i32
    "tpu.region"() ({
      %run_scoped3A = tpu.sem_alloc : memref<!tpu.dma_semaphore, #tpu.memory_space<semaphore_mem>>
      tpu.enqueue_dma source(%arg4 : memref<128x128xf32, #tpu.memory_space<hbm>>) target(%arg12 : memref<128x128xf32, #tpu.memory_space<vmem>>) target_semaphore(%run_scoped3A : memref<!tpu.dma_semaphore, #tpu.memory_space<semaphore_mem>>)
      tpu.wait_dma2 semaphore(%run_scoped3A : memref<!tpu.dma_semaphore, #tpu.memory_space<semaphore_mem>>) src(%arg4 : memref<128x128xf32, #tpu.memory_space<hbm>>) dst(%arg12 : memref<128x128xf32, #tpu.memory_space<vmem>>)
      tpu.yield
    }) : () -> ()
    "tpu.region"() ({
      %run_scoped3A = tpu.sem_alloc : memref<!tpu.dma_semaphore, #tpu.memory_space<semaphore_mem>>
      tpu.enqueue_dma source(%arg5 : memref<128x128xf32, #tpu.memory_space<hbm>>) target(%arg13 : memref<128x128xf32, #tpu.memory_space<vmem>>) target_semaphore(%run_scoped3A : memref<!tpu.dma_semaphore, #tpu.memory_space<semaphore_mem>>)
      tpu.wait_dma2 semaphore(%run_scoped3A : memref<!tpu.dma_semaphore, #tpu.memory_space<semaphore_mem>>) src(%arg5 : memref<128x128xf32, #tpu.memory_space<hbm>>) dst(%arg13 : memref<128x128xf32, #tpu.memory_space<vmem>>)
      tpu.yield
    }) : () -> ()
    %mul3A_1 = arith.constant 640 : i32
    %mul3A_2 = arith.muli %arg1, %mul3A_1 : i32
    %add3A_3 = arith.constant 0 : i32
    %add3A_4 = arith.addi %mul3A_2, %add3A_3 : i32
    "tpu.region"() ({
      %run_scoped3A = tpu.sem_alloc : memref<!tpu.dma_semaphore, #tpu.memory_space<semaphore_mem>>
      %dma_start3A_62 = arith.constant 0 : i32
      %dma_start3A_63 = tpu.memref_slice %arg14[%add3A_4, %dma_start3A_62] : memref<10240x128xf32, #tpu.memory_space<vmem_shared>> -> memref<128x128xf32, #tpu.memory_space<vmem_shared>>
      %dma_start3A_64 = arith.constant 0 : i32
      %dma_start3A_65 = tpu.memref_slice %arg14[%add3A_4, %dma_start3A_64] : memref<10240x128xf32, #tpu.memory_space<vmem_shared>> -> memref<128x128xf32, #tpu.memory_space<vmem_shared>>
      tpu.enqueue_dma source(%arg13 : memref<128x128xf32, #tpu.memory_space<vmem>>) target(%dma_start3A_65 : memref<128x128xf32, #tpu.memory_space<vmem_shared>>) target_semaphore(%run_scoped3A : memref<!tpu.dma_semaphore, #tpu.memory_space<semaphore_mem>>)
      %dma_wait3A_66 = arith.constant 0 : i32
      %dma_wait3A_67 = tpu.memref_slice %arg14[%add3A_4, %dma_wait3A_66] : memref<10240x128xf32, #tpu.memory_space<vmem_shared>> -> memref<128x128xf32, #tpu.memory_space<vmem_shared>>
      %dma_wait3A_68 = arith.constant 0 : i32
      %dma_wait3A_69 = tpu.memref_slice %arg14[%add3A_4, %dma_wait3A_68] : memref<10240x128xf32, #tpu.memory_space<vmem_shared>> -> memref<128x128xf32, #tpu.memory_space<vmem_shared>>
      tpu.wait_dma2 semaphore(%run_scoped3A : memref<!tpu.dma_semaphore, #tpu.memory_space<semaphore_mem>>) src(%arg13 : memref<128x128xf32, #tpu.memory_space<vmem>>) dst(%dma_wait3A_69 : memref<128x128xf32, #tpu.memory_space<vmem_shared>>)
      tpu.yield
    }) : () -> ()
    %mul3A_5 = arith.constant 640 : i32
    %mul3A_6 = arith.muli %arg1, %mul3A_5 : i32
    %add3A_7 = arith.constant 128 : i32
    %add3A_8 = arith.addi %mul3A_6, %add3A_7 : i32
    "tpu.region"() ({
      %run_scoped3A = tpu.sem_alloc : memref<!tpu.dma_semaphore, #tpu.memory_space<semaphore_mem>>
      %dma_start3A_62 = arith.constant 0 : i32
      %dma_start3A_63 = tpu.memref_slice %arg14[%add3A_8, %dma_start3A_62] : memref<10240x128xf32, #tpu.memory_space<vmem_shared>> -> memref<128x128xf32, #tpu.memory_space<vmem_shared>>
      %dma_start3A_64 = arith.constant 0 : i32
      %dma_start3A_65 = tpu.memref_slice %arg14[%add3A_8, %dma_start3A_64] : memref<10240x128xf32, #tpu.memory_space<vmem_shared>> -> memref<128x128xf32, #tpu.memory_space<vmem_shared>>
      tpu.enqueue_dma source(%arg13 : memref<128x128xf32, #tpu.memory_space<vmem>>) target(%dma_start3A_65 : memref<128x128xf32, #tpu.memory_space<vmem_shared>>) target_semaphore(%run_scoped3A : memref<!tpu.dma_semaphore, #tpu.memory_space<semaphore_mem>>)
      %dma_wait3A_66 = arith.constant 0 : i32
      %dma_wait3A_67 = tpu.memref_slice %arg14[%add3A_8, %dma_wait3A_66] : memref<10240x128xf32, #tpu.memory_space<vmem_shared>> -> memref<128x128xf32, #tpu.memory_space<vmem_shared>>
      %dma_wait3A_68 = arith.constant 0 : i32
      %dma_wait3A_69 = tpu.memref_slice %arg14[%add3A_8, %dma_wait3A_68] : memref<10240x128xf32, #tpu.memory_space<vmem_shared>> -> memref<128x128xf32, #tpu.memory_space<vmem_shared>>
      tpu.wait_dma2 semaphore(%run_scoped3A : memref<!tpu.dma_semaphore, #tpu.memory_space<semaphore_mem>>) src(%arg13 : memref<128x128xf32, #tpu.memory_space<vmem>>) dst(%dma_wait3A_69 : memref<128x128xf32, #tpu.memory_space<vmem_shared>>)
      tpu.yield
    }) : () -> ()
    %mul3A_9 = arith.constant 640 : i32
    %mul3A_10 = arith.muli %arg1, %mul3A_9 : i32
    %add3A_11 = arith.constant 256 : i32
    %add3A_12 = arith.addi %mul3A_10, %add3A_11 : i32
    "tpu.region"() ({
      %run_scoped3A = tpu.sem_alloc : memref<!tpu.dma_semaphore, #tpu.memory_space<semaphore_mem>>
      %dma_start3A_62 = arith.constant 0 : i32
      %dma_start3A_63 = tpu.memref_slice %arg14[%add3A_12, %dma_start3A_62] : memref<10240x128xf32, #tpu.memory_space<vmem_shared>> -> memref<128x128xf32, #tpu.memory_space<vmem_shared>>
      %dma_start3A_64 = arith.constant 0 : i32
      %dma_start3A_65 = tpu.memref_slice %arg14[%add3A_12, %dma_start3A_64] : memref<10240x128xf32, #tpu.memory_space<vmem_shared>> -> memref<128x128xf32, #tpu.memory_space<vmem_shared>>
      tpu.enqueue_dma source(%arg13 : memref<128x128xf32, #tpu.memory_space<vmem>>) target(%dma_start3A_65 : memref<128x128xf32, #tpu.memory_space<vmem_shared>>) target_semaphore(%run_scoped3A : memref<!tpu.dma_semaphore, #tpu.memory_space<semaphore_mem>>)
      %dma_wait3A_66 = arith.constant 0 : i32
      %dma_wait3A_67 = tpu.memref_slice %arg14[%add3A_12, %dma_wait3A_66] : memref<10240x128xf32, #tpu.memory_space<vmem_shared>> -> memref<128x128xf32, #tpu.memory_space<vmem_shared>>
      %dma_wait3A_68 = arith.constant 0 : i32
      %dma_wait3A_69 = tpu.memref_slice %arg14[%add3A_12, %dma_wait3A_68] : memref<10240x128xf32, #tpu.memory_space<vmem_shared>> -> memref<128x128xf32, #tpu.memory_space<vmem_shared>>
      tpu.wait_dma2 semaphore(%run_scoped3A : memref<!tpu.dma_semaphore, #tpu.memory_space<semaphore_mem>>) src(%arg13 : memref<128x128xf32, #tpu.memory_space<vmem>>) dst(%dma_wait3A_69 : memref<128x128xf32, #tpu.memory_space<vmem_shared>>)
      tpu.yield
    }) : () -> ()
    %mul3A_13 = arith.constant 640 : i32
    %mul3A_14 = arith.muli %arg1, %mul3A_13 : i32
    %add3A_15 = arith.constant 384 : i32
    %add3A_16 = arith.addi %mul3A_14, %add3A_15 : i32
    "tpu.region"() ({
      %run_scoped3A = tpu.sem_alloc : memref<!tpu.dma_semaphore, #tpu.memory_space<semaphore_mem>>
      %dma_start3A_62 = arith.constant 0 : i32
      %dma_start3A_63 = tpu.memref_slice %arg14[%add3A_16, %dma_start3A_62] : memref<10240x128xf32, #tpu.memory_space<vmem_shared>> -> memref<128x128xf32, #tpu.memory_space<vmem_shared>>
      %dma_start3A_64 = arith.constant 0 : i32
      %dma_start3A_65 = tpu.memref_slice %arg14[%add3A_16, %dma_start3A_64] : memref<10240x128xf32, #tpu.memory_space<vmem_shared>> -> memref<128x128xf32, #tpu.memory_space<vmem_shared>>
      tpu.enqueue_dma source(%arg13 : memref<128x128xf32, #tpu.memory_space<vmem>>) target(%dma_start3A_65 : memref<128x128xf32, #tpu.memory_space<vmem_shared>>) target_semaphore(%run_scoped3A : memref<!tpu.dma_semaphore, #tpu.memory_space<semaphore_mem>>)
      %dma_wait3A_66 = arith.constant 0 : i32
      %dma_wait3A_67 = tpu.memref_slice %arg14[%add3A_16, %dma_wait3A_66] : memref<10240x128xf32, #tpu.memory_space<vmem_shared>> -> memref<128x128xf32, #tpu.memory_space<vmem_shared>>
      %dma_wait3A_68 = arith.constant 0 : i32
      %dma_wait3A_69 = tpu.memref_slice %arg14[%add3A_16, %dma_wait3A_68] : memref<10240x128xf32, #tpu.memory_space<vmem_shared>> -> memref<128x128xf32, #tpu.memory_space<vmem_shared>>
      tpu.wait_dma2 semaphore(%run_scoped3A : memref<!tpu.dma_semaphore, #tpu.memory_space<semaphore_mem>>) src(%arg13 : memref<128x128xf32, #tpu.memory_space<vmem>>) dst(%dma_wait3A_69 : memref<128x128xf32, #tpu.memory_space<vmem_shared>>)
      tpu.yield
    }) : () -> ()
    %mul3A_17 = arith.constant 640 : i32
    %mul3A_18 = arith.muli %arg1, %mul3A_17 : i32
    %add3A_19 = arith.constant 512 : i32
    %add3A_20 = arith.addi %mul3A_18, %add3A_19 : i32
    "tpu.region"() ({
      %run_scoped3A = tpu.sem_alloc : memref<!tpu.dma_semaphore, #tpu.memory_space<semaphore_mem>>
      %dma_start3A_62 = arith.constant 0 : i32
      %dma_start3A_63 = tpu.memref_slice %arg14[%add3A_20, %dma_start3A_62] : memref<10240x128xf32, #tpu.memory_space<vmem_shared>> -> memref<128x128xf32, #tpu.memory_space<vmem_shared>>
      %dma_start3A_64 = arith.constant 0 : i32
      %dma_start3A_65 = tpu.memref_slice %arg14[%add3A_20, %dma_start3A_64] : memref<10240x128xf32, #tpu.memory_space<vmem_shared>> -> memref<128x128xf32, #tpu.memory_space<vmem_shared>>
      tpu.enqueue_dma source(%arg13 : memref<128x128xf32, #tpu.memory_space<vmem>>) target(%dma_start3A_65 : memref<128x128xf32, #tpu.memory_space<vmem_shared>>) target_semaphore(%run_scoped3A : memref<!tpu.dma_semaphore, #tpu.memory_space<semaphore_mem>>)
      %dma_wait3A_66 = arith.constant 0 : i32
      %dma_wait3A_67 = tpu.memref_slice %arg14[%add3A_20, %dma_wait3A_66] : memref<10240x128xf32, #tpu.memory_space<vmem_shared>> -> memref<128x128xf32, #tpu.memory_space<vmem_shared>>
      %dma_wait3A_68 = arith.constant 0 : i32
      %dma_wait3A_69 = tpu.memref_slice %arg14[%add3A_20, %dma_wait3A_68] : memref<10240x128xf32, #tpu.memory_space<vmem_shared>> -> memref<128x128xf32, #tpu.memory_space<vmem_shared>>
      tpu.wait_dma2 semaphore(%run_scoped3A : memref<!tpu.dma_semaphore, #tpu.memory_space<semaphore_mem>>) src(%arg13 : memref<128x128xf32, #tpu.memory_space<vmem>>) dst(%dma_wait3A_69 : memref<128x128xf32, #tpu.memory_space<vmem_shared>>)
      tpu.yield
    }) : () -> ()
    %eq3A = arith.constant 0 : i32
    %eq3A_21 = arith.cmpi eq, %arg1, %eq3A : i32
    %convert_element_type3A = arith.extui %eq3A_21 : i1 to i32
    %cond3A = arith.constant 0 : i32
    %cond3A_22 = arith.cmpi ne, %convert_element_type3A, %cond3A : i32
    scf.if %cond3A_22 {
      "tpu.region"() ({
        %run_scoped3A = tpu.sem_alloc : memref<!tpu.dma_semaphore, #tpu.memory_space<semaphore_mem>>
        tpu.enqueue_dma source(%arg13 : memref<128x128xf32, #tpu.memory_space<vmem>>) target(%arg15 : memref<128x128xf32, #tpu.memory_space<vmem_shared>>) target_semaphore(%run_scoped3A : memref<!tpu.dma_semaphore, #tpu.memory_space<semaphore_mem>>)
        tpu.wait_dma2 semaphore(%run_scoped3A : memref<!tpu.dma_semaphore, #tpu.memory_space<semaphore_mem>>) src(%arg13 : memref<128x128xf32, #tpu.memory_space<vmem>>) dst(%arg15 : memref<128x128xf32, #tpu.memory_space<vmem_shared>>)
        tpu.yield
      }) : () -> ()
    } else {
    }
    %barrier3A = arith.constant 0 : index
    tpu.barrier barrier_id(%barrier3A)
    %mul3A_23 = arith.constant 5120 : i32
    %mul3A_24 = arith.muli %add3A, %mul3A_23 : i32
    %add3A_25 = arith.constant 0 : i32
    %add3A_26 = arith.addi %mul3A_24, %add3A_25 : i32
    "tpu.region"() ({
      %run_scoped3A = tpu.sem_alloc : memref<!tpu.dma_semaphore, #tpu.memory_space<semaphore_mem>>
      %dma_start3A_62 = tpu.memref_slice %arg2[%add3A_26] : memref<163840xi32, #tpu.memory_space<hbm>> -> memref<128xi32, #tpu.memory_space<hbm>>
      %dma_start3A_63 = tpu.memref_slice %arg2[%add3A_26] : memref<163840xi32, #tpu.memory_space<hbm>> -> memref<128xi32, #tpu.memory_space<hbm>>
      tpu.enqueue_dma source(%dma_start3A_63 : memref<128xi32, #tpu.memory_space<hbm>>) target(%arg8 : memref<128xi32, #tpu.memory_space<vmem>>) target_semaphore(%run_scoped3A : memref<!tpu.dma_semaphore, #tpu.memory_space<semaphore_mem>>)
      %dma_wait3A_64 = tpu.memref_slice %arg2[%add3A_26] : memref<163840xi32, #tpu.memory_space<hbm>> -> memref<128xi32, #tpu.memory_space<hbm>>
      %dma_wait3A_65 = tpu.memref_slice %arg2[%add3A_26] : memref<163840xi32, #tpu.memory_space<hbm>> -> memref<128xi32, #tpu.memory_space<hbm>>
      tpu.wait_dma2 semaphore(%run_scoped3A : memref<!tpu.dma_semaphore, #tpu.memory_space<semaphore_mem>>) src(%dma_wait3A_65 : memref<128xi32, #tpu.memory_space<hbm>>) dst(%arg8 : memref<128xi32, #tpu.memory_space<vmem>>)
      tpu.yield
    }) : () -> ()
    %dma_start3A = arith.constant 0 : i32
    %dma_start3A_27 = arith.constant 0 : i32
    %dma_start3A_28 = tpu.memref_slice %arg14[%dma_start3A, %dma_start3A_27] : memref<10240x128xf32, #tpu.memory_space<vmem_shared>> -> memref<10240x128xf32, #tpu.memory_space<vmem_shared>>
    tpu.enqueue_indirect_dma source(%arg12 : memref<128x128xf32, #tpu.memory_space<vmem>>) target(%dma_start3A_28 : memref<10240x128xf32, #tpu.memory_space<vmem_shared>>) offsets(%arg8 : memref<128xi32, #tpu.memory_space<vmem>>) semaphore(%arg10 : memref<!tpu.dma_semaphore, #tpu.memory_space<semaphore_mem>>) {add = true}
    %mul3A_29 = arith.constant 5120 : i32
    %mul3A_30 = arith.muli %add3A, %mul3A_29 : i32
    %add3A_31 = arith.constant 128 : i32
    %add3A_32 = arith.addi %mul3A_30, %add3A_31 : i32
    "tpu.region"() ({
      %run_scoped3A = tpu.sem_alloc : memref<!tpu.dma_semaphore, #tpu.memory_space<semaphore_mem>>
      %dma_start3A_62 = tpu.memref_slice %arg2[%add3A_32] : memref<163840xi32, #tpu.memory_space<hbm>> -> memref<128xi32, #tpu.memory_space<hbm>>
      %dma_start3A_63 = tpu.memref_slice %arg2[%add3A_32] : memref<163840xi32, #tpu.memory_space<hbm>> -> memref<128xi32, #tpu.memory_space<hbm>>
      tpu.enqueue_dma source(%dma_start3A_63 : memref<128xi32, #tpu.memory_space<hbm>>) target(%arg9 : memref<128xi32, #tpu.memory_space<vmem>>) target_semaphore(%run_scoped3A : memref<!tpu.dma_semaphore, #tpu.memory_space<semaphore_mem>>)
      %dma_wait3A_64 = tpu.memref_slice %arg2[%add3A_32] : memref<163840xi32, #tpu.memory_space<hbm>> -> memref<128xi32, #tpu.memory_space<hbm>>
      %dma_wait3A_65 = tpu.memref_slice %arg2[%add3A_32] : memref<163840xi32, #tpu.memory_space<hbm>> -> memref<128xi32, #tpu.memory_space<hbm>>
      tpu.wait_dma2 semaphore(%run_scoped3A : memref<!tpu.dma_semaphore, #tpu.memory_space<semaphore_mem>>) src(%dma_wait3A_65 : memref<128xi32, #tpu.memory_space<hbm>>) dst(%arg9 : memref<128xi32, #tpu.memory_space<vmem>>)
      tpu.yield
    }) : () -> ()
    %dma_start3A_33 = arith.constant 0 : i32
    %dma_start3A_34 = arith.constant 0 : i32
    %dma_start3A_35 = tpu.memref_slice %arg14[%dma_start3A_33, %dma_start3A_34] : memref<10240x128xf32, #tpu.memory_space<vmem_shared>> -> memref<10240x128xf32, #tpu.memory_space<vmem_shared>>
    tpu.enqueue_indirect_dma source(%arg12 : memref<128x128xf32, #tpu.memory_space<vmem>>) target(%dma_start3A_35 : memref<10240x128xf32, #tpu.memory_space<vmem_shared>>) offsets(%arg9 : memref<128xi32, #tpu.memory_space<vmem>>) semaphore(%arg11 : memref<!tpu.dma_semaphore, #tpu.memory_space<semaphore_mem>>) {add = true}
    %scan3A = arith.constant 0 : i32
    %scan3A_36 = arith.constant 0 : i32
    %scan3A_37 = arith.constant 19 : i32
    %scan3A_38 = arith.addi %scan3A_36, %scan3A_37 : i32
    %scan3A_39 = arith.constant 1 : i32
    scf.for %scan3A_62 = %scan3A_36 to %scan3A_38 step %scan3A_39  : i32 {
      %dma_wait3A_63 = arith.constant 0 : i32
      %dma_wait3A_64 = arith.constant 0 : i32
      %dma_wait3A_65 = tpu.memref_slice %arg14[%dma_wait3A_63, %dma_wait3A_64] : memref<10240x128xf32, #tpu.memory_space<vmem_shared>> -> memref<10240x128xf32, #tpu.memory_space<vmem_shared>>
      tpu.wait_indirect_dma semaphore(%arg10 : memref<!tpu.dma_semaphore, #tpu.memory_space<semaphore_mem>>) src(%arg12 : memref<128x128xf32, #tpu.memory_space<vmem>>) dst(%dma_wait3A_65 : memref<10240x128xf32, #tpu.memory_space<vmem_shared>>)
      %mul3A_66 = arith.constant 2 : i32
      %mul3A_67 = arith.muli %mul3A_66, %scan3A_62 : i32
      %add3A_68 = arith.constant 2 : i32
      %add3A_69 = arith.addi %mul3A_67, %add3A_68 : i32
      %add3A_70 = arith.constant 0 : i32
      %add3A_71 = arith.addi %add3A_69, %add3A_70 : i32
      %mul3A_72 = arith.constant 5120 : i32
      %mul3A_73 = arith.muli %add3A, %mul3A_72 : i32
      %mul3A_74 = arith.constant 128 : i32
      %mul3A_75 = arith.muli %add3A_71, %mul3A_74 : i32
      %add3A_76 = arith.addi %mul3A_73, %mul3A_75 : i32
      "tpu.region"() ({
        %run_scoped3A = tpu.sem_alloc : memref<!tpu.dma_semaphore, #tpu.memory_space<semaphore_mem>>
        %dma_start3A_97 = tpu.memref_slice %arg2[%add3A_76] : memref<163840xi32, #tpu.memory_space<hbm>> -> memref<128xi32, #tpu.memory_space<hbm>>
        %dma_start3A_98 = tpu.memref_slice %arg2[%add3A_76] : memref<163840xi32, #tpu.memory_space<hbm>> -> memref<128xi32, #tpu.memory_space<hbm>>
        tpu.enqueue_dma source(%dma_start3A_98 : memref<128xi32, #tpu.memory_space<hbm>>) target(%arg8 : memref<128xi32, #tpu.memory_space<vmem>>) target_semaphore(%run_scoped3A : memref<!tpu.dma_semaphore, #tpu.memory_space<semaphore_mem>>)
        %dma_wait3A_99 = tpu.memref_slice %arg2[%add3A_76] : memref<163840xi32, #tpu.memory_space<hbm>> -> memref<128xi32, #tpu.memory_space<hbm>>
        %dma_wait3A_100 = tpu.memref_slice %arg2[%add3A_76] : memref<163840xi32, #tpu.memory_space<hbm>> -> memref<128xi32, #tpu.memory_space<hbm>>
        tpu.wait_dma2 semaphore(%run_scoped3A : memref<!tpu.dma_semaphore, #tpu.memory_space<semaphore_mem>>) src(%dma_wait3A_100 : memref<128xi32, #tpu.memory_space<hbm>>) dst(%arg8 : memref<128xi32, #tpu.memory_space<vmem>>)
        tpu.yield
      }) : () -> ()
      %dma_start3A_77 = arith.constant 0 : i32
      %dma_start3A_78 = arith.constant 0 : i32
      %dma_start3A_79 = tpu.memref_slice %arg14[%dma_start3A_77, %dma_start3A_78] : memref<10240x128xf32, #tpu.memory_space<vmem_shared>> -> memref<10240x128xf32, #tpu.memory_space<vmem_shared>>
      tpu.enqueue_indirect_dma source(%arg12 : memref<128x128xf32, #tpu.memory_space<vmem>>) target(%dma_start3A_79 : memref<10240x128xf32, #tpu.memory_space<vmem_shared>>) offsets(%arg8 : memref<128xi32, #tpu.memory_space<vmem>>) semaphore(%arg10 : memref<!tpu.dma_semaphore, #tpu.memory_space<semaphore_mem>>) {add = true}
      %dma_wait3A_80 = arith.constant 0 : i32
      %dma_wait3A_81 = arith.constant 0 : i32
      %dma_wait3A_82 = tpu.memref_slice %arg14[%dma_wait3A_80, %dma_wait3A_81] : memref<10240x128xf32, #tpu.memory_space<vmem_shared>> -> memref<10240x128xf32, #tpu.memory_space<vmem_shared>>
      tpu.wait_indirect_dma semaphore(%arg11 : memref<!tpu.dma_semaphore, #tpu.memory_space<semaphore_mem>>) src(%arg12 : memref<128x128xf32, #tpu.memory_space<vmem>>) dst(%dma_wait3A_82 : memref<10240x128xf32, #tpu.memory_space<vmem_shared>>)
      %mul3A_83 = arith.constant 2 : i32
      %mul3A_84 = arith.muli %mul3A_83, %scan3A_62 : i32
      %add3A_85 = arith.constant 2 : i32
      %add3A_86 = arith.addi %mul3A_84, %add3A_85 : i32
      %add3A_87 = arith.constant 1 : i32
      %add3A_88 = arith.addi %add3A_86, %add3A_87 : i32
      %mul3A_89 = arith.constant 5120 : i32
      %mul3A_90 = arith.muli %add3A, %mul3A_89 : i32
      %mul3A_91 = arith.constant 128 : i32
      %mul3A_92 = arith.muli %add3A_88, %mul3A_91 : i32
      %add3A_93 = arith.addi %mul3A_90, %mul3A_92 : i32
      "tpu.region"() ({
        %run_scoped3A = tpu.sem_alloc : memref<!tpu.dma_semaphore, #tpu.memory_space<semaphore_mem>>
        %dma_start3A_97 = tpu.memref_slice %arg2[%add3A_93] : memref<163840xi32, #tpu.memory_space<hbm>> -> memref<128xi32, #tpu.memory_space<hbm>>
        %dma_start3A_98 = tpu.memref_slice %arg2[%add3A_93] : memref<163840xi32, #tpu.memory_space<hbm>> -> memref<128xi32, #tpu.memory_space<hbm>>
        tpu.enqueue_dma source(%dma_start3A_98 : memref<128xi32, #tpu.memory_space<hbm>>) target(%arg9 : memref<128xi32, #tpu.memory_space<vmem>>) target_semaphore(%run_scoped3A : memref<!tpu.dma_semaphore, #tpu.memory_space<semaphore_mem>>)
        %dma_wait3A_99 = tpu.memref_slice %arg2[%add3A_93] : memref<163840xi32, #tpu.memory_space<hbm>> -> memref<128xi32, #tpu.memory_space<hbm>>
        %dma_wait3A_100 = tpu.memref_slice %arg2[%add3A_93] : memref<163840xi32, #tpu.memory_space<hbm>> -> memref<128xi32, #tpu.memory_space<hbm>>
        tpu.wait_dma2 semaphore(%run_scoped3A : memref<!tpu.dma_semaphore, #tpu.memory_space<semaphore_mem>>) src(%dma_wait3A_100 : memref<128xi32, #tpu.memory_space<hbm>>) dst(%arg9 : memref<128xi32, #tpu.memory_space<vmem>>)
        tpu.yield
      }) : () -> ()
      %dma_start3A_94 = arith.constant 0 : i32
      %dma_start3A_95 = arith.constant 0 : i32
      %dma_start3A_96 = tpu.memref_slice %arg14[%dma_start3A_94, %dma_start3A_95] : memref<10240x128xf32, #tpu.memory_space<vmem_shared>> -> memref<10240x128xf32, #tpu.memory_space<vmem_shared>>
      tpu.enqueue_indirect_dma source(%arg12 : memref<128x128xf32, #tpu.memory_space<vmem>>) target(%dma_start3A_96 : memref<10240x128xf32, #tpu.memory_space<vmem_shared>>) offsets(%arg9 : memref<128xi32, #tpu.memory_space<vmem>>) semaphore(%arg11 : memref<!tpu.dma_semaphore, #tpu.memory_space<semaphore_mem>>) {add = true}
    }
    %scan3A_40 = arith.constant 19 : i32
    %dma_wait3A = arith.constant 0 : i32
    %dma_wait3A_41 = arith.constant 0 : i32
    %dma_wait3A_42 = tpu.memref_slice %arg14[%dma_wait3A, %dma_wait3A_41] : memref<10240x128xf32, #tpu.memory_space<vmem_shared>> -> memref<10240x128xf32, #tpu.memory_space<vmem_shared>>
    tpu.wait_indirect_dma semaphore(%arg10 : memref<!tpu.dma_semaphore, #tpu.memory_space<semaphore_mem>>) src(%arg12 : memref<128x128xf32, #tpu.memory_space<vmem>>) dst(%dma_wait3A_42 : memref<10240x128xf32, #tpu.memory_space<vmem_shared>>)
    %dma_wait3A_43 = arith.constant 0 : i32
    %dma_wait3A_44 = arith.constant 0 : i32
    %dma_wait3A_45 = tpu.memref_slice %arg14[%dma_wait3A_43, %dma_wait3A_44] : memref<10240x128xf32, #tpu.memory_space<vmem_shared>> -> memref<10240x128xf32, #tpu.memory_space<vmem_shared>>
    tpu.wait_indirect_dma semaphore(%arg11 : memref<!tpu.dma_semaphore, #tpu.memory_space<semaphore_mem>>) src(%arg12 : memref<128x128xf32, #tpu.memory_space<vmem>>) dst(%dma_wait3A_45 : memref<10240x128xf32, #tpu.memory_space<vmem_shared>>)
    %scan3A_46 = arith.constant 0 : i32
    %scan3A_47 = arith.constant 0 : i32
    %scan3A_48 = arith.constant 3 : i32
    %scan3A_49 = arith.addi %scan3A_47, %scan3A_48 : i32
    %scan3A_50 = arith.constant 1 : i32
    scf.for %scan3A_62 = %scan3A_47 to %scan3A_49 step %scan3A_50  : i32 {
      %mul3A_63 = arith.constant 384 : i32
      %mul3A_64 = arith.muli %add3A, %mul3A_63 : i32
      %mul3A_65 = arith.constant 128 : i32
      %mul3A_66 = arith.muli %scan3A_62, %mul3A_65 : i32
      %add3A_67 = arith.addi %mul3A_64, %mul3A_66 : i32
      "tpu.region"() ({
        %run_scoped3A = tpu.sem_alloc : memref<!tpu.dma_semaphore, #tpu.memory_space<semaphore_mem>>
        %dma_start3A_68 = tpu.memref_slice %arg3[%add3A_67] : memref<12288xi32, #tpu.memory_space<hbm>> -> memref<128xi32, #tpu.memory_space<hbm>>
        %dma_start3A_69 = tpu.memref_slice %arg3[%add3A_67] : memref<12288xi32, #tpu.memory_space<hbm>> -> memref<128xi32, #tpu.memory_space<hbm>>
        tpu.enqueue_dma source(%dma_start3A_69 : memref<128xi32, #tpu.memory_space<hbm>>) target(%arg8 : memref<128xi32, #tpu.memory_space<vmem>>) target_semaphore(%run_scoped3A : memref<!tpu.dma_semaphore, #tpu.memory_space<semaphore_mem>>)
        %dma_wait3A_70 = tpu.memref_slice %arg3[%add3A_67] : memref<12288xi32, #tpu.memory_space<hbm>> -> memref<128xi32, #tpu.memory_space<hbm>>
        %dma_wait3A_71 = tpu.memref_slice %arg3[%add3A_67] : memref<12288xi32, #tpu.memory_space<hbm>> -> memref<128xi32, #tpu.memory_space<hbm>>
        tpu.wait_dma2 semaphore(%run_scoped3A : memref<!tpu.dma_semaphore, #tpu.memory_space<semaphore_mem>>) src(%dma_wait3A_71 : memref<128xi32, #tpu.memory_space<hbm>>) dst(%arg8 : memref<128xi32, #tpu.memory_space<vmem>>)
        tpu.yield
      }) : () -> ()
      "tpu.region"() ({
        %run_scoped3A = tpu.sem_alloc : memref<!tpu.dma_semaphore, #tpu.memory_space<semaphore_mem>>
        %dma_start3A_68 = arith.constant 0 : i32
        %dma_start3A_69 = arith.constant 0 : i32
        %dma_start3A_70 = tpu.memref_slice %arg15[%dma_start3A_68, %dma_start3A_69] : memref<128x128xf32, #tpu.memory_space<vmem_shared>> -> memref<128x128xf32, #tpu.memory_space<vmem_shared>>
        tpu.enqueue_indirect_dma source(%arg12 : memref<128x128xf32, #tpu.memory_space<vmem>>) target(%dma_start3A_70 : memref<128x128xf32, #tpu.memory_space<vmem_shared>>) offsets(%arg8 : memref<128xi32, #tpu.memory_space<vmem>>) semaphore(%run_scoped3A : memref<!tpu.dma_semaphore, #tpu.memory_space<semaphore_mem>>) {add = true}
        %dma_wait3A_71 = arith.constant 0 : i32
        %dma_wait3A_72 = arith.constant 0 : i32
        %dma_wait3A_73 = tpu.memref_slice %arg15[%dma_wait3A_71, %dma_wait3A_72] : memref<128x128xf32, #tpu.memory_space<vmem_shared>> -> memref<128x128xf32, #tpu.memory_space<vmem_shared>>
        tpu.wait_indirect_dma semaphore(%run_scoped3A : memref<!tpu.dma_semaphore, #tpu.memory_space<semaphore_mem>>) src(%arg12 : memref<128x128xf32, #tpu.memory_space<vmem>>) dst(%dma_wait3A_73 : memref<128x128xf32, #tpu.memory_space<vmem_shared>>)
        tpu.yield
      }) : () -> ()
    }
    %scan3A_51 = arith.constant 3 : i32
    %barrier3A_52 = arith.constant 0 : index
    tpu.barrier barrier_id(%barrier3A_52)
    %mul3A_53 = arith.constant 640 : i32
    %mul3A_54 = arith.muli %arg1, %mul3A_53 : i32
    %mul3A_55 = arith.constant 640 : i32
    %mul3A_56 = arith.muli %arg1, %mul3A_55 : i32
    "tpu.region"() ({
      %run_scoped3A = tpu.sem_alloc : memref<!tpu.dma_semaphore, #tpu.memory_space<semaphore_mem>>
      %dma_start3A_62 = arith.constant 0 : i32
      %dma_start3A_63 = tpu.memref_slice %arg6[%arg0, %mul3A_56, %dma_start3A_62] : memref<2x10240x128xf32, #tpu.memory_space<hbm>> -> memref<1x640x128xf32, #tpu.memory_space<hbm>>
      %dma_start3A_64 = tpu.memref_squeeze %dma_start3A_63 : memref<1x640x128xf32, #tpu.memory_space<hbm>> -> memref<640x128xf32, #tpu.memory_space<hbm>>
      %dma_start3A_65 = arith.constant 0 : i32
      %dma_start3A_66 = tpu.memref_slice %arg14[%mul3A_54, %dma_start3A_65] : memref<10240x128xf32, #tpu.memory_space<vmem_shared>> -> memref<640x128xf32, #tpu.memory_space<vmem_shared>>
      tpu.enqueue_dma source(%dma_start3A_66 : memref<640x128xf32, #tpu.memory_space<vmem_shared>>) target(%dma_start3A_64 : memref<640x128xf32, #tpu.memory_space<hbm>>) target_semaphore(%run_scoped3A : memref<!tpu.dma_semaphore, #tpu.memory_space<semaphore_mem>>)
      %dma_wait3A_67 = arith.constant 0 : i32
      %dma_wait3A_68 = tpu.memref_slice %arg6[%arg0, %mul3A_56, %dma_wait3A_67] : memref<2x10240x128xf32, #tpu.memory_space<hbm>> -> memref<1x640x128xf32, #tpu.memory_space<hbm>>
      %dma_wait3A_69 = tpu.memref_squeeze %dma_wait3A_68 : memref<1x640x128xf32, #tpu.memory_space<hbm>> -> memref<640x128xf32, #tpu.memory_space<hbm>>
      %dma_wait3A_70 = arith.constant 0 : i32
      %dma_wait3A_71 = tpu.memref_slice %arg14[%mul3A_54, %dma_wait3A_70] : memref<10240x128xf32, #tpu.memory_space<vmem_shared>> -> memref<640x128xf32, #tpu.memory_space<vmem_shared>>
      tpu.wait_dma2 semaphore(%run_scoped3A : memref<!tpu.dma_semaphore, #tpu.memory_space<semaphore_mem>>) src(%dma_wait3A_71 : memref<640x128xf32, #tpu.memory_space<vmem_shared>>) dst(%dma_wait3A_69 : memref<640x128xf32, #tpu.memory_space<hbm>>)
      tpu.yield
    }) : () -> ()
    %eq3A_57 = arith.constant 0 : i32
    %eq3A_58 = arith.cmpi eq, %arg1, %eq3A_57 : i32
    %convert_element_type3A_59 = arith.extui %eq3A_58 : i1 to i32
    %cond3A_60 = arith.constant 0 : i32
    %cond3A_61 = arith.cmpi ne, %convert_element_type3A_59, %cond3A_60 : i32
    scf.if %cond3A_61 {
      "tpu.region"() ({
        %run_scoped3A = tpu.sem_alloc : memref<!tpu.dma_semaphore, #tpu.memory_space<semaphore_mem>>
        %dma_start3A_62 = arith.constant 0 : i32
        %dma_start3A_63 = arith.constant 0 : i32
        %dma_start3A_64 = tpu.memref_slice %arg7[%arg0, %dma_start3A_62, %dma_start3A_63] : memref<2x128x128xf32, #tpu.memory_space<hbm>> -> memref<1x128x128xf32, #tpu.memory_space<hbm>>
        %dma_start3A_65 = tpu.memref_squeeze %dma_start3A_64 : memref<1x128x128xf32, #tpu.memory_space<hbm>> -> memref<128x128xf32, #tpu.memory_space<hbm>>
        tpu.enqueue_dma source(%arg15 : memref<128x128xf32, #tpu.memory_space<vmem_shared>>) target(%dma_start3A_65 : memref<128x128xf32, #tpu.memory_space<hbm>>) target_semaphore(%run_scoped3A : memref<!tpu.dma_semaphore, #tpu.memory_space<semaphore_mem>>)
        %dma_wait3A_66 = arith.constant 0 : i32
        %dma_wait3A_67 = arith.constant 0 : i32
        %dma_wait3A_68 = tpu.memref_slice %arg7[%arg0, %dma_wait3A_66, %dma_wait3A_67] : memref<2x128x128xf32, #tpu.memory_space<hbm>> -> memref<1x128x128xf32, #tpu.memory_space<hbm>>
        %dma_wait3A_69 = tpu.memref_squeeze %dma_wait3A_68 : memref<1x128x128xf32, #tpu.memory_space<hbm>> -> memref<128x128xf32, #tpu.memory_space<hbm>>
        tpu.wait_dma2 semaphore(%run_scoped3A : memref<!tpu.dma_semaphore, #tpu.memory_space<semaphore_mem>>) src(%arg15 : memref<128x128xf32, #tpu.memory_space<vmem_shared>>) dst(%dma_wait3A_69 : memref<128x128xf32, #tpu.memory_space<hbm>>)
        tpu.yield
      }) : () -> ()
    } else {
    }
    return
  }
}

#map = affine_map<(d0, d1) -> (0, 0)>
#map1 = affine_map<(d0, d1) -> (0)>
#map2 = affine_map<(d0, d1) -> (0, 0, 0)>
module attributes {stable_mosaic.version = 14 : i64} {
  func.func @_pool_kernel(%arg0: i32, %arg1: i32, %arg2: memref<20480x128xf32, #tpu.memory_space<hbm>>, %arg3: memref<10240xi32, #tpu.memory_space<hbm>>, %arg4: memref<128x128xf32, #tpu.memory_space<hbm>>, %arg5: memref<2x64x128xf32, #tpu.memory_space<hbm>>, %arg6: memref<128xi32, #tpu.memory_space<vmem>>, %arg7: memref<128x128xf32, #tpu.memory_space<vmem>>, %arg8: memref<128x128xf32, #tpu.memory_space<vmem_shared>>) attributes {dimension_semantics = [#tpu.dimension_semantics<core_parallel>, #tpu.dimension_semantics<subcore_parallel>], iteration_bounds = array<i64: 2, 16>, scalar_prefetch = 0 : i64, scratch_operands = 3 : i64, tpu.core_type = #tpu.core_type<sc_vector_subcore>, window_params = [{transform_indices = #map}, {transform_indices = #map1}, {transform_indices = #map}, {transform_indices = #map2}]} {
    %eq3A = arith.constant 0 : i32
    %eq3A_0 = arith.cmpi eq, %arg1, %eq3A : i32
    %convert_element_type3A = arith.extui %eq3A_0 : i1 to i32
    %cond3A = arith.constant 0 : i32
    %cond3A_1 = arith.cmpi ne, %convert_element_type3A, %cond3A : i32
    scf.if %cond3A_1 {
      "tpu.region"() ({
        %run_scoped3A = tpu.sem_alloc : memref<!tpu.dma_semaphore, #tpu.memory_space<semaphore_mem>>
        tpu.enqueue_dma source(%arg4 : memref<128x128xf32, #tpu.memory_space<hbm>>) target(%arg8 : memref<128x128xf32, #tpu.memory_space<vmem_shared>>) target_semaphore(%run_scoped3A : memref<!tpu.dma_semaphore, #tpu.memory_space<semaphore_mem>>)
        tpu.wait_dma2 semaphore(%run_scoped3A : memref<!tpu.dma_semaphore, #tpu.memory_space<semaphore_mem>>) src(%arg4 : memref<128x128xf32, #tpu.memory_space<hbm>>) dst(%arg8 : memref<128x128xf32, #tpu.memory_space<vmem_shared>>)
        tpu.yield
      }) : () -> ()
    } else {
    }
    %barrier3A = arith.constant 0 : index
    tpu.barrier barrier_id(%barrier3A)
    %scan3A = arith.constant 0 : i32
    %scan3A_2 = arith.constant 0 : i32
    %scan3A_3 = arith.constant 5 : i32
    %scan3A_4 = arith.addi %scan3A_2, %scan3A_3 : i32
    %scan3A_5 = arith.constant 1 : i32
    scf.for %scan3A_13 = %scan3A_2 to %scan3A_4 step %scan3A_5  : i32 {
      %mul3A = arith.constant 640 : i32
      %mul3A_14 = arith.muli %arg1, %mul3A : i32
      %mul3A_15 = arith.constant 128 : i32
      %mul3A_16 = arith.muli %scan3A_13, %mul3A_15 : i32
      %add3A = arith.addi %mul3A_14, %mul3A_16 : i32
      %mul3A_17 = arith.constant 10240 : i32
      %mul3A_18 = arith.muli %arg0, %mul3A_17 : i32
      %add3A_19 = arith.addi %mul3A_18, %add3A : i32
      "tpu.region"() ({
        %run_scoped3A = tpu.sem_alloc : memref<!tpu.dma_semaphore, #tpu.memory_space<semaphore_mem>>
        %dma_start3A = arith.constant 0 : i32
        %dma_start3A_20 = tpu.memref_slice %arg2[%add3A_19, %dma_start3A] : memref<20480x128xf32, #tpu.memory_space<hbm>> -> memref<128x128xf32, #tpu.memory_space<hbm>>
        %dma_start3A_21 = arith.constant 0 : i32
        %dma_start3A_22 = tpu.memref_slice %arg2[%add3A_19, %dma_start3A_21] : memref<20480x128xf32, #tpu.memory_space<hbm>> -> memref<128x128xf32, #tpu.memory_space<hbm>>
        tpu.enqueue_dma source(%dma_start3A_22 : memref<128x128xf32, #tpu.memory_space<hbm>>) target(%arg7 : memref<128x128xf32, #tpu.memory_space<vmem>>) target_semaphore(%run_scoped3A : memref<!tpu.dma_semaphore, #tpu.memory_space<semaphore_mem>>)
        %dma_wait3A = arith.constant 0 : i32
        %dma_wait3A_23 = tpu.memref_slice %arg2[%add3A_19, %dma_wait3A] : memref<20480x128xf32, #tpu.memory_space<hbm>> -> memref<128x128xf32, #tpu.memory_space<hbm>>
        %dma_wait3A_24 = arith.constant 0 : i32
        %dma_wait3A_25 = tpu.memref_slice %arg2[%add3A_19, %dma_wait3A_24] : memref<20480x128xf32, #tpu.memory_space<hbm>> -> memref<128x128xf32, #tpu.memory_space<hbm>>
        tpu.wait_dma2 semaphore(%run_scoped3A : memref<!tpu.dma_semaphore, #tpu.memory_space<semaphore_mem>>) src(%dma_wait3A_25 : memref<128x128xf32, #tpu.memory_space<hbm>>) dst(%arg7 : memref<128x128xf32, #tpu.memory_space<vmem>>)
        tpu.yield
      }) : () -> ()
      "tpu.region"() ({
        %run_scoped3A = tpu.sem_alloc : memref<!tpu.dma_semaphore, #tpu.memory_space<semaphore_mem>>
        %dma_start3A = tpu.memref_slice %arg3[%add3A] : memref<10240xi32, #tpu.memory_space<hbm>> -> memref<128xi32, #tpu.memory_space<hbm>>
        %dma_start3A_20 = tpu.memref_slice %arg3[%add3A] : memref<10240xi32, #tpu.memory_space<hbm>> -> memref<128xi32, #tpu.memory_space<hbm>>
        tpu.enqueue_dma source(%dma_start3A_20 : memref<128xi32, #tpu.memory_space<hbm>>) target(%arg6 : memref<128xi32, #tpu.memory_space<vmem>>) target_semaphore(%run_scoped3A : memref<!tpu.dma_semaphore, #tpu.memory_space<semaphore_mem>>)
        %dma_wait3A = tpu.memref_slice %arg3[%add3A] : memref<10240xi32, #tpu.memory_space<hbm>> -> memref<128xi32, #tpu.memory_space<hbm>>
        %dma_wait3A_21 = tpu.memref_slice %arg3[%add3A] : memref<10240xi32, #tpu.memory_space<hbm>> -> memref<128xi32, #tpu.memory_space<hbm>>
        tpu.wait_dma2 semaphore(%run_scoped3A : memref<!tpu.dma_semaphore, #tpu.memory_space<semaphore_mem>>) src(%dma_wait3A_21 : memref<128xi32, #tpu.memory_space<hbm>>) dst(%arg6 : memref<128xi32, #tpu.memory_space<vmem>>)
        tpu.yield
      }) : () -> ()
      "tpu.region"() ({
        %run_scoped3A = tpu.sem_alloc : memref<!tpu.dma_semaphore, #tpu.memory_space<semaphore_mem>>
        %dma_start3A = arith.constant 0 : i32
        %dma_start3A_20 = arith.constant 0 : i32
        %dma_start3A_21 = tpu.memref_slice %arg8[%dma_start3A, %dma_start3A_20] : memref<128x128xf32, #tpu.memory_space<vmem_shared>> -> memref<128x128xf32, #tpu.memory_space<vmem_shared>>
        tpu.enqueue_indirect_dma source(%arg7 : memref<128x128xf32, #tpu.memory_space<vmem>>) target(%dma_start3A_21 : memref<128x128xf32, #tpu.memory_space<vmem_shared>>) offsets(%arg6 : memref<128xi32, #tpu.memory_space<vmem>>) semaphore(%run_scoped3A : memref<!tpu.dma_semaphore, #tpu.memory_space<semaphore_mem>>) {add = true}
        %dma_wait3A = arith.constant 0 : i32
        %dma_wait3A_22 = arith.constant 0 : i32
        %dma_wait3A_23 = tpu.memref_slice %arg8[%dma_wait3A, %dma_wait3A_22] : memref<128x128xf32, #tpu.memory_space<vmem_shared>> -> memref<128x128xf32, #tpu.memory_space<vmem_shared>>
        tpu.wait_indirect_dma semaphore(%run_scoped3A : memref<!tpu.dma_semaphore, #tpu.memory_space<semaphore_mem>>) src(%arg7 : memref<128x128xf32, #tpu.memory_space<vmem>>) dst(%dma_wait3A_23 : memref<128x128xf32, #tpu.memory_space<vmem_shared>>)
        tpu.yield
      }) : () -> ()
    }
    %scan3A_6 = arith.constant 5 : i32
    %barrier3A_7 = arith.constant 0 : index
    tpu.barrier barrier_id(%barrier3A_7)
    %eq3A_8 = arith.constant 0 : i32
    %eq3A_9 = arith.cmpi eq, %arg1, %eq3A_8 : i32
    %convert_element_type3A_10 = arith.extui %eq3A_9 : i1 to i32
    %cond3A_11 = arith.constant 0 : i32
    %cond3A_12 = arith.cmpi ne, %convert_element_type3A_10, %cond3A_11 : i32
    scf.if %cond3A_12 {
      "tpu.region"() ({
        %run_scoped3A = tpu.sem_alloc : memref<!tpu.dma_semaphore, #tpu.memory_space<semaphore_mem>>
        %dma_start3A = arith.constant 0 : i32
        %dma_start3A_13 = arith.constant 0 : i32
        %dma_start3A_14 = tpu.memref_slice %arg5[%arg0, %dma_start3A, %dma_start3A_13] : memref<2x64x128xf32, #tpu.memory_space<hbm>> -> memref<1x64x128xf32, #tpu.memory_space<hbm>>
        %dma_start3A_15 = tpu.memref_squeeze %dma_start3A_14 : memref<1x64x128xf32, #tpu.memory_space<hbm>> -> memref<64x128xf32, #tpu.memory_space<hbm>>
        %dma_start3A_16 = arith.constant 0 : i32
        %dma_start3A_17 = arith.constant 0 : i32
        %dma_start3A_18 = tpu.memref_slice %arg8[%dma_start3A_16, %dma_start3A_17] : memref<128x128xf32, #tpu.memory_space<vmem_shared>> -> memref<64x128xf32, #tpu.memory_space<vmem_shared>>
        tpu.enqueue_dma source(%dma_start3A_18 : memref<64x128xf32, #tpu.memory_space<vmem_shared>>) target(%dma_start3A_15 : memref<64x128xf32, #tpu.memory_space<hbm>>) target_semaphore(%run_scoped3A : memref<!tpu.dma_semaphore, #tpu.memory_space<semaphore_mem>>)
        %dma_wait3A = arith.constant 0 : i32
        %dma_wait3A_19 = arith.constant 0 : i32
        %dma_wait3A_20 = tpu.memref_slice %arg5[%arg0, %dma_wait3A, %dma_wait3A_19] : memref<2x64x128xf32, #tpu.memory_space<hbm>> -> memref<1x64x128xf32, #tpu.memory_space<hbm>>
        %dma_wait3A_21 = tpu.memref_squeeze %dma_wait3A_20 : memref<1x64x128xf32, #tpu.memory_space<hbm>> -> memref<64x128xf32, #tpu.memory_space<hbm>>
        %dma_wait3A_22 = arith.constant 0 : i32
        %dma_wait3A_23 = arith.constant 0 : i32
        %dma_wait3A_24 = tpu.memref_slice %arg8[%dma_wait3A_22, %dma_wait3A_23] : memref<128x128xf32, #tpu.memory_space<vmem_shared>> -> memref<64x128xf32, #tpu.memory_space<vmem_shared>>
        tpu.wait_dma2 semaphore(%run_scoped3A : memref<!tpu.dma_semaphore, #tpu.memory_space<semaphore_mem>>) src(%dma_wait3A_24 : memref<64x128xf32, #tpu.memory_space<vmem_shared>>) dst(%dma_wait3A_21 : memref<64x128xf32, #tpu.memory_space<hbm>>)
        tpu.yield
      }) : () -> ()
    } else {
    }
    return
  }
}

module attributes {stable_mosaic.version = 14 : i64} {
  func.func @_fusion_body(%arg0: i32, %arg1: memref<400x768xf32, #tpu.memory_space<vmem>>, %arg2: memref<400x128xf32, #tpu.memory_space<vmem>>, %arg3: memref<768x256xf32, #tpu.memory_space<vmem>>, %arg4: memref<1x256xf32, #tpu.memory_space<vmem>>, %arg5: memref<128x256xf32, #tpu.memory_space<vmem>>, %arg6: memref<1x256xf32, #tpu.memory_space<vmem>>, %arg7: memref<1x256xf32, #tpu.memory_space<vmem>>, %arg8: memref<1x1xf32, #tpu.memory_space<vmem>>, %arg9: memref<400x256xf32, #tpu.memory_space<vmem>>) attributes {dimension_semantics = [#tpu.dimension_semantics<arbitrary>], iteration_bounds = array<i64: 25>, scalar_prefetch = 0 : i64, scratch_operands = 0 : i64, tpu.core_type = #tpu.core_type<tc>, window_params = [{transform_indices = @transform_0, window_bounds = array<i64: 400, 768>}, {transform_indices = @transform_1, window_bounds = array<i64: 400, 128>}, {pipeline_mode = #tpu.pipeline_mode<synchronous>, transform_indices = @transform_2, window_bounds = array<i64: 768, 256>}, {pipeline_mode = #tpu.pipeline_mode<synchronous>, transform_indices = @transform_3, window_bounds = array<i64: 1, 256>}, {pipeline_mode = #tpu.pipeline_mode<synchronous>, transform_indices = @transform_4, window_bounds = array<i64: 128, 256>}, {pipeline_mode = #tpu.pipeline_mode<synchronous>, transform_indices = @transform_5, window_bounds = array<i64: 1, 256>}, {pipeline_mode = #tpu.pipeline_mode<synchronous>, transform_indices = @transform_6, window_bounds = array<i64: 1, 256>}, {pipeline_mode = #tpu.pipeline_mode<synchronous>, transform_indices = @transform_7, window_bounds = array<i64: 1, 1>}, {transform_indices = @transform_8, window_bounds = array<i64: 400, 256>}]} {
    %get3A = arith.constant 0 : index
    %get3A_0 = arith.constant 0 : index
    %get3A_1 = vector.load %arg1[%get3A, %get3A_0] : memref<400x768xf32, #tpu.memory_space<vmem>>, vector<400x768xf32>
    %get3A_2 = arith.constant 0 : index
    %get3A_3 = arith.constant 0 : index
    %get3A_4 = vector.load %arg3[%get3A_2, %get3A_3] : memref<768x256xf32, #tpu.memory_space<vmem>>, vector<768x256xf32>
    %dot_general3A = arith.constant dense<0.000000e+00> : vector<400x256xf32>
    %dot_general3A_5 = tpu.matmul %get3A_1, %get3A_4, %dot_general3A {dimension_numbers = #tpu.dot_dimension_numbers<[1], [0], [0], [1], [0, 0, 1, 1], [], []>, transpose_lhs_hint = false} : vector<400x768xf32>, vector<768x256xf32>, vector<400x256xf32> -> vector<400x256xf32>
    %get3A_6 = arith.constant 0 : index
    %get3A_7 = arith.constant 0 : index
    %get3A_8 = vector.load %arg4[%get3A_6, %get3A_7] : memref<1x256xf32, #tpu.memory_space<vmem>>, vector<1x256xf32>
    %add3A = vector.broadcast %get3A_8 : vector<1x256xf32> to vector<400x256xf32>
    %add3A_9 = arith.addf %dot_general3A_5, %add3A : vector<400x256xf32>
    %get3A_10 = arith.constant 0 : index
    %get3A_11 = arith.constant 0 : index
    %get3A_12 = vector.load %arg2[%get3A_10, %get3A_11] : memref<400x128xf32, #tpu.memory_space<vmem>>, vector<400x128xf32>
    %get3A_13 = arith.constant 0 : index
    %get3A_14 = arith.constant 0 : index
    %get3A_15 = vector.load %arg5[%get3A_13, %get3A_14] : memref<128x256xf32, #tpu.memory_space<vmem>>, vector<128x256xf32>
    %dot_general3A_16 = arith.constant dense<0.000000e+00> : vector<400x256xf32>
    %dot_general3A_17 = tpu.matmul %get3A_12, %get3A_15, %dot_general3A_16 {dimension_numbers = #tpu.dot_dimension_numbers<[1], [0], [0], [1], [0, 0, 1, 1], [], []>, transpose_lhs_hint = false} : vector<400x128xf32>, vector<128x256xf32>, vector<400x256xf32> -> vector<400x256xf32>
    %get3A_18 = arith.constant 0 : index
    %get3A_19 = arith.constant 0 : index
    %get3A_20 = vector.load %arg6[%get3A_18, %get3A_19] : memref<1x256xf32, #tpu.memory_space<vmem>>, vector<1x256xf32>
    %add3A_21 = vector.broadcast %get3A_20 : vector<1x256xf32> to vector<400x256xf32>
    %add3A_22 = arith.addf %dot_general3A_17, %add3A_21 : vector<400x256xf32>
    %get3A_23 = arith.constant 0 : index
    %get3A_24 = arith.constant 0 : index
    %get3A_25 = vector.load %arg7[%get3A_23, %get3A_24] : memref<1x256xf32, #tpu.memory_space<vmem>>, vector<1x256xf32>
    %mul3A = vector.broadcast %get3A_25 : vector<1x256xf32> to vector<400x256xf32>
    %mul3A_26 = arith.mulf %add3A_9, %mul3A : vector<400x256xf32>
    %reduce_sum3A = arith.constant dense<0.000000e+00> : vector<400xf32>
    %reduce_sum3A_27 = vector.multi_reduction <add>, %mul3A_26, %reduce_sum3A [1] : vector<400x256xf32> to vector<400xf32>
    %broadcast_in_dim3A = vector.shape_cast %reduce_sum3A_27 : vector<400xf32> to vector<400x1xf32>
    %get3A_28 = arith.constant 0 : index
    %get3A_29 = arith.constant 0 : index
    %get3A_30 = vector.load %arg8[%get3A_28, %get3A_29] : memref<1x1xf32, #tpu.memory_space<vmem>>, vector<1x1xf32>
    %add3A_31 = vector.broadcast %get3A_30 : vector<1x1xf32> to vector<400x1xf32>
    %add3A_32 = arith.addf %broadcast_in_dim3A, %add3A_31 : vector<400x1xf32>
    %get3A_33 = arith.constant 0 : index
    %get3A_34 = arith.constant 0 : index
    %get3A_35 = vector.load %arg7[%get3A_33, %get3A_34] : memref<1x256xf32, #tpu.memory_space<vmem>>, vector<1x256xf32>
    %mul3A_36 = vector.broadcast %get3A_35 : vector<1x256xf32> to vector<400x256xf32>
    %mul3A_37 = arith.mulf %add3A_22, %mul3A_36 : vector<400x256xf32>
    %reduce_sum3A_38 = arith.constant dense<0.000000e+00> : vector<400xf32>
    %reduce_sum3A_39 = vector.multi_reduction <add>, %mul3A_37, %reduce_sum3A_38 [1] : vector<400x256xf32> to vector<400xf32>
    %broadcast_in_dim3A_40 = vector.shape_cast %reduce_sum3A_39 : vector<400xf32> to vector<400x1xf32>
    %get3A_41 = arith.constant 0 : index
    %get3A_42 = arith.constant 0 : index
    %get3A_43 = vector.load %arg8[%get3A_41, %get3A_42] : memref<1x1xf32, #tpu.memory_space<vmem>>, vector<1x1xf32>
    %add3A_44 = vector.broadcast %get3A_43 : vector<1x1xf32> to vector<400x1xf32>
    %add3A_45 = arith.addf %broadcast_in_dim3A_40, %add3A_44 : vector<400x1xf32>
    %max3A = arith.maximumf %add3A_32, %add3A_45 : vector<400x1xf32>
    %sub3A = arith.subf %add3A_32, %max3A : vector<400x1xf32>
    %exp3A = math.exp %sub3A : vector<400x1xf32>
    %sub3A_46 = arith.subf %add3A_45, %max3A : vector<400x1xf32>
    %exp3A_47 = math.exp %sub3A_46 : vector<400x1xf32>
    %mul3A_48 = vector.broadcast %exp3A : vector<400x1xf32> to vector<400x256xf32>
    %mul3A_49 = arith.mulf %mul3A_48, %add3A_9 : vector<400x256xf32>
    %mul3A_50 = vector.broadcast %exp3A_47 : vector<400x1xf32> to vector<400x256xf32>
    %mul3A_51 = arith.mulf %mul3A_50, %add3A_22 : vector<400x256xf32>
    %add3A_52 = arith.addf %mul3A_49, %mul3A_51 : vector<400x256xf32>
    %add3A_53 = arith.addf %exp3A, %exp3A_47 : vector<400x1xf32>
    %div3A = vector.broadcast %add3A_53 : vector<400x1xf32> to vector<400x256xf32>
    %div3A_54 = arith.divf %add3A_52, %div3A : vector<400x256xf32>
    %swap3A = arith.constant 0 : index
    %swap3A_55 = arith.constant 0 : index
    %swap3A_56 = vector.load %arg9[%swap3A, %swap3A_55] : memref<400x256xf32, #tpu.memory_space<vmem>>, vector<400x256xf32>
    tpu.vector_store %arg9[%swap3A, %swap3A_55], %div3A_54 {strides = array<i32>} : memref<400x256xf32, #tpu.memory_space<vmem>>, vector<400x256xf32>,
    return
  }
  func.func @transform_0(%arg0: i32) -> (i32, i32) {
    %c0_i32 = arith.constant 0 : i32
    %c0_i32_0 = arith.constant 0 : i32
    return %arg0, %c0_i32 : i32, i32
  }
  func.func @transform_1(%arg0: i32) -> (i32, i32) {
    %c0_i32 = arith.constant 0 : i32
    %c0_i32_0 = arith.constant 0 : i32
    return %arg0, %c0_i32 : i32, i32
  }
  func.func @transform_2(%arg0: i32) -> (i32, i32) {
    %c0_i32 = arith.constant 0 : i32
    %c0_i32_0 = arith.constant 0 : i32
    %c0_i32_1 = arith.constant 0 : i32
    return %c0_i32, %c0_i32_0 : i32, i32
  }
  func.func @transform_3(%arg0: i32) -> (i32, i32) {
    %c0_i32 = arith.constant 0 : i32
    %c0_i32_0 = arith.constant 0 : i32
    %c0_i32_1 = arith.constant 0 : i32
    return %c0_i32, %c0_i32_0 : i32, i32
  }
  func.func @transform_4(%arg0: i32) -> (i32, i32) {
    %c0_i32 = arith.constant 0 : i32
    %c0_i32_0 = arith.constant 0 : i32
    %c0_i32_1 = arith.constant 0 : i32
    return %c0_i32, %c0_i32_0 : i32, i32
  }
  func.func @transform_5(%arg0: i32) -> (i32, i32) {
    %c0_i32 = arith.constant 0 : i32
    %c0_i32_0 = arith.constant 0 : i32
    %c0_i32_1 = arith.constant 0 : i32
    return %c0_i32, %c0_i32_0 : i32, i32
  }
  func.func @transform_6(%arg0: i32) -> (i32, i32) {
    %c0_i32 = arith.constant 0 : i32
    %c0_i32_0 = arith.constant 0 : i32
    %c0_i32_1 = arith.constant 0 : i32
    return %c0_i32, %c0_i32_0 : i32, i32
  }
  func.func @transform_7(%arg0: i32) -> (i32, i32) {
    %c0_i32 = arith.constant 0 : i32
    %c0_i32_0 = arith.constant 0 : i32
    %c0_i32_1 = arith.constant 0 : i32
    return %c0_i32, %c0_i32_0 : i32, i32
  }
  func.func @transform_8(%arg0: i32) -> (i32, i32) {
    %c0_i32 = arith.constant 0 : i32
    %c0_i32_0 = arith.constant 0 : i32
    return %arg0, %c0_i32 : i32, i32
  }
}

module attributes {stable_mosaic.version = 14 : i64} {
  func.func @_dinv_body(%arg0: i32, %arg1: memref<2x320x128xf32, #tpu.memory_space<vmem>>, %arg2: memref<320x8xf32, #tpu.memory_space<vmem>>) attributes {dimension_semantics = [#tpu.dimension_semantics<arbitrary>], iteration_bounds = array<i64: 32>, scalar_prefetch = 0 : i64, scratch_operands = 0 : i64, tpu.core_type = #tpu.core_type<tc>, window_params = [{transform_indices = @transform_0, window_bounds = array<i64: 2, 320, 128>}, {transform_indices = @transform_1, window_bounds = array<i64: 320, 8>}]} {
    %get3A = arith.constant 0 : index
    %get3A_0 = arith.constant 0 : index
    %get3A_1 = arith.constant 0 : index
    %get3A_2 = vector.load %arg1[%get3A, %get3A_0, %get3A_1] : memref<2x320x128xf32, #tpu.memory_space<vmem>>, vector<2x320x128xf32>
    %reduce_sum3A = arith.constant dense<0.000000e+00> : vector<320xf32>
    %reduce_sum3A_3 = vector.multi_reduction <add>, %get3A_2, %reduce_sum3A [0, 2] : vector<2x320x128xf32> to vector<320xf32>
    %mul3A = arith.constant 7.812500e-03 : f32
    %mul3A_4 = vector.broadcast %mul3A : f32 to vector<320xf32>
    %mul3A_5 = arith.mulf %reduce_sum3A_3, %mul3A_4 : vector<320xf32>
    %add3A = arith.constant 1.000000e+00 : f32
    %add3A_6 = vector.broadcast %add3A : f32 to vector<320xf32>
    %add3A_7 = arith.addf %mul3A_5, %add3A_6 : vector<320xf32>
    %rsqrt3A = math.rsqrt %add3A_7 : vector<320xf32>
    %broadcast_in_dim3A = vector.shape_cast %rsqrt3A : vector<320xf32> to vector<320x1xf32>
    %broadcast_in_dim3A_8 = vector.shape_cast %broadcast_in_dim3A : vector<320x1xf32> to vector<320x1xf32>
    %broadcast_in_dim3A_9 = vector.broadcast %broadcast_in_dim3A_8 : vector<320x1xf32> to vector<320x8xf32>
    %swap3A = arith.constant 0 : index
    %swap3A_10 = arith.constant 0 : index
    %swap3A_11 = vector.load %arg2[%swap3A, %swap3A_10] : memref<320x8xf32, #tpu.memory_space<vmem>>, vector<320x8xf32>
    tpu.vector_store %arg2[%swap3A, %swap3A_10], %broadcast_in_dim3A_9 {strides = array<i32>} : memref<320x8xf32, #tpu.memory_space<vmem>>, vector<320x8xf32>,
    return
  }
  func.func @transform_0(%arg0: i32) -> (i32, i32, i32) {
    %c0_i32 = arith.constant 0 : i32
    %c0_i32_0 = arith.constant 0 : i32
    %c0_i32_1 = arith.constant 0 : i32
    return %c0_i32, %arg0, %c0_i32_0 : i32, i32, i32
  }
  func.func @transform_1(%arg0: i32) -> (i32, i32) {
    %c0_i32 = arith.constant 0 : i32
    %c0_i32_0 = arith.constant 0 : i32
    return %arg0, %c0_i32 : i32, i32
  }
}

module attributes {stable_mosaic.version = 14 : i64} {
  func.func @_t1_body(%arg0: i32, %arg1: memref<320x256xf32, #tpu.memory_space<vmem>>, %arg2: memref<320x8xf32, #tpu.memory_space<vmem>>, %arg3: memref<256x256xf32, #tpu.memory_space<vmem>>, %arg4: memref<2x320x128xf32, #tpu.memory_space<vmem>>) attributes {dimension_semantics = [#tpu.dimension_semantics<arbitrary>], iteration_bounds = array<i64: 32>, scalar_prefetch = 0 : i64, scratch_operands = 0 : i64, tpu.core_type = #tpu.core_type<tc>, window_params = [{transform_indices = @transform_0, window_bounds = array<i64: 320, 256>}, {transform_indices = @transform_1, window_bounds = array<i64: 320, 8>}, {pipeline_mode = #tpu.pipeline_mode<synchronous>, transform_indices = @transform_2, window_bounds = array<i64: 256, 256>}, {transform_indices = @transform_3, window_bounds = array<i64: 2, 320, 128>}]} {
    %get3A = arith.constant 0 : index
    %get3A_0 = arith.constant 0 : index
    %get3A_1 = vector.load %arg2[%get3A, %get3A_0] : memref<320x8xf32, #tpu.memory_space<vmem>>, vector<320x8xf32>
    %slice3A = vector.extract_strided_slice %get3A_1 {offsets = [0, 0], sizes = [320, 1], strides = [1, 1]} : vector<320x8xf32> to vector<320x1xf32>
    %get3A_2 = arith.constant 0 : index
    %get3A_3 = arith.constant 0 : index
    %get3A_4 = vector.load %arg1[%get3A_2, %get3A_3] : memref<320x256xf32, #tpu.memory_space<vmem>>, vector<320x256xf32>
    %get3A_5 = arith.constant 0 : index
    %get3A_6 = arith.constant 0 : index
    %get3A_7 = vector.load %arg3[%get3A_5, %get3A_6] : memref<256x256xf32, #tpu.memory_space<vmem>>, vector<256x256xf32>
    %dot_general3A = arith.constant dense<0.000000e+00> : vector<320x256xf32>
    %dot_general3A_8 = tpu.matmul %get3A_4, %get3A_7, %dot_general3A {dimension_numbers = #tpu.dot_dimension_numbers<[1], [0], [0], [1], [0, 0, 1, 1], [], []>, transpose_lhs_hint = false} : vector<320x256xf32>, vector<256x256xf32>, vector<320x256xf32> -> vector<320x256xf32>
    %mul3A = vector.broadcast %slice3A : vector<320x1xf32> to vector<320x256xf32>
    %mul3A_9 = arith.mulf %dot_general3A_8, %mul3A : vector<320x256xf32>
    %slice3A_10 = vector.extract_strided_slice %mul3A_9 {offsets = [0, 0], sizes = [320, 128], strides = [1, 1]} : vector<320x256xf32> to vector<320x128xf32>
    %swap3A = arith.constant 0 : index
    %swap3A_11 = arith.constant 0 : index
    %swap3A_12 = arith.constant 0 : index
    %swap3A_13 = vector.load %arg4[%swap3A, %swap3A_11, %swap3A_12] : memref<2x320x128xf32, #tpu.memory_space<vmem>>, vector<1x320x128xf32>
    %swap3A_14 = vector.shape_cast %swap3A_13 : vector<1x320x128xf32> to vector<320x128xf32>
    %swap3A_15 = vector.shape_cast %slice3A_10 : vector<320x128xf32> to vector<1x320x128xf32>
    tpu.vector_store %arg4[%swap3A, %swap3A_11, %swap3A_12], %swap3A_15 {strides = array<i32>} : memref<2x320x128xf32, #tpu.memory_space<vmem>>, vector<1x320x128xf32>,
    %slice3A_16 = vector.extract_strided_slice %mul3A_9 {offsets = [0, 128], sizes = [320, 128], strides = [1, 1]} : vector<320x256xf32> to vector<320x128xf32>
    %swap3A_17 = arith.constant 1 : index
    %swap3A_18 = arith.constant 0 : index
    %swap3A_19 = arith.constant 0 : index
    %swap3A_20 = vector.load %arg4[%swap3A_17, %swap3A_18, %swap3A_19] : memref<2x320x128xf32, #tpu.memory_space<vmem>>, vector<1x320x128xf32>
    %swap3A_21 = vector.shape_cast %swap3A_20 : vector<1x320x128xf32> to vector<320x128xf32>
    %swap3A_22 = vector.shape_cast %slice3A_16 : vector<320x128xf32> to vector<1x320x128xf32>
    tpu.vector_store %arg4[%swap3A_17, %swap3A_18, %swap3A_19], %swap3A_22 {strides = array<i32>} : memref<2x320x128xf32, #tpu.memory_space<vmem>>, vector<1x320x128xf32>,
    return
  }
  func.func @transform_0(%arg0: i32) -> (i32, i32) {
    %c0_i32 = arith.constant 0 : i32
    %c0_i32_0 = arith.constant 0 : i32
    return %arg0, %c0_i32 : i32, i32
  }
  func.func @transform_1(%arg0: i32) -> (i32, i32) {
    %c0_i32 = arith.constant 0 : i32
    %c0_i32_0 = arith.constant 0 : i32
    return %arg0, %c0_i32 : i32, i32
  }
  func.func @transform_2(%arg0: i32) -> (i32, i32) {
    %c0_i32 = arith.constant 0 : i32
    %c0_i32_0 = arith.constant 0 : i32
    %c0_i32_1 = arith.constant 0 : i32
    return %c0_i32, %c0_i32_0 : i32, i32
  }
  func.func @transform_3(%arg0: i32) -> (i32, i32, i32) {
    %c0_i32 = arith.constant 0 : i32
    %c0_i32_0 = arith.constant 0 : i32
    %c0_i32_1 = arith.constant 0 : i32
    return %c0_i32, %arg0, %c0_i32_0 : i32, i32, i32
  }
}

module attributes {stable_mosaic.version = 14 : i64} {
  func.func @_t2_body(%arg0: i32, %arg1: memref<2x320x128xf32, #tpu.memory_space<vmem>>, %arg2: memref<320x8xf32, #tpu.memory_space<vmem>>, %arg3: memref<1x256xf32, #tpu.memory_space<vmem>>, %arg4: memref<256x256xf32, #tpu.memory_space<vmem>>, %arg5: memref<2x320x128xf32, #tpu.memory_space<vmem>>) attributes {dimension_semantics = [#tpu.dimension_semantics<arbitrary>], iteration_bounds = array<i64: 32>, scalar_prefetch = 0 : i64, scratch_operands = 0 : i64, tpu.core_type = #tpu.core_type<tc>, window_params = [{transform_indices = @transform_0, window_bounds = array<i64: 2, 320, 128>}, {transform_indices = @transform_1, window_bounds = array<i64: 320, 8>}, {pipeline_mode = #tpu.pipeline_mode<synchronous>, transform_indices = @transform_2, window_bounds = array<i64: 1, 256>}, {pipeline_mode = #tpu.pipeline_mode<synchronous>, transform_indices = @transform_3, window_bounds = array<i64: 256, 256>}, {transform_indices = @transform_4, window_bounds = array<i64: 2, 320, 128>}]} {
    %get3A = arith.constant 0 : index
    %get3A_0 = arith.constant 0 : index
    %get3A_1 = vector.load %arg2[%get3A, %get3A_0] : memref<320x8xf32, #tpu.memory_space<vmem>>, vector<320x8xf32>
    %slice3A = vector.extract_strided_slice %get3A_1 {offsets = [0, 0], sizes = [320, 1], strides = [1, 1]} : vector<320x8xf32> to vector<320x1xf32>
    %get3A_2 = arith.constant 0 : index
    %get3A_3 = arith.constant 0 : index
    %get3A_4 = arith.constant 0 : index
    %get3A_5 = vector.load %arg1[%get3A_2, %get3A_3, %get3A_4] : memref<2x320x128xf32, #tpu.memory_space<vmem>>, vector<1x320x128xf32>
    %get3A_6 = vector.shape_cast %get3A_5 : vector<1x320x128xf32> to vector<320x128xf32>
    %get3A_7 = arith.constant 1 : index
    %get3A_8 = arith.constant 0 : index
    %get3A_9 = arith.constant 0 : index
    %get3A_10 = vector.load %arg1[%get3A_7, %get3A_8, %get3A_9] : memref<2x320x128xf32, #tpu.memory_space<vmem>>, vector<1x320x128xf32>
    %get3A_11 = vector.shape_cast %get3A_10 : vector<1x320x128xf32> to vector<320x128xf32>
    %concatenate3A = tpu.concatenate %get3A_6, %get3A_11 in 1 : vector<320x128xf32>, vector<320x128xf32> -> vector<320x256xf32>
    %mul3A = vector.broadcast %slice3A : vector<320x1xf32> to vector<320x256xf32>
    %mul3A_12 = arith.mulf %concatenate3A, %mul3A : vector<320x256xf32>
    %get3A_13 = arith.constant 0 : index
    %get3A_14 = arith.constant 0 : index
    %get3A_15 = vector.load %arg3[%get3A_13, %get3A_14] : memref<1x256xf32, #tpu.memory_space<vmem>>, vector<1x256xf32>
    %add3A = vector.broadcast %get3A_15 : vector<1x256xf32> to vector<320x256xf32>
    %add3A_16 = arith.addf %mul3A_12, %add3A : vector<320x256xf32>
    %max3A = arith.constant 0.000000e+00 : f32
    %max3A_17 = vector.broadcast %max3A : f32 to vector<320x256xf32>
    %max3A_18 = arith.maximumf %add3A_16, %max3A_17 : vector<320x256xf32>
    %get3A_19 = arith.constant 0 : index
    %get3A_20 = arith.constant 0 : index
    %get3A_21 = vector.load %arg4[%get3A_19, %get3A_20] : memref<256x256xf32, #tpu.memory_space<vmem>>, vector<256x256xf32>
    %dot_general3A = arith.constant dense<0.000000e+00> : vector<320x256xf32>
    %dot_general3A_22 = tpu.matmul %max3A_18, %get3A_21, %dot_general3A {dimension_numbers = #tpu.dot_dimension_numbers<[1], [0], [0], [1], [0, 0, 1, 1], [], []>, transpose_lhs_hint = false} : vector<320x256xf32>, vector<256x256xf32>, vector<320x256xf32> -> vector<320x256xf32>
    %mul3A_23 = vector.broadcast %slice3A : vector<320x1xf32> to vector<320x256xf32>
    %mul3A_24 = arith.mulf %dot_general3A_22, %mul3A_23 : vector<320x256xf32>
    %slice3A_25 = vector.extract_strided_slice %mul3A_24 {offsets = [0, 0], sizes = [320, 128], strides = [1, 1]} : vector<320x256xf32> to vector<320x128xf32>
    %swap3A = arith.constant 0 : index
    %swap3A_26 = arith.constant 0 : index
    %swap3A_27 = arith.constant 0 : index
    %swap3A_28 = vector.load %arg5[%swap3A, %swap3A_26, %swap3A_27] : memref<2x320x128xf32, #tpu.memory_space<vmem>>, vector<1x320x128xf32>
    %swap3A_29 = vector.shape_cast %swap3A_28 : vector<1x320x128xf32> to vector<320x128xf32>
    %swap3A_30 = vector.shape_cast %slice3A_25 : vector<320x128xf32> to vector<1x320x128xf32>
    tpu.vector_store %arg5[%swap3A, %swap3A_26, %swap3A_27], %swap3A_30 {strides = array<i32>} : memref<2x320x128xf32, #tpu.memory_space<vmem>>, vector<1x320x128xf32>,
    %slice3A_31 = vector.extract_strided_slice %mul3A_24 {offsets = [0, 128], sizes = [320, 128], strides = [1, 1]} : vector<320x256xf32> to vector<320x128xf32>
    %swap3A_32 = arith.constant 1 : index
    %swap3A_33 = arith.constant 0 : index
    %swap3A_34 = arith.constant 0 : index
    %swap3A_35 = vector.load %arg5[%swap3A_32, %swap3A_33, %swap3A_34] : memref<2x320x128xf32, #tpu.memory_space<vmem>>, vector<1x320x128xf32>
    %swap3A_36 = vector.shape_cast %swap3A_35 : vector<1x320x128xf32> to vector<320x128xf32>
    %swap3A_37 = vector.shape_cast %slice3A_31 : vector<320x128xf32> to vector<1x320x128xf32>
    tpu.vector_store %arg5[%swap3A_32, %swap3A_33, %swap3A_34], %swap3A_37 {strides = array<i32>} : memref<2x320x128xf32, #tpu.memory_space<vmem>>, vector<1x320x128xf32>,
    return
  }
  func.func @transform_0(%arg0: i32) -> (i32, i32, i32) {
    %c0_i32 = arith.constant 0 : i32
    %c0_i32_0 = arith.constant 0 : i32
    %c0_i32_1 = arith.constant 0 : i32
    return %c0_i32, %arg0, %c0_i32_0 : i32, i32, i32
  }
  func.func @transform_1(%arg0: i32) -> (i32, i32) {
    %c0_i32 = arith.constant 0 : i32
    %c0_i32_0 = arith.constant 0 : i32
    return %arg0, %c0_i32 : i32, i32
  }
  func.func @transform_2(%arg0: i32) -> (i32, i32) {
    %c0_i32 = arith.constant 0 : i32
    %c0_i32_0 = arith.constant 0 : i32
    %c0_i32_1 = arith.constant 0 : i32
    return %c0_i32, %c0_i32_0 : i32, i32
  }
  func.func @transform_3(%arg0: i32) -> (i32, i32) {
    %c0_i32 = arith.constant 0 : i32
    %c0_i32_0 = arith.constant 0 : i32
    %c0_i32_1 = arith.constant 0 : i32
    return %c0_i32, %c0_i32_0 : i32, i32
  }
  func.func @transform_4(%arg0: i32) -> (i32, i32, i32) {
    %c0_i32 = arith.constant 0 : i32
    %c0_i32_0 = arith.constant 0 : i32
    %c0_i32_1 = arith.constant 0 : i32
    return %c0_i32, %arg0, %c0_i32_0 : i32, i32, i32
  }
}

module attributes {stable_mosaic.version = 14 : i64} {
  func.func @_h2_body(%arg0: i32, %arg1: memref<2x320x128xf32, #tpu.memory_space<vmem>>, %arg2: memref<320x8xf32, #tpu.memory_space<vmem>>, %arg3: memref<1x256xf32, #tpu.memory_space<vmem>>, %arg4: memref<2x320x128xf32, #tpu.memory_space<vmem>>) attributes {dimension_semantics = [#tpu.dimension_semantics<arbitrary>], iteration_bounds = array<i64: 32>, scalar_prefetch = 0 : i64, scratch_operands = 0 : i64, tpu.core_type = #tpu.core_type<tc>, window_params = [{transform_indices = @transform_0, window_bounds = array<i64: 2, 320, 128>}, {transform_indices = @transform_1, window_bounds = array<i64: 320, 8>}, {pipeline_mode = #tpu.pipeline_mode<synchronous>, transform_indices = @transform_2, window_bounds = array<i64: 1, 256>}, {transform_indices = @transform_3, window_bounds = array<i64: 2, 320, 128>}]} {
    %get3A = arith.constant 0 : index
    %get3A_0 = arith.constant 0 : index
    %get3A_1 = vector.load %arg2[%get3A, %get3A_0] : memref<320x8xf32, #tpu.memory_space<vmem>>, vector<320x8xf32>
    %slice3A = vector.extract_strided_slice %get3A_1 {offsets = [0, 0], sizes = [320, 1], strides = [1, 1]} : vector<320x8xf32> to vector<320x1xf32>
    %get3A_2 = arith.constant 0 : index
    %get3A_3 = arith.constant 0 : index
    %get3A_4 = arith.constant 0 : index
    %get3A_5 = vector.load %arg1[%get3A_2, %get3A_3, %get3A_4] : memref<2x320x128xf32, #tpu.memory_space<vmem>>, vector<1x320x128xf32>
    %get3A_6 = vector.shape_cast %get3A_5 : vector<1x320x128xf32> to vector<320x128xf32>
    %get3A_7 = arith.constant 1 : index
    %get3A_8 = arith.constant 0 : index
    %get3A_9 = arith.constant 0 : index
    %get3A_10 = vector.load %arg1[%get3A_7, %get3A_8, %get3A_9] : memref<2x320x128xf32, #tpu.memory_space<vmem>>, vector<1x320x128xf32>
    %get3A_11 = vector.shape_cast %get3A_10 : vector<1x320x128xf32> to vector<320x128xf32>
    %concatenate3A = tpu.concatenate %get3A_6, %get3A_11 in 1 : vector<320x128xf32>, vector<320x128xf32> -> vector<320x256xf32>
    %mul3A = vector.broadcast %slice3A : vector<320x1xf32> to vector<320x256xf32>
    %mul3A_12 = arith.mulf %concatenate3A, %mul3A : vector<320x256xf32>
    %get3A_13 = arith.constant 0 : index
    %get3A_14 = arith.constant 0 : index
    %get3A_15 = vector.load %arg3[%get3A_13, %get3A_14] : memref<1x256xf32, #tpu.memory_space<vmem>>, vector<1x256xf32>
    %add3A = vector.broadcast %get3A_15 : vector<1x256xf32> to vector<320x256xf32>
    %add3A_16 = arith.addf %mul3A_12, %add3A : vector<320x256xf32>
    %max3A = arith.constant 0.000000e+00 : f32
    %max3A_17 = vector.broadcast %max3A : f32 to vector<320x256xf32>
    %max3A_18 = arith.maximumf %add3A_16, %max3A_17 : vector<320x256xf32>
    %slice3A_19 = vector.extract_strided_slice %max3A_18 {offsets = [0, 0], sizes = [320, 128], strides = [1, 1]} : vector<320x256xf32> to vector<320x128xf32>
    %swap3A = arith.constant 0 : index
    %swap3A_20 = arith.constant 0 : index
    %swap3A_21 = arith.constant 0 : index
    %swap3A_22 = vector.load %arg4[%swap3A, %swap3A_20, %swap3A_21] : memref<2x320x128xf32, #tpu.memory_space<vmem>>, vector<1x320x128xf32>
    %swap3A_23 = vector.shape_cast %swap3A_22 : vector<1x320x128xf32> to vector<320x128xf32>
    %swap3A_24 = vector.shape_cast %slice3A_19 : vector<320x128xf32> to vector<1x320x128xf32>
    tpu.vector_store %arg4[%swap3A, %swap3A_20, %swap3A_21], %swap3A_24 {strides = array<i32>} : memref<2x320x128xf32, #tpu.memory_space<vmem>>, vector<1x320x128xf32>,
    %slice3A_25 = vector.extract_strided_slice %max3A_18 {offsets = [0, 128], sizes = [320, 128], strides = [1, 1]} : vector<320x256xf32> to vector<320x128xf32>
    %swap3A_26 = arith.constant 1 : index
    %swap3A_27 = arith.constant 0 : index
    %swap3A_28 = arith.constant 0 : index
    %swap3A_29 = vector.load %arg4[%swap3A_26, %swap3A_27, %swap3A_28] : memref<2x320x128xf32, #tpu.memory_space<vmem>>, vector<1x320x128xf32>
    %swap3A_30 = vector.shape_cast %swap3A_29 : vector<1x320x128xf32> to vector<320x128xf32>
    %swap3A_31 = vector.shape_cast %slice3A_25 : vector<320x128xf32> to vector<1x320x128xf32>
    tpu.vector_store %arg4[%swap3A_26, %swap3A_27, %swap3A_28], %swap3A_31 {strides = array<i32>} : memref<2x320x128xf32, #tpu.memory_space<vmem>>, vector<1x320x128xf32>,
    return
  }
  func.func @transform_0(%arg0: i32) -> (i32, i32, i32) {
    %c0_i32 = arith.constant 0 : i32
    %c0_i32_0 = arith.constant 0 : i32
    %c0_i32_1 = arith.constant 0 : i32
    return %c0_i32, %arg0, %c0_i32_0 : i32, i32, i32
  }
  func.func @transform_1(%arg0: i32) -> (i32, i32) {
    %c0_i32 = arith.constant 0 : i32
    %c0_i32_0 = arith.constant 0 : i32
    return %arg0, %c0_i32 : i32, i32
  }
  func.func @transform_2(%arg0: i32) -> (i32, i32) {
    %c0_i32 = arith.constant 0 : i32
    %c0_i32_0 = arith.constant 0 : i32
    %c0_i32_1 = arith.constant 0 : i32
    return %c0_i32, %c0_i32_0 : i32, i32
  }
  func.func @transform_3(%arg0: i32) -> (i32, i32, i32) {
    %c0_i32 = arith.constant 0 : i32
    %c0_i32_0 = arith.constant 0 : i32
    %c0_i32_1 = arith.constant 0 : i32
    return %c0_i32, %arg0, %c0_i32_0 : i32, i32, i32
  }
}

module attributes {stable_mosaic.version = 14 : i64} {
  func.func @_cls_body(%arg0: memref<2x64x128xf32, #tpu.memory_space<vmem>>, %arg1: memref<2x128x128xf32, #tpu.memory_space<vmem>>, %arg2: memref<256x128xf32, #tpu.memory_space<vmem>>, %arg3: memref<1x128xf32, #tpu.memory_space<vmem>>, %arg4: memref<128x10xf32, #tpu.memory_space<vmem>>, %arg5: memref<1x10xf32, #tpu.memory_space<vmem>>, %arg6: memref<64x10xf32, #tpu.memory_space<vmem>>) attributes {dimension_semantics = [], scalar_prefetch = 0 : i64, scratch_operands = 0 : i64, tpu.core_type = #tpu.core_type<tc>} {
    %get3A = arith.constant 0 : index
    %get3A_0 = arith.constant 0 : index
    %get3A_1 = arith.constant 0 : index
    %get3A_2 = vector.load %arg1[%get3A, %get3A_0, %get3A_1] : memref<2x128x128xf32, #tpu.memory_space<vmem>>, vector<2x128x128xf32>
    %reduce_sum3A = arith.constant dense<0.000000e+00> : vector<128xf32>
    %reduce_sum3A_3 = vector.multi_reduction <add>, %get3A_2, %reduce_sum3A [0, 2] : vector<2x128x128xf32> to vector<128xf32>
    %mul3A = arith.constant 7.812500e-03 : f32
    %mul3A_4 = vector.broadcast %mul3A : f32 to vector<128xf32>
    %mul3A_5 = arith.mulf %reduce_sum3A_3, %mul3A_4 : vector<128xf32>
    %get3A_6 = arith.constant 0 : index
    %get3A_7 = arith.constant 0 : index
    %get3A_8 = arith.constant 0 : index
    %get3A_9 = vector.load %arg0[%get3A_6, %get3A_7, %get3A_8] : memref<2x64x128xf32, #tpu.memory_space<vmem>>, vector<1x64x128xf32>
    %get3A_10 = vector.shape_cast %get3A_9 : vector<1x64x128xf32> to vector<64x128xf32>
    %get3A_11 = arith.constant 1 : index
    %get3A_12 = arith.constant 0 : index
    %get3A_13 = arith.constant 0 : index
    %get3A_14 = vector.load %arg0[%get3A_11, %get3A_12, %get3A_13] : memref<2x64x128xf32, #tpu.memory_space<vmem>>, vector<1x64x128xf32>
    %get3A_15 = vector.shape_cast %get3A_14 : vector<1x64x128xf32> to vector<64x128xf32>
    %concatenate3A = tpu.concatenate %get3A_10, %get3A_15 in 1 : vector<64x128xf32>, vector<64x128xf32> -> vector<64x256xf32>
    %slice3A = vector.extract_strided_slice %mul3A_5 {offsets = [0], sizes = [64], strides = [1]} : vector<128xf32> to vector<64xf32>
    %max3A = arith.constant 1.000000e+00 : f32
    %max3A_16 = vector.broadcast %max3A : f32 to vector<64xf32>
    %max3A_17 = arith.maximumf %slice3A, %max3A_16 : vector<64xf32>
    %broadcast_in_dim3A = vector.shape_cast %max3A_17 : vector<64xf32> to vector<64x1xf32>
    %div3A = vector.broadcast %broadcast_in_dim3A : vector<64x1xf32> to vector<64x256xf32>
    %div3A_18 = arith.divf %concatenate3A, %div3A : vector<64x256xf32>
    %get3A_19 = arith.constant 0 : index
    %get3A_20 = arith.constant 0 : index
    %get3A_21 = vector.load %arg2[%get3A_19, %get3A_20] : memref<256x128xf32, #tpu.memory_space<vmem>>, vector<256x128xf32>
    %dot_general3A = arith.constant dense<0.000000e+00> : vector<64x128xf32>
    %dot_general3A_22 = tpu.matmul %div3A_18, %get3A_21, %dot_general3A {dimension_numbers = #tpu.dot_dimension_numbers<[1], [0], [0], [1], [0, 0, 1, 1], [], []>, transpose_lhs_hint = false} : vector<64x256xf32>, vector<256x128xf32>, vector<64x128xf32> -> vector<64x128xf32>
    %get3A_23 = arith.constant 0 : index
    %get3A_24 = arith.constant 0 : index
    %get3A_25 = vector.load %arg3[%get3A_23, %get3A_24] : memref<1x128xf32, #tpu.memory_space<vmem>>, vector<1x128xf32>
    %add3A = vector.broadcast %get3A_25 : vector<1x128xf32> to vector<64x128xf32>
    %add3A_26 = arith.addf %dot_general3A_22, %add3A : vector<64x128xf32>
    %max3A_27 = arith.constant 0.000000e+00 : f32
    %max3A_28 = vector.broadcast %max3A_27 : f32 to vector<64x128xf32>
    %max3A_29 = arith.maximumf %add3A_26, %max3A_28 : vector<64x128xf32>
    %get3A_30 = arith.constant 0 : index
    %get3A_31 = arith.constant 0 : index
    %get3A_32 = vector.load %arg4[%get3A_30, %get3A_31] : memref<128x10xf32, #tpu.memory_space<vmem>>, vector<128x10xf32>
    %dot_general3A_33 = arith.constant dense<0.000000e+00> : vector<64x10xf32>
    %dot_general3A_34 = tpu.matmul %max3A_29, %get3A_32, %dot_general3A_33 {dimension_numbers = #tpu.dot_dimension_numbers<[1], [0], [0], [1], [0, 0, 1, 1], [], []>, transpose_lhs_hint = false} : vector<64x128xf32>, vector<128x10xf32>, vector<64x10xf32> -> vector<64x10xf32>
    %get3A_35 = arith.constant 0 : index
    %get3A_36 = arith.constant 0 : index
    %get3A_37 = vector.load %arg5[%get3A_35, %get3A_36] : memref<1x10xf32, #tpu.memory_space<vmem>>, vector<1x10xf32>
    %add3A_38 = vector.broadcast %get3A_37 : vector<1x10xf32> to vector<64x10xf32>
    %add3A_39 = arith.addf %dot_general3A_34, %add3A_38 : vector<64x10xf32>
    %swap3A = arith.constant 0 : index
    %swap3A_40 = arith.constant 0 : index
    %swap3A_41 = vector.load %arg6[%swap3A, %swap3A_40] : memref<64x10xf32, #tpu.memory_space<vmem>>, vector<64x10xf32>
    tpu.vector_store %arg6[%swap3A, %swap3A_40], %add3A_39 {strides = array<i32>} : memref<64x10xf32, #tpu.memory_space<vmem>>, vector<64x10xf32>,
    return
  }
}

</mosaic_0001>

<sc_bundles>
// kernel: kernel.12.cloned.1.call-start
scs
__scs_entry_jumppad:
0x0: {  	(pc) =	sbr.rel $0x88, $3  }
0x1: {  	(tag) =	ssettag $0x0;
	lr =	simm.s32 $0x1  }
0x2: {  	[smem:$0x3F8F] =	sst lr;
	_ =	strace $0xD0000000  }
0x3: {  	_ = 	snop  }
0x4: {  	_ = 	snop  }
0x5: {  	_ = 	snop  }
0x6: {  	_ = 	snop  }
0x7: {  	_ = 	snop  }
__scs_overlays_trampoline_lowered:
0x8: {  	[smem:$0x3F9E] =	sst s0  }
0x9: {  	[smem:$0x3F9F] =	sst s1  }
0xa: {  	[smem:$0x3FA0] =	sst s2  }
0xb: {  	[smem:$0x3FA1] =	sst s3  }
0xc: {  	[smem:$0x3FA2] =	sst s4  }
0xd: {  	[smem:$0x3FA3] =	sst s5  }
0xe: {  	[smem:$0x3FA4] =	sst s6  }
0xf: {  	[smem:$0x3FA5] =	sst s7  }
0x10: {  	[smem:$0x3FA6] =	sst s8  }
0x11: {  	[smem:$0x3FA7] =	sst s9;
	s0 =	simm.s32 @!p0 $0x0  }
0x12: {  	s1 =	sld [smem:$0x3F8D];
	s0 =	simm.s32 @p0 $0x1  }
0x13: {  	[smem:$0x3FA8] =	sst s0;
	s0 =	simm.s32 @!p1 $0x0  }
0x14: {  	s2 =	sld [smem:$0x3F8C];
	s0 =	simm.s32 @p1 $0x1  }
0x15: {  	[smem:$0x3FA9] =	sst s0;
	s0 =	simm.s32 @!p2 $0x0  }
0x16: {  	s3 =	sld [smem:$0x3FDB];
	s0 =	simm.s32 @p2 $0x1  }
0x17: {  	s4 =	simm.s32 $0x1BF5;
	[smem:$0x3FAB] =	sst s0  }
0x18: {  	s0 =	sld [smem:$0x3F8E];
	_ =	swait.ge [sflag:s4], $0x0  }
0x19: {  	s7 =	sld [smem:$0x3F8F]  }
0x1a: {  	s8 =	sadd.s32 $0xFFFFE003, lr  }
0x1b: {  	s9 =	sadd.s32 $0xFFFFFEF7, lr;
	s5 =	simm.s32 $0xFFFFFFFF;
	p2 =	slt.u32 s8, $0xFFFFF086  }
0x1c: {  	p1 =	slt.u32 s9, $0xF7A;
	s5 =	simm.s32 @!p2 $0x0  }
0x1d: {  	s5 =	simm.s32 @p1 $0x1;
	p0 =	seq.s32 s7, s2  }
0x1e: {  	s7 =	smul.u32 @!p0 $0xF7A, s2;
	p2 =	seq.s32 @!p0 s5, $0x0  }
0x1f: {  	s9 =	smul.u32 $0xF7A, s1;
	s8 =	simm.s32 @!p0 $0x1BF5;
	p2 =	por !p2, p0  }
0x20: {  	[sflag:s8] =	ssyncset.s32 @!p0 $0xFFFFF086;
	s6 =	sadd.s32 @!p0 s3, s7;
	s7 =	simm.s32 @!p0 $0x108  }
0x21: {  	s3 =	sadd.s32 s3, s9;
	s6 =	sadd.s32 @!p0 $0x88, s6;
	s7 =	simm.s32 @p2 $0x1082  }
0x22: {  	[simem:s7], [sflag:s8] =	dma.local @!p0 [hbm:s6], $0xF7A  }
0x23: {  	s9 =	sor.u32 $0xD0000000, s2;
	s6 =	simm.s32 $0x108;
	_ =	swait.ge @!p0 [sflag:s8], $0x0  }
0x24: {  	s3 =	sadd.s32 $0x88, s3;
	s6 =	simm.s32 @!p1 $0x1082;
	[sflag:s4] =	ssyncset.s32 $0xFFFFF086  }
0x25: {  	[simem:s6], [sflag:s4] =	dma.local [hbm:s3], $0xF7A  }
0x26: {  	[smem:$0x3F8F] =	sst s1;
	(tag) =	ssettag s2;
	_ =	strace s9  }
0x27: {  	s1 =	sld [smem:$0x3F9F]  }
0x28: {  	s2 =	sld [smem:$0x3FA0]  }
0x29: {  	s4 =	sld [smem:$0x3FA2]  }
0x2a: {  	p0 =	seq.s32 s5, $0x0;
	s5 =	sld [smem:$0x3FA3]  }
0x2b: {  	s6 =	sld [smem:$0x3FA4]  }
0x2c: {  	s7 =	sld [smem:$0x3FA5]  }
0x2d: {  	s3 =	simm.s32 $0x108;
	s8 =	sld [smem:$0x3FA6]  }
0x2e: {  	s3 =	simm.s32 @!p0 $0x1082;
	s9 =	sld [smem:$0x3FA7]  }
0x2f: {  	lr =	sadd.s32 s0, s3;
	s0 =	sld [smem:$0x3F9E]  }
0x30: {  	s3 =	sld [smem:$0x3FA1]  }
0x31: {  	[smem:$0x3FAA] =	sst s10  }
0x32: {  	s10 =	sld [smem:$0x3FA8];
	_ =	sdelay $0x3  }
0x33: {  	p0 =	seq.s32 s10, $0x1;
	s10 =	sld [smem:$0x3FAA];
	_ =	sdelay $0x3  }
0x34: {  	[smem:$0x3FAA] =	sst s10  }
0x35: {  	s10 =	sld [smem:$0x3FA9];
	_ =	sdelay $0x3  }
0x36: {  	p1 =	seq.s32 s10, $0x1;
	s10 =	sld [smem:$0x3FAA];
	_ =	sdelay $0x3  }
0x37: {  	[smem:$0x3FAA] =	sst s10  }
0x38: {  	s10 =	sld [smem:$0x3FAB]  }
0x39: {  	_ = 	snop;
	(pc) =	sbr.ind lr, $3  }
0x3a: {  	_ = 	snop  }
0x3b: {  	_ = 	snop  }
0x3c: {  	p2 =	seq.s32 s10, $0x1;
	s10 =	sld [smem:$0x3FAA]  }
0x3d: {  	_ =	shalt  }
0x3e: {  	_ =	shalt  }
0x3f: {  	_ =	shalt  }
0x40: {  	_ =	shalt  }
0x41: {  	_ =	shalt  }
0x42: {  	_ =	shalt  }
0x43: {  	_ =	shalt  }
0x44: {  	_ =	shalt  }
0x45: {  	_ =	shalt  }
0x46: {  	_ =	shalt  }
0x47: {  	_ =	shalt  }
0x48: {  	_ =	shalt  }
0x49: {  	_ =	shalt  }
0x4a: {  	_ =	shalt  }
0x4b: {  	_ =	shalt  }
0x4c: {  	_ =	shalt  }
0x4d: {  	_ =	shalt  }
0x4e: {  	_ =	shalt  }
0x4f: {  	_ =	shalt  }
0x50: {  	_ =	shalt  }
0x51: {  	_ =	shalt  }
0x52: {  	_ =	shalt  }
0x53: {  	_ =	shalt  }
0x54: {  	_ =	shalt  }
0x55: {  	_ =	shalt  }
0x56: {  	_ =	shalt  }
0x57: {  	_ =	shalt  }
0x58: {  	_ =	shalt  }
0x59: {  	_ =	shalt  }
0x5a: {  	_ =	shalt  }
0x5b: {  	_ =	shalt  }
0x5c: {  	_ =	shalt  }
0x5d: {  	_ =	shalt  }
0x5e: {  	_ =	shalt  }
0x5f: {  	_ =	shalt  }
0x60: {  	_ =	shalt  }
0x61: {  	_ =	shalt  }
0x62: {  	_ =	shalt  }
0x63: {  	_ =	shalt  }
0x64: {  	_ =	shalt  }
0x65: {  	_ =	shalt  }
0x66: {  	_ =	shalt  }
0x67: {  	_ =	shalt  }
0x68: {  	_ =	shalt  }
0x69: {  	_ =	shalt  }
0x6a: {  	_ =	shalt  }
0x6b: {  	_ =	shalt  }
0x6c: {  	_ =	shalt  }
0x6d: {  	_ =	shalt  }
0x6e: {  	_ =	shalt  }
0x6f: {  	_ =	shalt  }
0x70: {  	_ =	shalt  }
0x71: {  	_ =	shalt  }
0x72: {  	_ =	shalt  }
0x73: {  	_ =	shalt  }
0x74: {  	_ =	shalt  }
0x75: {  	_ =	shalt  }
0x76: {  	_ =	shalt  }
0x77: {  	_ =	shalt  }
0x78: {  	_ =	shalt  }
0x79: {  	_ =	shalt  }
0x7a: {  	_ =	shalt  }
0x7b: {  	_ =	shalt  }
0x7c: {  	_ =	shalt  }
0x7d: {  	_ =	shalt  }
0x7e: {  	_ =	shalt  }
0x7f: {  	_ =	shalt  }
0x80: {  	_ =	shalt  }
0x81: {  	_ =	shalt  }
0x82: {  	_ =	shalt  }
0x83: {  	_ =	shalt  }
0x84: {  	_ =	shalt  }
0x85: {  	_ =	shalt  }
0x86: {  	_ =	shalt  }
0x87: {  	_ =	shalt  }
.Lfunc_end0:
.L_simem_size_0:
called_computation_lowered:
.L_overlay_start_0:
0x88: {  	s2 =	sld [smem:$0x3FD9]  }
0x89: {  	s3 =	sld [smem:$0x3FFE];
	_ =	sdelay $0x1  }
0x8a: {  	s1 =	srdreg.scid  }
0x8b: {  	s0 =	sand.u32 $0x1, s1  }
0x8c: {  	s16 =	sshll.u32 s0, $0xA;
	s2 =	sadd.s32 s3, s2  }
0x8d: {  	s2 =	sadd.s32 s2, s16  }
0x8e: {  	[smem:$0x3FB6] =	sst s2  }
0x8f: {  	_ = 	snop  }
0x90: {  	(tm) =	ssettm $0x1  }
0x91: {  	s17 =	sld [smem:$0x3FFB];
	_ =	sdelay $0x3  }
0x92: {  	_ =	strace s17  }
0x93: {  	s2 =	sld [smem:$0x3FFC];
	_ =	sdelay $0x3  }
0x94: {  	_ =	strace s2  }
0x95: {  	s2 =	sld [smem:$0x3FFD];
	_ =	sdelay $0x3  }
0x96: {  	_ =	strace s2  }
0x97: {  	_ =	strace $0x8FFFFFFF  }
0x98: {  	s18 =	sld [smem:$0x3FDB];
	_ =	sdelay $0x1  }
0x99: {  	s19 =	simm.s32 $_scs_section_size  }
0x9a: {  	s4 =	simm.s32 $_size__tile_overlayer_lowered;
	s5 =	simm.s32 $_tile_overlayer_lowered  }
0x9b: {  	s22 =	simm.s32 $0x1BFF;
	s21 =	sshll.u32 s5, $0x1;
	s2 =	sadd.s32 s19, s18  }
0x9c: {  	s6 =	simm.s32 $0x0;
	s20 =	sshll.u32 s4, $0x1;
	s4 =	sadd.s32 s21, s2  }
0x9d: {  	[timem:s6], [sflag:s22] =	dma.local [hbm:s4], s20  }
0x9e: {  	_ =	swait.ge [sflag:s22], s20  }
0x9f: {  	s3 =	ssub.s32 $0x0, s20;
	[sflag:s22] =	ssyncset.done $0x0  }
0xa0: {  	[sflag:s22] =	ssyncadd.s32 s3;
	_ =	sdelay $0x1  }
0xa1: {  	s23 =	simm.s32 $0x1B8B  }
0xa2: {  	_ =	swait.ge [sflag:s23], $0x1  }
0xa3: {  	[sflag:s23] =	ssyncset.done $0x0  }
0xa4: {  	s25 =	simm.s32 $0x1B8E;
	s24 =	sld [smem:$0x3FFE];
	[sflag:s23] =	ssyncadd.s32 $0xFFFFFFFF  }
0xa5: {  	s26 =	simm.s32 $execute0_lowered;
	[smem:$0x3FD2] =	sst s25  }
0xa6: {  	s4 =	sshll.u32 s26, $0x1;
	_ =	strace $0x80000046;
	[dreg:$0x1] =	wrdreg $0xFFFFFFFF  }
0xa7: {  	s28 =	simm.s32 $_size_execute0_lowered;
	s2 =	sadd.s32 s2, s4;
	[dreg:$0x0] =	wrdreg $0x0  }
0xa8: {  	s4 =	sshll.u32 s28, $0x1;
	[dreg:$0x2] =	wrdreg s2  }
0xa9: {  	[dreg:$0x3] =	wrdreg s4  }
0xaa: {  	[dreg:$0x4] =	wrdreg $0xC0  }
0xab: {  	_ =	task [dreg:s6], $0x5FFFF  }
0xac: {  	[dreg:$0x1] =	wrdreg $0xFFFFFFFF  }
0xad: {  	[dreg:$0x0] =	wrdreg $0x60  }
0xae: {  	[dreg:$0x2] =	wrdreg s24  }
0xaf: {  	[dreg:$0x3] =	wrdreg $0x81000  }
0xb0: {  	[dreg:$0x4] =	wrdreg $0x1C1000  }
0xb1: {  	[dreg:$0x5] =	wrdreg $0x9  }
0xb2: {  	_ =	task.clear_ibuf [dreg:s6], $0x6FFFF;
	_ =	strace $0x90000046  }
0xb3: {  	s29 =	simm.s32 $0x9;
	_ =	strace $0x80000048  }
0xb4: {  	_ =	swait.ge [sflag:s29], $0x1  }
0xb5: {  	[sflag:s29] =	ssyncadd.s32 $0xFFFFFFFF  }
0xb6: {  	_ =	strace $0x90000048  }
0xb7: {  	_ =	sfence  }
0xb8: {  	s30 =	sld [smem:$0x0];
	_ =	sdelay $0x2  }
0xb9: {  	s31 =	sshll.u32 s1, $0xD;
	s1 =	sshrl.u32 s1, $0x2  }
0xba: {  	s3 =	sand.u32 $0x4000, s31;
	s1 =	sadd.s32 s1, s30  }
0xbb: {  	s0 =	sor.u32 s3, s0;
	s1 =	sshll.u32 s1, $0x11  }
0xbc: {  	s0 =	sor.u32 s1, s0  }
0xbd: {  	s0 =	sadd.s32 $0x8F2B, s0  }
0xbe: {  	[sflag:s0] =	ssyncadd.remote.s32 $0x1  }
0xbf: {  	_ =	sfence.sel $0xFFFF  }
0xc0: {  	[dreg:$0x0] =	wrdreg $0xFFFFFFFF;
	(pc) =	sbr.abs _section_cstart, $3  }
0xc1: {  	[dreg:$0x1] =	wrdreg $0xFFFFFFFF  }
0xc2: {  	_ =	task.clear_ibuf [dreg:s6], $0x2FFFF;
	_ =	strace $0x9FFFFFFF  }
0xc3: {  	(tm) =	ssettm $0x7FFFFFFF  }
tec
execute0_lowered:
.L_overlay_start_1:
0x0: {  	(tag) =	ssettag $0x1  }
0x1: {  	s7 =	rddreg [dreg:$0x0]  }
0x2: {  	s0 =	srdreg.scid;
	s2 =	rddreg [dreg:$0x1]  }
0x3: {  	s3 =	rddreg [dreg:$0x2];
	s4 =	simm.s32 $0x0;
	s24 =	simm.s32 $0x4100  }
0x4: {  	s25 =	simm.s32 $0x80;
	s28 =	simm.s32 $0x2;
	s9 =	sand.u32 $0x1, s0  }
0x5: {  	s29 =	simm.s32 $0x0;
	s0 =	stileid.u32;
	s6 =	smul.u32 $0x140000, s9  }
0x6: {  	[smem:$0x7FF] =	sst s4;
	s21 =	sadd.s32 $0x3400, s7;
	s10 =	smul.u32 $0x14000, s0  }
0x7: {  	s1 =	sshll.u32 s9, $0x4;
	_ =	strace $0x80000047;
	s11 =	smul.u32 $0x50000, s0  }
0x8: {  	s26 =	sshll.u32 s9, $0xB;
	s12 =	ssub.s32 $0x2, s9;
	s18 =	smul.u32 $0x14000, s9  }
0x9: {  	s20 =	smul.u32 $0x1400, s0;
	p0 =	sne.s32 s0, $0x0;
	s8 =	sor.u32 s0, s1  }
0xa: {  	s13 =	sshrl.u32 s12, $0x1;
	s16 =	sadd.s32 s26, s7;
	s26 =	simm.s32 $0x1  }
0xb: {  	s5 =	smul.u32 $0x30, s8;
	s10 =	sadd.s32 s10, s6;
	s6 =	sadd.s32 $0x8A00, s7  }
0xc: {  	s11 =	sshrl.u32 s11, $0x2;
	s15 =	smul.u32 $0x1400, s8;
	s20 =	sadd.s32 s20, s18  }
0xd: {  	s17 =	ssub.s32 s12, s13;
	s10 =	sshrl.u32 s10, $0x3;
	s22 =	sor.u32 $0x180, s20  }
0xe: {  	s23 =	sor.u32 $0x100, s20;
	s19 =	sadd.s32 s5, s7;
	s5 =	sadd.s32 $0x9200, s7  }
0xf: {  	s14 =	sadd.s32 s10, s7;
	s7 =	sadd.s32 s11, s2;
	s30 =	sshrl.u32 s15, $0x3  }
0x10: {  	s15 =	sadd.s32 $0x59A00, s16;
	s16 =	smax.u32 s17, $0x1;
	s22 =	sshrl.u32 s22, $0x3  }
0x11: {  	s31 =	sshrl.u32 s23, $0x3;
	s23 =	simm.s32 $0x3;
	s8 =	sadd.s32 $0x4000, s7  }
0x12: {  	s9 =	sadd.s32 $0x8000, s7;
	s10 =	sadd.s32 s21, s30;
	s11 =	sadd.s32 $0xC000, s7  }
0x13: {  	s12 =	sadd.s32 $0x10000, s7;
	s14 =	sadd.s32 $0x9A00, s14;
	s17 =	sadd.s32 $0x8400, s19  }
0x14: {  	s18 =	sadd.s32 $0x8410, s19;
	s19 =	sadd.s32 $0x8420, s19;
	s20 =	sadd.s32 s22, s21  }
0x15: {  	s21 =	sadd.s32 s31, s21;
	s22 =	simm.s32 $0x100;
	s13 =	sadd.s32 $0x10, s10  }
.LBB2_1:
0x16: {  	[tilespmem:s22], [sflag:$0x3] =	stream.linear.gather [hbm4b:s5+s4], $0x4000, $0x38;
	[tilespmem:$0x1C500] =	vst v63  }
0x17: {  	_ =	swait.ge [sflag:s23], $0x4000  }
0x18: {  	[sflag:s23] =	ssyncset.done $0x0  }
0x19: {  	[sflag:s23] =	ssyncadd.s32 $0xFFFFC000  }
0x1a: {  	[tilespmem:s24], [sflag:$0x3] =	stream.linear.gather [hbm4b:s6+s4], $0x4000, $0x38;
	[tilespmem:$0x1C500] =	vst v63  }
0x1b: {  	_ =	swait.ge [sflag:s23], $0x4000  }
0x1c: {  	[sflag:s23] =	ssyncset.done $0x0  }
0x1d: {  	[sflag:s23] =	ssyncadd.s32 $0xFFFFC000  }
0x1e: {  	[spmem:s7] =	stream.linear.scatter [tilespmem:s24], [sflag:$0x3], $0x4000, $0x38;
	[tilespmem:$0x1C500] =	vst v63  }
0x1f: {  	_ =	swait.ge [sflag:s23], $0x4000  }
0x20: {  	[sflag:s23] =	ssyncset.done $0x0  }
0x21: {  	[sflag:s23] =	ssyncadd.s32 $0xFFFFC000  }
0x22: {  	[spmem:s8] =	stream.linear.scatter [tilespmem:s24], [sflag:$0x3], $0x4000, $0x38;
	[tilespmem:$0x1C500] =	vst v63  }
0x23: {  	_ =	swait.ge [sflag:s23], $0x4000  }
0x24: {  	[sflag:s23] =	ssyncset.done $0x0  }
0x25: {  	[sflag:s23] =	ssyncadd.s32 $0xFFFFC000  }
0x26: {  	[spmem:s9] =	stream.linear.scatter [tilespmem:s24], [sflag:$0x3], $0x4000, $0x38;
	[tilespmem:$0x1C500] =	vst v63  }
0x27: {  	_ =	swait.ge [sflag:s23], $0x4000  }
0x28: {  	[sflag:s23] =	ssyncset.done $0x0  }
0x29: {  	[sflag:s23] =	ssyncadd.s32 $0xFFFFC000  }
0x2a: {  	[spmem:s11] =	stream.linear.scatter [tilespmem:s24], [sflag:$0x3], $0x4000, $0x38;
	[tilespmem:$0x1C500] =	vst v63  }
0x2b: {  	_ =	swait.ge [sflag:s23], $0x4000  }
0x2c: {  	[sflag:s23] =	ssyncset.done $0x0  }
0x2d: {  	[sflag:s23] =	ssyncadd.s32 $0xFFFFC000  }
0x2e: {  	[spmem:s12] =	stream.linear.scatter [tilespmem:s24], [sflag:$0x3], $0x4000, $0x38;
	[tilespmem:$0x1C500] =	vst v63  }
0x2f: {  	_ =	swait.ge [sflag:s23], $0x4000  }
0x30: {  	[sflag:s23] =	ssyncset.done $0x0  }
0x31: {  	s30 =	simm.s32 @!p0 $0x4100;
	[sflag:s23] =	ssyncadd.s32 $0xFFFFC000  }
0x32: {  	[spmem:s3] =	stream.linear.scatter @!p0 [tilespmem:s30], [sflag:$0x3], $0x4000, $0x38;
	[tilespmem:$0x1C500] =	vst v63  }
0x33: {  	s30 =	simm.s32 @!p0 $0x3  }
0x34: {  	_ =	swait.ge @!p0 [sflag:s30], $0x4000  }
0x35: {  	[sflag:s30] =	ssyncset.done @!p0 $0x0  }
0x36: {  	[sflag:s30] =	ssyncadd.s32 @!p0 $0xFFFFC000  }
0x37: {  	[bflag:$0x0] =	sbarrier.arrive $0xFFFF  }
0x38: {  	[tilespmem:s4], [sflag:$0x3] =	stream.linear.gather [hbm4b:s10+s4], $0x80, $0x38;
	[tilespmem:$0x1C500] =	vst v63  }
0x39: {  	_ =	swait.ge [sflag:s23], $0x80  }
0x3a: {  	[sflag:s23] =	ssyncset.done $0x0  }
0x3b: {  	[sflag:s23] =	ssyncadd.s32 $0xFFFFFF80  }
0x3c: {  	[spmem:s2] =	stream.indirect.scatter.add.f32 [tilespmem:s22], [sflag:$0x1], $0x80, s4, s25, $0xb8;
	[tilespmem:$0x1C500] =	vst v63  }
0x3d: {  	_ = 	snop  }
0x3e: {  	[tilespmem:s25], [sflag:$0x3] =	stream.linear.gather [hbm4b:s13+s4], $0x80, $0x38;
	[tilespmem:$0x1C500] =	vst v63  }
0x3f: {  	_ =	swait.ge [sflag:s23], $0x80  }
0x40: {  	[sflag:s23] =	ssyncset.done $0x0  }
0x41: {  	[sflag:s23] =	ssyncadd.s32 $0xFFFFFF80  }
0x42: {  	[spmem:s2] =	stream.indirect.scatter.add.f32 [tilespmem:s22], [sflag:$0x2], $0x80, s25, s25, $0xb8;
	[tilespmem:$0x1C500] =	vst v63  }
0x43: {  	_ =	swait.ge [sflag:s26], $0x4000  }
0x44: {  	[sflag:s26] =	ssyncset.done $0x0  }
0x45: {  	s30 =	sadd.s32 $0x0, s21;
	[sflag:s26] =	ssyncadd.s32 $0xFFFFC000  }
0x46: {  	[tilespmem:s4], [sflag:$0x3] =	stream.linear.gather [hbm4b:s30+s4], $0x80, $0x38;
	[tilespmem:$0x1C500] =	vst v63  }
0x47: {  	_ =	swait.ge [sflag:s23], $0x80  }
0x48: {  	[sflag:s23] =	ssyncset.done $0x0  }
0x49: {  	[sflag:s23] =	ssyncadd.s32 $0xFFFFFF80  }
0x4a: {  	[spmem:s2] =	stream.indirect.scatter.add.f32 [tilespmem:s22], [sflag:$0x1], $0x80, s4, s25, $0xb8;
	[tilespmem:$0x1C500] =	vst v63  }
0x4b: {  	_ =	swait.ge [sflag:s28], $0x4000  }
0x4c: {  	[sflag:s28] =	ssyncset.done $0x0  }
0x4d: {  	s30 =	sadd.s32 $0x0, s20;
	[sflag:s28] =	ssyncadd.s32 $0xFFFFC000  }
0x4e: {  	[tilespmem:s25], [sflag:$0x3] =	stream.linear.gather [hbm4b:s30+s4], $0x80, $0x38;
	[tilespmem:$0x1C500] =	vst v63  }
0x4f: {  	_ =	swait.ge [sflag:s23], $0x80  }
0x50: {  	[sflag:s23] =	ssyncset.done $0x0  }
0x51: {  	s30 =	simm.s32 $0x20;
	[sflag:s23] =	ssyncadd.s32 $0xFFFFFF80  }
.LBB2_2:
0x52: {  	[spmem:s2] =	stream.indirect.scatter.add.f32 [tilespmem:s22], [sflag:$0x2], $0x80, s25, s25, $0xb8;
	[tilespmem:$0x1C500] =	vst v63  }
0x53: {  	s31 =	smov.u32 s30  }
0x54: {  	p1 =	sne.s32 s30, $0x240;
	s30 =	sadd.s32 $0x20, s30;
	_ =	swait.ge [sflag:s26], $0x4000  }
0x55: {  	[sflag:s26] =	ssyncset.done $0x0  }
0x56: {  	s1 =	sadd.s32 s31, s21;
	[sflag:s26] =	ssyncadd.s32 $0xFFFFC000  }
0x57: {  	[tilespmem:s4], [sflag:$0x3] =	stream.linear.gather [hbm4b:s1+s4], $0x80, $0x38;
	[tilespmem:$0x1C500] =	vst v63  }
0x58: {  	_ =	swait.ge [sflag:s23], $0x80  }
0x59: {  	[sflag:s23] =	ssyncset.done $0x0  }
0x5a: {  	[sflag:s23] =	ssyncadd.s32 $0xFFFFFF80  }
0x5b: {  	[spmem:s2] =	stream.indirect.scatter.add.f32 [tilespmem:s22], [sflag:$0x1], $0x80, s4, s25, $0xb8;
	[tilespmem:$0x1C500] =	vst v63  }
0x5c: {  	_ =	swait.ge [sflag:s28], $0x4000  }
0x5d: {  	[sflag:s28] =	ssyncset.done $0x0  }
.Ltmp0:
0x5e: {  	s1 =	sadd.s32 s31, s20;
	[sflag:s28] =	ssyncadd.s32 $0xFFFFC000;
	(pc) =	sbr.rel @p1 .LBB2_2-.Ltmp0, $4  }
0x5f: {  	[tilespmem:s25], [sflag:$0x3] =	stream.linear.gather [hbm4b:s1+s4], $0x80, $0x38;
	[tilespmem:$0x1C500] =	vst v63  }
0x60: {  	_ =	swait.ge [sflag:s23], $0x80  }
0x61: {  	[sflag:s23] =	ssyncset.done $0x0  }
0x62: {  	[sflag:s23] =	ssyncadd.s32 $0xFFFFFF80  }
0x63: {  	[spmem:s2] =	stream.indirect.scatter.add.f32 [tilespmem:s22], [sflag:$0x2], $0x80, s25, s25, $0xb8;
	[tilespmem:$0x1C500] =	vst v63  }
0x64: {  	_ =	swait.ge [sflag:s26], $0x4000  }
0x65: {  	[sflag:s26] =	ssyncset.done $0x0  }
0x66: {  	[sflag:s26] =	ssyncadd.s32 $0xFFFFC000  }
0x67: {  	_ =	swait.ge [sflag:s28], $0x4000  }
0x68: {  	[sflag:s28] =	ssyncset.done $0x0  }
0x69: {  	[sflag:s28] =	ssyncadd.s32 $0xFFFFC000  }
0x6a: {  	[tilespmem:s4], [sflag:$0x3] =	stream.linear.gather [hbm4b:s17+s4], $0x80, $0x38;
	[tilespmem:$0x1C500] =	vst v63  }
0x6b: {  	_ =	swait.ge [sflag:s23], $0x80  }
0x6c: {  	[sflag:s23] =	ssyncset.done $0x0  }
0x6d: {  	[sflag:s23] =	ssyncadd.s32 $0xFFFFFF80  }
0x6e: {  	[spmem:s3] =	stream.indirect.scatter.add.f32 [tilespmem:s22], [sflag:$0x3], $0x80, s4, s25, $0xb8;
	[tilespmem:$0x1C500] =	vst v63  }
0x6f: {  	_ =	swait.ge [sflag:s23], $0x4000  }
0x70: {  	[sflag:s23] =	ssyncset.done $0x0  }
0x71: {  	[sflag:s23] =	ssyncadd.s32 $0xFFFFC000  }
0x72: {  	[tilespmem:s4], [sflag:$0x3] =	stream.linear.gather [hbm4b:s18+s4], $0x80, $0x38;
	[tilespmem:$0x1C500] =	vst v63  }
0x73: {  	_ =	swait.ge [sflag:s23], $0x80  }
0x74: {  	[sflag:s23] =	ssyncset.done $0x0  }
0x75: {  	[sflag:s23] =	ssyncadd.s32 $0xFFFFFF80  }
0x76: {  	[spmem:s3] =	stream.indirect.scatter.add.f32 [tilespmem:s22], [sflag:$0x3], $0x80, s4, s25, $0xb8;
	[tilespmem:$0x1C500] =	vst v63  }
0x77: {  	_ =	swait.ge [sflag:s23], $0x4000  }
0x78: {  	[sflag:s23] =	ssyncset.done $0x0  }
0x79: {  	[sflag:s23] =	ssyncadd.s32 $0xFFFFC000  }
0x7a: {  	[tilespmem:s4], [sflag:$0x3] =	stream.linear.gather [hbm4b:s19+s4], $0x80, $0x38;
	[tilespmem:$0x1C500] =	vst v63  }
0x7b: {  	_ =	swait.ge [sflag:s23], $0x80  }
0x7c: {  	[sflag:s23] =	ssyncset.done $0x0  }
0x7d: {  	[sflag:s23] =	ssyncadd.s32 $0xFFFFFF80  }
0x7e: {  	[spmem:s3] =	stream.indirect.scatter.add.f32 [tilespmem:s22], [sflag:$0x3], $0x80, s4, s25, $0xb8;
	[tilespmem:$0x1C500] =	vst v63  }
0x7f: {  	_ =	swait.ge [sflag:s23], $0x4000  }
0x80: {  	[sflag:s23] =	ssyncset.done $0x0  }
0x81: {  	s1 =	sshll.u32 s0, $0x6;
	[sflag:s23] =	ssyncadd.s32 $0xFFFFC000  }
0x82: {  	s30 =	sshrl.u32 s7, $0x3;
	s1 =	sor.u32 $0x1C03, s1;
	[bflag:$0x0] =	sbarrier.arrive $0xFFFF  }
0x83: {  	[hbm:s14], [sflag:s1] =	dma.local [spmem:s30], $0x2800  }
0x84: {  	_ =	swait.ge [sflag:s23], $0x2800  }
0x85: {  	s29 =	sadd.s32 $0x1, s29;
	[sflag:s23] =	ssyncset.done $0x0  }
0x86: {  	p1 =	sne.s32 s29, s16;
	s30 =	sshrl.u32 @!p0 s3, $0x3;
	[sflag:s23] =	ssyncadd.s32 $0xFFFFD800  }
0x87: {  	[hbm:s15], [sflag:s1] =	dma.local @!p0 [spmem:s30], $0x800  }
.Ltmp1:
0x88: {  	_ = 	snop;
	(pc) =	sbr.rel @p1 .LBB2_1-.Ltmp1, $4  }
0x89: {  	s1 =	simm.s32 @!p0 $0x3  }
0x8a: {  	_ =	swait.ge @!p0 [sflag:s1], $0x800  }
0x8b: {  	[sflag:s1] =	ssyncset.done @!p0 $0x0  }
0x8c: {  	[sflag:s1] =	ssyncadd.s32 @!p0 $0xFFFFF800  }
0x8d: {  	_ =	sfence.sel $0x180000  }
0x8e: {  	[bflag:$0x0] =	sbarrier.arrive $0xFFFF  }
0x8f: {  	_ =	strace $0x90000047  }
0x90: {  	[bflag:$0x2] =	sbarrier.arrive $0xFFFF  }
0x91: {  	s0 =	rddreg [dreg:$0x3]  }
0x92: {  	s0 =	sadd.s32 @!p0 $0x100000, s0  }
0x93: {  	[sflag:s0] =	ssyncadd.tile.s32 @!p0 $0x1;
	_ =	shalt  }
.Lfunc_end2:
_tile_overlayer_lowered:
.L_overlay_start_2:
0x94: {  	(tag) =	ssettag $0x2  }
0x95: {  	s0 =	rddreg [dreg:$0x0];
	s2 =	stileid.u32  }
0x96: {  	s1 =	rddreg [dreg:$0x1];
	p0 =	sne.s32 s2, $0x0  }
0x97: {  	s3 =	rddreg [dreg:$0x2];
	[bflag:$0x3] =	sbarrier.arrive $0xFFFF;
	s2 =	simm.s32 @!p0 $0x1C03  }
0x98: {  	[timem:s3], [sflag:s2] =	dma.local @!p0 [hbm:s0], s1  }
0x99: {  	s0 =	simm.s32 @!p0 $0x3  }
0x9a: {  	_ =	swait.ge @!p0 [sflag:s0], s1  }
0x9b: {  	s1 =	ssub.s32 @!p0 $0x0, s1;
	[sflag:s0] =	ssyncset.done @!p0 $0x0  }
0x9c: {  	[sflag:s0] =	ssyncadd.s32 @!p0 s1  }
0x9d: {  	[bflag:$0x3] =	sbarrier.arrive $0xFFFF  }
0x9e: {  	_ =	shalt  }

// kernel: kernel.15.cloned.1.call-start
scs
__scs_entry_jumppad:
0x0: {  	(pc) =	sbr.rel $0x88, $3  }
0x1: {  	(tag) =	ssettag $0x0;
	lr =	simm.s32 $0x1  }
0x2: {  	[smem:$0x3F8F] =	sst lr;
	_ =	strace $0xD0000000  }
0x3: {  	_ = 	snop  }
0x4: {  	_ = 	snop  }
0x5: {  	_ = 	snop  }
0x6: {  	_ = 	snop  }
0x7: {  	_ = 	snop  }
__scs_overlays_trampoline_lowered:
0x8: {  	[smem:$0x3F9E] =	sst s0  }
0x9: {  	[smem:$0x3F9F] =	sst s1  }
0xa: {  	[smem:$0x3FA0] =	sst s2  }
0xb: {  	[smem:$0x3FA1] =	sst s3  }
0xc: {  	[smem:$0x3FA2] =	sst s4  }
0xd: {  	[smem:$0x3FA3] =	sst s5  }
0xe: {  	[smem:$0x3FA4] =	sst s6  }
0xf: {  	[smem:$0x3FA5] =	sst s7  }
0x10: {  	[smem:$0x3FA6] =	sst s8  }
0x11: {  	[smem:$0x3FA7] =	sst s9;
	s0 =	simm.s32 @!p0 $0x0  }
0x12: {  	s1 =	sld [smem:$0x3F8D];
	s0 =	simm.s32 @p0 $0x1  }
0x13: {  	[smem:$0x3FA8] =	sst s0;
	s0 =	simm.s32 @!p1 $0x0  }
0x14: {  	s2 =	sld [smem:$0x3F8C];
	s0 =	simm.s32 @p1 $0x1  }
0x15: {  	[smem:$0x3FA9] =	sst s0;
	s0 =	simm.s32 @!p2 $0x0  }
0x16: {  	s3 =	sld [smem:$0x3FDB];
	s0 =	simm.s32 @p2 $0x1  }
0x17: {  	s4 =	simm.s32 $0x1BF5;
	[smem:$0x3FAB] =	sst s0  }
0x18: {  	s0 =	sld [smem:$0x3F8E];
	_ =	swait.ge [sflag:s4], $0x0  }
0x19: {  	s7 =	sld [smem:$0x3F8F]  }
0x1a: {  	s8 =	sadd.s32 $0xFFFFE003, lr  }
0x1b: {  	s9 =	sadd.s32 $0xFFFFFEF7, lr;
	s5 =	simm.s32 $0xFFFFFFFF;
	p2 =	slt.u32 s8, $0xFFFFF086  }
0x1c: {  	p1 =	slt.u32 s9, $0xF7A;
	s5 =	simm.s32 @!p2 $0x0  }
0x1d: {  	s5 =	simm.s32 @p1 $0x1;
	p0 =	seq.s32 s7, s2  }
0x1e: {  	s7 =	smul.u32 @!p0 $0xF7A, s2;
	p2 =	seq.s32 @!p0 s5, $0x0  }
0x1f: {  	s9 =	smul.u32 $0xF7A, s1;
	s8 =	simm.s32 @!p0 $0x1BF5;
	p2 =	por !p2, p0  }
0x20: {  	[sflag:s8] =	ssyncset.s32 @!p0 $0xFFFFF086;
	s6 =	sadd.s32 @!p0 s3, s7;
	s7 =	simm.s32 @!p0 $0x108  }
0x21: {  	s3 =	sadd.s32 s3, s9;
	s6 =	sadd.s32 @!p0 $0x88, s6;
	s7 =	simm.s32 @p2 $0x1082  }
0x22: {  	[simem:s7], [sflag:s8] =	dma.local @!p0 [hbm:s6], $0xF7A  }
0x23: {  	s9 =	sor.u32 $0xD0000000, s2;
	s6 =	simm.s32 $0x108;
	_ =	swait.ge @!p0 [sflag:s8], $0x0  }
0x24: {  	s3 =	sadd.s32 $0x88, s3;
	s6 =	simm.s32 @!p1 $0x1082;
	[sflag:s4] =	ssyncset.s32 $0xFFFFF086  }
0x25: {  	[simem:s6], [sflag:s4] =	dma.local [hbm:s3], $0xF7A  }
0x26: {  	[smem:$0x3F8F] =	sst s1;
	(tag) =	ssettag s2;
	_ =	strace s9  }
0x27: {  	s1 =	sld [smem:$0x3F9F]  }
0x28: {  	s2 =	sld [smem:$0x3FA0]  }
0x29: {  	s4 =	sld [smem:$0x3FA2]  }
0x2a: {  	p0 =	seq.s32 s5, $0x0;
	s5 =	sld [smem:$0x3FA3]  }
0x2b: {  	s6 =	sld [smem:$0x3FA4]  }
0x2c: {  	s7 =	sld [smem:$0x3FA5]  }
0x2d: {  	s3 =	simm.s32 $0x108;
	s8 =	sld [smem:$0x3FA6]  }
0x2e: {  	s3 =	simm.s32 @!p0 $0x1082;
	s9 =	sld [smem:$0x3FA7]  }
0x2f: {  	lr =	sadd.s32 s0, s3;
	s0 =	sld [smem:$0x3F9E]  }
0x30: {  	s3 =	sld [smem:$0x3FA1]  }
0x31: {  	[smem:$0x3FAA] =	sst s10  }
0x32: {  	s10 =	sld [smem:$0x3FA8];
	_ =	sdelay $0x3  }
0x33: {  	p0 =	seq.s32 s10, $0x1;
	s10 =	sld [smem:$0x3FAA];
	_ =	sdelay $0x3  }
0x34: {  	[smem:$0x3FAA] =	sst s10  }
0x35: {  	s10 =	sld [smem:$0x3FA9];
	_ =	sdelay $0x3  }
0x36: {  	p1 =	seq.s32 s10, $0x1;
	s10 =	sld [smem:$0x3FAA];
	_ =	sdelay $0x3  }
0x37: {  	[smem:$0x3FAA] =	sst s10  }
0x38: {  	s10 =	sld [smem:$0x3FAB]  }
0x39: {  	_ = 	snop;
	(pc) =	sbr.ind lr, $3  }
0x3a: {  	_ = 	snop  }
0x3b: {  	_ = 	snop  }
0x3c: {  	p2 =	seq.s32 s10, $0x1;
	s10 =	sld [smem:$0x3FAA]  }
0x3d: {  	_ =	shalt  }
0x3e: {  	_ =	shalt  }
0x3f: {  	_ =	shalt  }
0x40: {  	_ =	shalt  }
0x41: {  	_ =	shalt  }
0x42: {  	_ =	shalt  }
0x43: {  	_ =	shalt  }
0x44: {  	_ =	shalt  }
0x45: {  	_ =	shalt  }
0x46: {  	_ =	shalt  }
0x47: {  	_ =	shalt  }
0x48: {  	_ =	shalt  }
0x49: {  	_ =	shalt  }
0x4a: {  	_ =	shalt  }
0x4b: {  	_ =	shalt  }
0x4c: {  	_ =	shalt  }
0x4d: {  	_ =	shalt  }
0x4e: {  	_ =	shalt  }
0x4f: {  	_ =	shalt  }
0x50: {  	_ =	shalt  }
0x51: {  	_ =	shalt  }
0x52: {  	_ =	shalt  }
0x53: {  	_ =	shalt  }
0x54: {  	_ =	shalt  }
0x55: {  	_ =	shalt  }
0x56: {  	_ =	shalt  }
0x57: {  	_ =	shalt  }
0x58: {  	_ =	shalt  }
0x59: {  	_ =	shalt  }
0x5a: {  	_ =	shalt  }
0x5b: {  	_ =	shalt  }
0x5c: {  	_ =	shalt  }
0x5d: {  	_ =	shalt  }
0x5e: {  	_ =	shalt  }
0x5f: {  	_ =	shalt  }
0x60: {  	_ =	shalt  }
0x61: {  	_ =	shalt  }
0x62: {  	_ =	shalt  }
0x63: {  	_ =	shalt  }
0x64: {  	_ =	shalt  }
0x65: {  	_ =	shalt  }
0x66: {  	_ =	shalt  }
0x67: {  	_ =	shalt  }
0x68: {  	_ =	shalt  }
0x69: {  	_ =	shalt  }
0x6a: {  	_ =	shalt  }
0x6b: {  	_ =	shalt  }
0x6c: {  	_ =	shalt  }
0x6d: {  	_ =	shalt  }
0x6e: {  	_ =	shalt  }
0x6f: {  	_ =	shalt  }
0x70: {  	_ =	shalt  }
0x71: {  	_ =	shalt  }
0x72: {  	_ =	shalt  }
0x73: {  	_ =	shalt  }
0x74: {  	_ =	shalt  }
0x75: {  	_ =	shalt  }
0x76: {  	_ =	shalt  }
0x77: {  	_ =	shalt  }
0x78: {  	_ =	shalt  }
0x79: {  	_ =	shalt  }
0x7a: {  	_ =	shalt  }
0x7b: {  	_ =	shalt  }
0x7c: {  	_ =	shalt  }
0x7d: {  	_ =	shalt  }
0x7e: {  	_ =	shalt  }
0x7f: {  	_ =	shalt  }
0x80: {  	_ =	shalt  }
0x81: {  	_ =	shalt  }
0x82: {  	_ =	shalt  }
0x83: {  	_ =	shalt  }
0x84: {  	_ =	shalt  }
0x85: {  	_ =	shalt  }
0x86: {  	_ =	shalt  }
0x87: {  	_ =	shalt  }
.Lfunc_end0:
.L_simem_size_0:
called_computation.1_lowered:
.L_overlay_start_0:
0x88: {  	s2 =	sld [smem:$0x3FD9]  }
0x89: {  	s3 =	sld [smem:$0x3FFE];
	_ =	sdelay $0x1  }
0x8a: {  	s1 =	srdreg.scid  }
0x8b: {  	s0 =	sand.u32 $0x1, s1  }
0x8c: {  	s16 =	sshll.u32 s0, $0xA;
	s2 =	sadd.s32 s3, s2  }
0x8d: {  	s2 =	sadd.s32 s2, s16  }
0x8e: {  	[smem:$0x3FB6] =	sst s2  }
0x8f: {  	_ = 	snop  }
0x90: {  	(tm) =	ssettm $0x1  }
0x91: {  	s17 =	sld [smem:$0x3FFB];
	_ =	sdelay $0x3  }
0x92: {  	_ =	strace s17  }
0x93: {  	s2 =	sld [smem:$0x3FFC];
	_ =	sdelay $0x3  }
0x94: {  	_ =	strace s2  }
0x95: {  	s2 =	sld [smem:$0x3FFD];
	_ =	sdelay $0x3  }
0x96: {  	_ =	strace s2  }
0x97: {  	_ =	strace $0x8FFFFFFF  }
0x98: {  	s18 =	sld [smem:$0x3FDB];
	_ =	sdelay $0x1  }
0x99: {  	s19 =	simm.s32 $_scs_section_size  }
0x9a: {  	s4 =	simm.s32 $_size__tile_overlayer_lowered;
	s5 =	simm.s32 $_tile_overlayer_lowered  }
0x9b: {  	s22 =	simm.s32 $0x1BFF;
	s21 =	sshll.u32 s5, $0x1;
	s2 =	sadd.s32 s19, s18  }
0x9c: {  	s6 =	simm.s32 $0x0;
	s20 =	sshll.u32 s4, $0x1;
	s4 =	sadd.s32 s21, s2  }
0x9d: {  	[timem:s6], [sflag:s22] =	dma.local [hbm:s4], s20  }
0x9e: {  	_ =	swait.ge [sflag:s22], s20  }
0x9f: {  	s3 =	ssub.s32 $0x0, s20;
	[sflag:s22] =	ssyncset.done $0x0  }
0xa0: {  	[sflag:s22] =	ssyncadd.s32 s3;
	_ =	sdelay $0x1  }
0xa1: {  	s23 =	simm.s32 $0x1B8B  }
0xa2: {  	_ =	swait.ge [sflag:s23], $0x1  }
0xa3: {  	[sflag:s23] =	ssyncset.done $0x0  }
0xa4: {  	s25 =	simm.s32 $0x1B8E;
	s24 =	sld [smem:$0x3FFE];
	[sflag:s23] =	ssyncadd.s32 $0xFFFFFFFF  }
0xa5: {  	s26 =	simm.s32 $execute0_lowered;
	[smem:$0x3FD2] =	sst s25  }
0xa6: {  	s4 =	sshll.u32 s26, $0x1;
	_ =	strace $0x80000049;
	[dreg:$0x1] =	wrdreg $0xFFFFFFFF  }
0xa7: {  	s28 =	simm.s32 $_size_execute0_lowered;
	s2 =	sadd.s32 s2, s4;
	[dreg:$0x0] =	wrdreg $0x0  }
0xa8: {  	s4 =	sshll.u32 s28, $0x1;
	[dreg:$0x2] =	wrdreg s2  }
0xa9: {  	[dreg:$0x3] =	wrdreg s4  }
0xaa: {  	[dreg:$0x4] =	wrdreg $0xC0  }
0xab: {  	_ =	task [dreg:s6], $0x5FFFF  }
0xac: {  	[dreg:$0x1] =	wrdreg $0xFFFFFFFF  }
0xad: {  	[dreg:$0x0] =	wrdreg $0x60  }
0xae: {  	[dreg:$0x2] =	wrdreg s24  }
0xaf: {  	[dreg:$0x3] =	wrdreg $0x82000  }
0xb0: {  	[dreg:$0x4] =	wrdreg $0x9  }
0xb1: {  	_ =	task.clear_ibuf [dreg:s6], $0x5FFFF;
	_ =	strace $0x90000049  }
0xb2: {  	s29 =	simm.s32 $0x9;
	_ =	strace $0x8000004B  }
0xb3: {  	_ =	swait.ge [sflag:s29], $0x1  }
0xb4: {  	[sflag:s29] =	ssyncadd.s32 $0xFFFFFFFF  }
0xb5: {  	_ =	strace $0x9000004B  }
0xb6: {  	_ =	sfence  }
0xb7: {  	s30 =	sld [smem:$0x0];
	_ =	sdelay $0x2  }
0xb8: {  	s31 =	sshll.u32 s1, $0xD;
	s1 =	sshrl.u32 s1, $0x2  }
0xb9: {  	s3 =	sand.u32 $0x4000, s31;
	s1 =	sadd.s32 s1, s30  }
0xba: {  	s0 =	sor.u32 s3, s0;
	s1 =	sshll.u32 s1, $0x11  }
0xbb: {  	s0 =	sor.u32 s1, s0  }
0xbc: {  	s0 =	sadd.s32 $0x8F2B, s0  }
0xbd: {  	[sflag:s0] =	ssyncadd.remote.s32 $0x1  }
0xbe: {  	_ =	sfence.sel $0xFFFF  }
0xbf: {  	[dreg:$0x0] =	wrdreg $0xFFFFFFFF;
	(pc) =	sbr.abs _section_cstart, $3  }
0xc0: {  	[dreg:$0x1] =	wrdreg $0xFFFFFFFF  }
0xc1: {  	_ =	task.clear_ibuf [dreg:s6], $0x2FFFF;
	_ =	strace $0x9FFFFFFF  }
0xc2: {  	(tm) =	ssettm $0x7FFFFFFF  }
0xc3: {  	_ =	shalt  }
tec
execute0_lowered:
.L_overlay_start_1:
0x0: {  	(tag) =	ssettag $0x1  }
0x1: {  	s5 =	rddreg [dreg:$0x0]  }
0x2: {  	s1 =	rddreg [dreg:$0x1]  }
0x3: {  	s2 =	srdreg.scid;
	s0 =	rddreg [dreg:$0x2]  }
0x4: {  	s3 =	simm.s32 $0x0;
	s18 =	simm.s32 $0x200;
	s6 =	sand.u32 $0x1, s2  }
0x5: {  	s19 =	simm.s32 $0x180;
	s2 =	stileid.u32;
	s7 =	smul.u32 $0x140000, s6  }
0x6: {  	s20 =	simm.s32 $0x4200;
	s23 =	simm.s32 $0x1;
	s8 =	smul.u32 $0x14000, s2  }
0x7: {  	[smem:$0x7FF] =	sst s3;
	s4 =	sadd.s32 $0x9200, s5;
	s9 =	smul.u32 $0x2800, s2  }
0x8: {  	s14 =	sadd.s32 $0x5AA00, s5;
	s12 =	sadd.s32 $0x3400, s5;
	s24 =	smul.u32 $0x28000, s6  }
0x9: {  	_ =	strace $0x8000004A;
	s6 =	ssub.s32 $0x2, s6;
	s29 =	smul.u32 $0x50000, s2  }
0xa: {  	s15 =	smul.u32 $0x500, s2;
	s21 =	sshll.u32 s2, $0x6;
	s25 =	sshrl.u32 s6, $0x1  }
0xb: {  	s21 =	sor.u32 $0x1C03, s21;
	s7 =	sadd.s32 s8, s7;
	s11 =	sadd.s32 s9, s24  }
0xc: {  	s28 =	sshrl.u32 s9, $0x3;
	s13 =	ssub.s32 s6, s25;
	s9 =	sshrl.u32 s29, $0x2  }
0xd: {  	s24 =	simm.s32 $0x2;
	s25 =	simm.s32 $0x0;
	s7 =	sshrl.u32 s7, $0x3  }
0xe: {  	s26 =	sshrl.u32 s11, $0x3;
	s6 =	sadd.s32 s12, s28;
	s22 =	sadd.s32 s9, s1  }
0xf: {  	s9 =	sadd.s32 s4, s11;
	s16 =	sor.u32 $0x100, s11;
	s17 =	sor.u32 $0x180, s11  }
0x10: {  	s11 =	smax.u32 s13, $0x1;
	s12 =	sadd.s32 s15, s12;
	s15 =	simm.s32 $0x3  }
0x11: {  	s10 =	sadd.s32 s7, s5;
	s5 =	sadd.s32 s14, s26;
	s8 =	sadd.s32 $0x10, s6  }
0x12: {  	s30 =	sshrl.u32 s16, $0x3;
	s31 =	sshrl.u32 s17, $0x3;
	s16 =	simm.s32 $0x100  }
0x13: {  	s17 =	simm.s32 $0x80;
	s22 =	sshrl.u32 s22, $0x3;
	s7 =	sadd.s32 $0x10, s5  }
0x14: {  	s10 =	sadd.s32 $0x64A00, s10;
	s13 =	sadd.s32 s30, s14;
	s14 =	sadd.s32 s31, s14  }
.LBB2_1:
0x15: {  	[tilespmem:s3], [sflag:$0x3] =	stream.linear.gather [hbm4b:s5+s3], $0x80, $0x38;
	[tilespmem:$0x1C200] =	vst v63  }
0x16: {  	_ =	swait.ge [sflag:s15], $0x80  }
0x17: {  	[sflag:s15] =	ssyncset.done $0x0  }
0x18: {  	[sflag:s15] =	ssyncadd.s32 $0xFFFFFF80  }
0x19: {  	[tilespmem:s16], [sflag:$0x3] =	stream.linear.gather [hbm4b:s6+s3], $0x80, $0x38;
	[tilespmem:$0x1C200] =	vst v63  }
0x1a: {  	_ =	swait.ge [sflag:s15], $0x80  }
0x1b: {  	[sflag:s15] =	ssyncset.done $0x0  }
0x1c: {  	[sflag:s15] =	ssyncadd.s32 $0xFFFFFF80  }
0x1d: {  	[tilespmem:s18], [sflag:$0x1] =	stream.indirect.gather [hbm4b:s4+s17], $0x80, s3, s17, $0xb8;
	[tilespmem:$0x1C200] =	vst v63  }
0x1e: {  	_ = 	snop  }
0x1f: {  	[tilespmem:s17], [sflag:$0x3] =	stream.linear.gather [hbm4b:s7+s3], $0x80, $0x38;
	[tilespmem:$0x1C200] =	vst v63  }
0x20: {  	_ =	swait.ge [sflag:s15], $0x80  }
0x21: {  	[sflag:s15] =	ssyncset.done $0x0  }
0x22: {  	[sflag:s15] =	ssyncadd.s32 $0xFFFFFF80  }
0x23: {  	[tilespmem:s19], [sflag:$0x3] =	stream.linear.gather [hbm4b:s8+s3], $0x80, $0x38;
	[tilespmem:$0x1C200] =	vst v63  }
0x24: {  	_ =	swait.ge [sflag:s15], $0x80  }
0x25: {  	[sflag:s15] =	ssyncset.done $0x0  }
0x26: {  	[sflag:s15] =	ssyncadd.s32 $0xFFFFFF80  }
0x27: {  	[tilespmem:s20], [sflag:$0x2] =	stream.indirect.gather [hbm4b:s4+s17], $0x80, s17, s17, $0xb8;
	[tilespmem:$0x1C200] =	vst v63  }
0x28: {  	[spmem:s22], [sflag:s21] =	dma.local [hbm:s9], $0x2800  }
0x29: {  	_ =	swait.ge [sflag:s15], $0x2800  }
0x2a: {  	[sflag:s15] =	ssyncset.done $0x0  }
0x2b: {  	[sflag:s15] =	ssyncadd.s32 $0xFFFFD800  }
0x2c: {  	[bflag:$0x0] =	sbarrier.arrive $0xFFFF  }
0x2d: {  	_ =	swait.ge [sflag:s23], $0x4000  }
0x2e: {  	[sflag:s23] =	ssyncset.done $0x0  }
0x2f: {  	[sflag:s23] =	ssyncadd.s32 $0xFFFFC000  }
0x30: {  	[spmem:s1] =	stream.indirect.scatter.add.f32 [tilespmem:s18], [sflag:$0x3], $0x80, s16, s17, $0xb8;
	[tilespmem:$0x1C200] =	vst v63  }
0x31: {  	_ =	swait.ge [sflag:s15], $0x4000  }
0x32: {  	[sflag:s15] =	ssyncset.done $0x0  }
0x33: {  	s26 =	sadd.s32 $0x0, s13;
	[sflag:s15] =	ssyncadd.s32 $0xFFFFC000  }
0x34: {  	[tilespmem:s3], [sflag:$0x3] =	stream.linear.gather [hbm4b:s26+s3], $0x80, $0x38;
	[tilespmem:$0x1C200] =	vst v63  }
0x35: {  	_ =	swait.ge [sflag:s15], $0x80  }
0x36: {  	s30 =	sadd.s32 $0x0, s12;
	[sflag:s15] =	ssyncset.done $0x0  }
0x37: {  	s28 =	sadd.s32 $0x20, s30;
	[sflag:s15] =	ssyncadd.s32 $0xFFFFFF80  }
0x38: {  	[tilespmem:s16], [sflag:$0x3] =	stream.linear.gather [hbm4b:s28+s3], $0x80, $0x38;
	[tilespmem:$0x1C200] =	vst v63  }
0x39: {  	_ =	swait.ge [sflag:s15], $0x80  }
0x3a: {  	[sflag:s15] =	ssyncset.done $0x0  }
0x3b: {  	[sflag:s15] =	ssyncadd.s32 $0xFFFFFF80  }
0x3c: {  	[tilespmem:s18], [sflag:$0x1] =	stream.indirect.gather [hbm4b:s4+s17], $0x80, s3, s17, $0xb8;
	[tilespmem:$0x1C200] =	vst v63  }
0x3d: {  	_ =	swait.ge [sflag:s24], $0x4000  }
0x3e: {  	[sflag:s24] =	ssyncset.done $0x0  }
0x3f: {  	[sflag:s24] =	ssyncadd.s32 $0xFFFFC000  }
0x40: {  	[spmem:s1] =	stream.indirect.scatter.add.f32 [tilespmem:s20], [sflag:$0x3], $0x80, s19, s17, $0xb8;
	[tilespmem:$0x1C200] =	vst v63  }
0x41: {  	_ =	swait.ge [sflag:s15], $0x4000  }
0x42: {  	[sflag:s15] =	ssyncset.done $0x0  }
0x43: {  	s31 =	sadd.s32 $0x0, s14;
	[sflag:s15] =	ssyncadd.s32 $0xFFFFC000  }
0x44: {  	[tilespmem:s17], [sflag:$0x3] =	stream.linear.gather [hbm4b:s31+s3], $0x80, $0x38;
	[tilespmem:$0x1C200] =	vst v63  }
0x45: {  	_ =	swait.ge [sflag:s15], $0x80  }
0x46: {  	[sflag:s15] =	ssyncset.done $0x0  }
0x47: {  	s26 =	sadd.s32 $0x30, s30;
	[sflag:s15] =	ssyncadd.s32 $0xFFFFFF80  }
0x48: {  	[tilespmem:s19], [sflag:$0x3] =	stream.linear.gather [hbm4b:s26+s3], $0x80, $0x38;
	[tilespmem:$0x1C200] =	vst v63  }
0x49: {  	_ =	swait.ge [sflag:s15], $0x80  }
0x4a: {  	[sflag:s15] =	ssyncset.done $0x0  }
0x4b: {  	s26 =	simm.s32 $0x20;
	[sflag:s15] =	ssyncadd.s32 $0xFFFFFF80  }
.LBB2_2:
0x4c: {  	[tilespmem:s20], [sflag:$0x2] =	stream.indirect.gather [hbm4b:s4+s17], $0x80, s17, s17, $0xb8;
	[tilespmem:$0x1C200] =	vst v63  }
0x4d: {  	s28 =	smov.u32 s26  }
0x4e: {  	p0 =	sne.s32 s26, $0x4C0;
	s26 =	sadd.s32 $0x20, s26;
	_ =	swait.ge [sflag:s23], $0x4000  }
0x4f: {  	[sflag:s23] =	ssyncset.done $0x0  }
0x50: {  	[sflag:s23] =	ssyncadd.s32 $0xFFFFC000  }
0x51: {  	[spmem:s1] =	stream.indirect.scatter.add.f32 [tilespmem:s18], [sflag:$0x3], $0x80, s16, s17, $0xb8;
	[tilespmem:$0x1C200] =	vst v63  }
0x52: {  	_ =	swait.ge [sflag:s15], $0x4000  }
0x53: {  	[sflag:s15] =	ssyncset.done $0x0  }
0x54: {  	s29 =	sadd.s32 s28, s13;
	[sflag:s15] =	ssyncadd.s32 $0xFFFFC000  }
0x55: {  	[tilespmem:s3], [sflag:$0x3] =	stream.linear.gather [hbm4b:s29+s3], $0x80, $0x38;
	[tilespmem:$0x1C200] =	vst v63  }
0x56: {  	_ =	swait.ge [sflag:s15], $0x80  }
0x57: {  	s29 =	sadd.s32 s28, s12;
	[sflag:s15] =	ssyncset.done $0x0  }
0x58: {  	s30 =	sadd.s32 $0x20, s29;
	[sflag:s15] =	ssyncadd.s32 $0xFFFFFF80  }
0x59: {  	[tilespmem:s16], [sflag:$0x3] =	stream.linear.gather [hbm4b:s30+s3], $0x80, $0x38;
	[tilespmem:$0x1C200] =	vst v63  }
0x5a: {  	_ =	swait.ge [sflag:s15], $0x80  }
0x5b: {  	[sflag:s15] =	ssyncset.done $0x0  }
0x5c: {  	[sflag:s15] =	ssyncadd.s32 $0xFFFFFF80  }
0x5d: {  	[tilespmem:s18], [sflag:$0x1] =	stream.indirect.gather [hbm4b:s4+s17], $0x80, s3, s17, $0xb8;
	[tilespmem:$0x1C200] =	vst v63  }
0x5e: {  	_ =	swait.ge [sflag:s24], $0x4000  }
0x5f: {  	[sflag:s24] =	ssyncset.done $0x0  }
0x60: {  	[sflag:s24] =	ssyncadd.s32 $0xFFFFC000  }
0x61: {  	[spmem:s1] =	stream.indirect.scatter.add.f32 [tilespmem:s20], [sflag:$0x3], $0x80, s19, s17, $0xb8;
	[tilespmem:$0x1C200] =	vst v63  }
0x62: {  	_ =	swait.ge [sflag:s15], $0x4000  }
0x63: {  	[sflag:s15] =	ssyncset.done $0x0  }
0x64: {  	s28 =	sadd.s32 s28, s14;
	[sflag:s15] =	ssyncadd.s32 $0xFFFFC000  }
0x65: {  	[tilespmem:s17], [sflag:$0x3] =	stream.linear.gather [hbm4b:s28+s3], $0x80, $0x38;
	[tilespmem:$0x1C200] =	vst v63  }
0x66: {  	_ =	swait.ge [sflag:s15], $0x80  }
0x67: {  	[sflag:s15] =	ssyncset.done $0x0  }
.Ltmp0:
0x68: {  	s28 =	sadd.s32 $0x30, s29;
	[sflag:s15] =	ssyncadd.s32 $0xFFFFFF80;
	(pc) =	sbr.rel @p0 .LBB2_2-.Ltmp0, $4  }
0x69: {  	[tilespmem:s19], [sflag:$0x3] =	stream.linear.gather [hbm4b:s28+s3], $0x80, $0x38;
	[tilespmem:$0x1C200] =	vst v63  }
0x6a: {  	_ =	swait.ge [sflag:s15], $0x80  }
0x6b: {  	[sflag:s15] =	ssyncset.done $0x0  }
0x6c: {  	[sflag:s15] =	ssyncadd.s32 $0xFFFFFF80  }
0x6d: {  	[tilespmem:s20], [sflag:$0x2] =	stream.indirect.gather [hbm4b:s4+s17], $0x80, s17, s17, $0xb8;
	[tilespmem:$0x1C200] =	vst v63  }
0x6e: {  	_ =	swait.ge [sflag:s23], $0x4000  }
0x6f: {  	[sflag:s23] =	ssyncset.done $0x0  }
0x70: {  	[sflag:s23] =	ssyncadd.s32 $0xFFFFC000  }
0x71: {  	[spmem:s1] =	stream.indirect.scatter.add.f32 [tilespmem:s18], [sflag:$0x3], $0x80, s16, s17, $0xb8;
	[tilespmem:$0x1C200] =	vst v63  }
0x72: {  	_ =	swait.ge [sflag:s15], $0x4000  }
0x73: {  	[sflag:s15] =	ssyncset.done $0x0  }
0x74: {  	[sflag:s15] =	ssyncadd.s32 $0xFFFFC000  }
0x75: {  	_ =	swait.ge [sflag:s24], $0x4000  }
0x76: {  	[sflag:s24] =	ssyncset.done $0x0  }
0x77: {  	[sflag:s24] =	ssyncadd.s32 $0xFFFFC000  }
0x78: {  	[spmem:s1] =	stream.indirect.scatter.add.f32 [tilespmem:s20], [sflag:$0x3], $0x80, s19, s17, $0xb8;
	[tilespmem:$0x1C200] =	vst v63  }
0x79: {  	_ =	swait.ge [sflag:s15], $0x4000  }
0x7a: {  	s25 =	sadd.s32 $0x1, s25;
	[sflag:s15] =	ssyncset.done $0x0  }
0x7b: {  	p0 =	sne.s32 s25, s11;
	[sflag:s15] =	ssyncadd.s32 $0xFFFFC000  }
.Ltmp1:
0x7c: {  	[bflag:$0x0] =	sbarrier.arrive $0xFFFF;
	(pc) =	sbr.rel @p0 .LBB2_1-.Ltmp1, $4  }
0x7d: {  	[hbm:s10], [sflag:s21] =	dma.local [spmem:s22], $0x2800  }
0x7e: {  	_ =	swait.ge [sflag:s15], $0x2800  }
0x7f: {  	[sflag:s15] =	ssyncset.done $0x0  }
0x80: {  	[sflag:s15] =	ssyncadd.s32 $0xFFFFD800  }
0x81: {  	_ =	sfence.sel $0x180000  }
0x82: {  	[bflag:$0x0] =	sbarrier.arrive $0xFFFF  }
0x83: {  	p0 =	sne.s32 s2, $0x0;
	_ =	strace $0x9000004A  }
0x84: {  	s0 =	sadd.s32 @!p0 $0x100000, s0;
	[bflag:$0x2] =	sbarrier.arrive $0xFFFF  }
0x85: {  	[sflag:s0] =	ssyncadd.tile.s32 @!p0 $0x1;
	_ =	shalt  }
.Lfunc_end2:
_tile_overlayer_lowered:
.L_overlay_start_2:
0x86: {  	(tag) =	ssettag $0x2  }
0x87: {  	s0 =	rddreg [dreg:$0x0];
	s2 =	stileid.u32  }
0x88: {  	s1 =	rddreg [dreg:$0x1];
	p0 =	sne.s32 s2, $0x0  }
0x89: {  	s3 =	rddreg [dreg:$0x2];
	[bflag:$0x3] =	sbarrier.arrive $0xFFFF;
	s2 =	simm.s32 @!p0 $0x1C03  }
0x8a: {  	[timem:s3], [sflag:s2] =	dma.local @!p0 [hbm:s0], s1  }
0x8b: {  	s0 =	simm.s32 @!p0 $0x3  }
0x8c: {  	_ =	swait.ge @!p0 [sflag:s0], s1  }
0x8d: {  	s1 =	ssub.s32 @!p0 $0x0, s1;
	[sflag:s0] =	ssyncset.done @!p0 $0x0  }
0x8e: {  	[sflag:s0] =	ssyncadd.s32 @!p0 s1  }
0x8f: {  	[bflag:$0x3] =	sbarrier.arrive $0xFFFF  }
0x90: {  	_ =	shalt  }

// kernel: kernel.18.cloned.1.call-start
scs
__scs_entry_jumppad:
0x0: {  	(pc) =	sbr.rel $0x88, $3  }
0x1: {  	(tag) =	ssettag $0x0;
	lr =	simm.s32 $0x1  }
0x2: {  	[smem:$0x3F8F] =	sst lr;
	_ =	strace $0xD0000000  }
0x3: {  	_ = 	snop  }
0x4: {  	_ = 	snop  }
0x5: {  	_ = 	snop  }
0x6: {  	_ = 	snop  }
0x7: {  	_ = 	snop  }
__scs_overlays_trampoline_lowered:
0x8: {  	[smem:$0x3F9E] =	sst s0  }
0x9: {  	[smem:$0x3F9F] =	sst s1  }
0xa: {  	[smem:$0x3FA0] =	sst s2  }
0xb: {  	[smem:$0x3FA1] =	sst s3  }
0xc: {  	[smem:$0x3FA2] =	sst s4  }
0xd: {  	[smem:$0x3FA3] =	sst s5  }
0xe: {  	[smem:$0x3FA4] =	sst s6  }
0xf: {  	[smem:$0x3FA5] =	sst s7  }
0x10: {  	[smem:$0x3FA6] =	sst s8  }
0x11: {  	[smem:$0x3FA7] =	sst s9;
	s0 =	simm.s32 @!p0 $0x0  }
0x12: {  	s1 =	sld [smem:$0x3F8D];
	s0 =	simm.s32 @p0 $0x1  }
0x13: {  	[smem:$0x3FA8] =	sst s0;
	s0 =	simm.s32 @!p1 $0x0  }
0x14: {  	s2 =	sld [smem:$0x3F8C];
	s0 =	simm.s32 @p1 $0x1  }
0x15: {  	[smem:$0x3FA9] =	sst s0;
	s0 =	simm.s32 @!p2 $0x0  }
0x16: {  	s3 =	sld [smem:$0x3FDB];
	s0 =	simm.s32 @p2 $0x1  }
0x17: {  	s4 =	simm.s32 $0x1BF5;
	[smem:$0x3FAB] =	sst s0  }
0x18: {  	s0 =	sld [smem:$0x3F8E];
	_ =	swait.ge [sflag:s4], $0x0  }
0x19: {  	s7 =	sld [smem:$0x3F8F]  }
0x1a: {  	s8 =	sadd.s32 $0xFFFFE003, lr  }
0x1b: {  	s9 =	sadd.s32 $0xFFFFFEF7, lr;
	s5 =	simm.s32 $0xFFFFFFFF;
	p2 =	slt.u32 s8, $0xFFFFF086  }
0x1c: {  	p1 =	slt.u32 s9, $0xF7A;
	s5 =	simm.s32 @!p2 $0x0  }
0x1d: {  	s5 =	simm.s32 @p1 $0x1;
	p0 =	seq.s32 s7, s2  }
0x1e: {  	s7 =	smul.u32 @!p0 $0xF7A, s2;
	p2 =	seq.s32 @!p0 s5, $0x0  }
0x1f: {  	s9 =	smul.u32 $0xF7A, s1;
	s8 =	simm.s32 @!p0 $0x1BF5;
	p2 =	por !p2, p0  }
0x20: {  	[sflag:s8] =	ssyncset.s32 @!p0 $0xFFFFF086;
	s6 =	sadd.s32 @!p0 s3, s7;
	s7 =	simm.s32 @!p0 $0x108  }
0x21: {  	s3 =	sadd.s32 s3, s9;
	s6 =	sadd.s32 @!p0 $0x88, s6;
	s7 =	simm.s32 @p2 $0x1082  }
0x22: {  	[simem:s7], [sflag:s8] =	dma.local @!p0 [hbm:s6], $0xF7A  }
0x23: {  	s9 =	sor.u32 $0xD0000000, s2;
	s6 =	simm.s32 $0x108;
	_ =	swait.ge @!p0 [sflag:s8], $0x0  }
0x24: {  	s3 =	sadd.s32 $0x88, s3;
	s6 =	simm.s32 @!p1 $0x1082;
	[sflag:s4] =	ssyncset.s32 $0xFFFFF086  }
0x25: {  	[simem:s6], [sflag:s4] =	dma.local [hbm:s3], $0xF7A  }
0x26: {  	[smem:$0x3F8F] =	sst s1;
	(tag) =	ssettag s2;
	_ =	strace s9  }
0x27: {  	s1 =	sld [smem:$0x3F9F]  }
0x28: {  	s2 =	sld [smem:$0x3FA0]  }
0x29: {  	s4 =	sld [smem:$0x3FA2]  }
0x2a: {  	p0 =	seq.s32 s5, $0x0;
	s5 =	sld [smem:$0x3FA3]  }
0x2b: {  	s6 =	sld [smem:$0x3FA4]  }
0x2c: {  	s7 =	sld [smem:$0x3FA5]  }
0x2d: {  	s3 =	simm.s32 $0x108;
	s8 =	sld [smem:$0x3FA6]  }
0x2e: {  	s3 =	simm.s32 @!p0 $0x1082;
	s9 =	sld [smem:$0x3FA7]  }
0x2f: {  	lr =	sadd.s32 s0, s3;
	s0 =	sld [smem:$0x3F9E]  }
0x30: {  	s3 =	sld [smem:$0x3FA1]  }
0x31: {  	[smem:$0x3FAA] =	sst s10  }
0x32: {  	s10 =	sld [smem:$0x3FA8];
	_ =	sdelay $0x3  }
0x33: {  	p0 =	seq.s32 s10, $0x1;
	s10 =	sld [smem:$0x3FAA];
	_ =	sdelay $0x3  }
0x34: {  	[smem:$0x3FAA] =	sst s10  }
0x35: {  	s10 =	sld [smem:$0x3FA9];
	_ =	sdelay $0x3  }
0x36: {  	p1 =	seq.s32 s10, $0x1;
	s10 =	sld [smem:$0x3FAA];
	_ =	sdelay $0x3  }
0x37: {  	[smem:$0x3FAA] =	sst s10  }
0x38: {  	s10 =	sld [smem:$0x3FAB]  }
0x39: {  	_ = 	snop;
	(pc) =	sbr.ind lr, $3  }
0x3a: {  	_ = 	snop  }
0x3b: {  	_ = 	snop  }
0x3c: {  	p2 =	seq.s32 s10, $0x1;
	s10 =	sld [smem:$0x3FAA]  }
0x3d: {  	_ =	shalt  }
0x3e: {  	_ =	shalt  }
0x3f: {  	_ =	shalt  }
0x40: {  	_ =	shalt  }
0x41: {  	_ =	shalt  }
0x42: {  	_ =	shalt  }
0x43: {  	_ =	shalt  }
0x44: {  	_ =	shalt  }
0x45: {  	_ =	shalt  }
0x46: {  	_ =	shalt  }
0x47: {  	_ =	shalt  }
0x48: {  	_ =	shalt  }
0x49: {  	_ =	shalt  }
0x4a: {  	_ =	shalt  }
0x4b: {  	_ =	shalt  }
0x4c: {  	_ =	shalt  }
0x4d: {  	_ =	shalt  }
0x4e: {  	_ =	shalt  }
0x4f: {  	_ =	shalt  }
0x50: {  	_ =	shalt  }
0x51: {  	_ =	shalt  }
0x52: {  	_ =	shalt  }
0x53: {  	_ =	shalt  }
0x54: {  	_ =	shalt  }
0x55: {  	_ =	shalt  }
0x56: {  	_ =	shalt  }
0x57: {  	_ =	shalt  }
0x58: {  	_ =	shalt  }
0x59: {  	_ =	shalt  }
0x5a: {  	_ =	shalt  }
0x5b: {  	_ =	shalt  }
0x5c: {  	_ =	shalt  }
0x5d: {  	_ =	shalt  }
0x5e: {  	_ =	shalt  }
0x5f: {  	_ =	shalt  }
0x60: {  	_ =	shalt  }
0x61: {  	_ =	shalt  }
0x62: {  	_ =	shalt  }
0x63: {  	_ =	shalt  }
0x64: {  	_ =	shalt  }
0x65: {  	_ =	shalt  }
0x66: {  	_ =	shalt  }
0x67: {  	_ =	shalt  }
0x68: {  	_ =	shalt  }
0x69: {  	_ =	shalt  }
0x6a: {  	_ =	shalt  }
0x6b: {  	_ =	shalt  }
0x6c: {  	_ =	shalt  }
0x6d: {  	_ =	shalt  }
0x6e: {  	_ =	shalt  }
0x6f: {  	_ =	shalt  }
0x70: {  	_ =	shalt  }
0x71: {  	_ =	shalt  }
0x72: {  	_ =	shalt  }
0x73: {  	_ =	shalt  }
0x74: {  	_ =	shalt  }
0x75: {  	_ =	shalt  }
0x76: {  	_ =	shalt  }
0x77: {  	_ =	shalt  }
0x78: {  	_ =	shalt  }
0x79: {  	_ =	shalt  }
0x7a: {  	_ =	shalt  }
0x7b: {  	_ =	shalt  }
0x7c: {  	_ =	shalt  }
0x7d: {  	_ =	shalt  }
0x7e: {  	_ =	shalt  }
0x7f: {  	_ =	shalt  }
0x80: {  	_ =	shalt  }
0x81: {  	_ =	shalt  }
0x82: {  	_ =	shalt  }
0x83: {  	_ =	shalt  }
0x84: {  	_ =	shalt  }
0x85: {  	_ =	shalt  }
0x86: {  	_ =	shalt  }
0x87: {  	_ =	shalt  }
.Lfunc_end0:
.L_simem_size_0:
called_computation.2_lowered:
.L_overlay_start_0:
0x88: {  	s2 =	sld [smem:$0x3FD9]  }
0x89: {  	s3 =	sld [smem:$0x3FFE];
	_ =	sdelay $0x1  }
0x8a: {  	s1 =	srdreg.scid  }
0x8b: {  	s0 =	sand.u32 $0x1, s1  }
0x8c: {  	s16 =	sshll.u32 s0, $0xA;
	s2 =	sadd.s32 s3, s2  }
0x8d: {  	s2 =	sadd.s32 s2, s16  }
0x8e: {  	[smem:$0x3FB6] =	sst s2  }
0x8f: {  	_ = 	snop  }
0x90: {  	(tm) =	ssettm $0x1  }
0x91: {  	s17 =	sld [smem:$0x3FFB];
	_ =	sdelay $0x3  }
0x92: {  	_ =	strace s17  }
0x93: {  	s2 =	sld [smem:$0x3FFC];
	_ =	sdelay $0x3  }
0x94: {  	_ =	strace s2  }
0x95: {  	s2 =	sld [smem:$0x3FFD];
	_ =	sdelay $0x3  }
0x96: {  	_ =	strace s2  }
0x97: {  	_ =	strace $0x8FFFFFFF  }
0x98: {  	s18 =	sld [smem:$0x3FDB];
	_ =	sdelay $0x1  }
0x99: {  	s19 =	simm.s32 $_scs_section_size  }
0x9a: {  	s4 =	simm.s32 $_size__tile_overlayer_lowered;
	s5 =	simm.s32 $_tile_overlayer_lowered  }
0x9b: {  	s22 =	simm.s32 $0x1BFF;
	s21 =	sshll.u32 s5, $0x1;
	s2 =	sadd.s32 s19, s18  }
0x9c: {  	s6 =	simm.s32 $0x0;
	s20 =	sshll.u32 s4, $0x1;
	s4 =	sadd.s32 s21, s2  }
0x9d: {  	[timem:s6], [sflag:s22] =	dma.local [hbm:s4], s20  }
0x9e: {  	_ =	swait.ge [sflag:s22], s20  }
0x9f: {  	s3 =	ssub.s32 $0x0, s20;
	[sflag:s22] =	ssyncset.done $0x0  }
0xa0: {  	[sflag:s22] =	ssyncadd.s32 s3;
	_ =	sdelay $0x1  }
0xa1: {  	s23 =	simm.s32 $0x1B8B  }
0xa2: {  	_ =	swait.ge [sflag:s23], $0x1  }
0xa3: {  	[sflag:s23] =	ssyncset.done $0x0  }
0xa4: {  	s25 =	simm.s32 $0x1B8E;
	s24 =	sld [smem:$0x3FFE];
	[sflag:s23] =	ssyncadd.s32 $0xFFFFFFFF  }
0xa5: {  	s26 =	simm.s32 $execute0_lowered;
	[smem:$0x3FD2] =	sst s25  }
0xa6: {  	s4 =	sshll.u32 s26, $0x1;
	_ =	strace $0x8000004C;
	[dreg:$0x1] =	wrdreg $0xFFFFFFFF  }
0xa7: {  	s28 =	simm.s32 $_size_execute0_lowered;
	s2 =	sadd.s32 s2, s4;
	[dreg:$0x0] =	wrdreg $0x0  }
0xa8: {  	s4 =	sshll.u32 s28, $0x1;
	[dreg:$0x2] =	wrdreg s2  }
0xa9: {  	[dreg:$0x3] =	wrdreg s4  }
0xaa: {  	[dreg:$0x4] =	wrdreg $0xC0  }
0xab: {  	_ =	task [dreg:s6], $0x5FFFF  }
0xac: {  	[dreg:$0x1] =	wrdreg $0xFFFFFFFF  }
0xad: {  	[dreg:$0x0] =	wrdreg $0x60  }
0xae: {  	[dreg:$0x2] =	wrdreg s24  }
0xaf: {  	[dreg:$0x3] =	wrdreg $0x82000  }
0xb0: {  	[dreg:$0x4] =	wrdreg $0x9  }
0xb1: {  	_ =	task.clear_ibuf [dreg:s6], $0x5FFFF;
	_ =	strace $0x9000004C  }
0xb2: {  	s29 =	simm.s32 $0x9;
	_ =	strace $0x8000004E  }
0xb3: {  	_ =	swait.ge [sflag:s29], $0x1  }
0xb4: {  	[sflag:s29] =	ssyncadd.s32 $0xFFFFFFFF  }
0xb5: {  	_ =	strace $0x9000004E  }
0xb6: {  	_ =	sfence  }
0xb7: {  	s30 =	sld [smem:$0x0];
	_ =	sdelay $0x2  }
0xb8: {  	s31 =	sshll.u32 s1, $0xD;
	s1 =	sshrl.u32 s1, $0x2  }
0xb9: {  	s3 =	sand.u32 $0x4000, s31;
	s1 =	sadd.s32 s1, s30  }
0xba: {  	s0 =	sor.u32 s3, s0;
	s1 =	sshll.u32 s1, $0x11  }
0xbb: {  	s0 =	sor.u32 s1, s0  }
0xbc: {  	s0 =	sadd.s32 $0x8F2B, s0  }
0xbd: {  	[sflag:s0] =	ssyncadd.remote.s32 $0x1  }
0xbe: {  	_ =	sfence.sel $0xFFFF  }
0xbf: {  	[dreg:$0x0] =	wrdreg $0xFFFFFFFF;
	(pc) =	sbr.abs _section_cstart, $3  }
0xc0: {  	[dreg:$0x1] =	wrdreg $0xFFFFFFFF  }
0xc1: {  	_ =	task.clear_ibuf [dreg:s6], $0x2FFFF;
	_ =	strace $0x9FFFFFFF  }
0xc2: {  	(tm) =	ssettm $0x7FFFFFFF  }
0xc3: {  	_ =	shalt  }
tec
execute0_lowered:
.L_overlay_start_1:
0x0: {  	(tag) =	ssettag $0x1  }
0x1: {  	s5 =	rddreg [dreg:$0x0]  }
0x2: {  	s1 =	rddreg [dreg:$0x1]  }
0x3: {  	s2 =	srdreg.scid;
	s0 =	rddreg [dreg:$0x2]  }
0x4: {  	s3 =	simm.s32 $0x0;
	s18 =	simm.s32 $0x200;
	s6 =	sand.u32 $0x1, s2  }
0x5: {  	s19 =	simm.s32 $0x180;
	s2 =	stileid.u32;
	s7 =	smul.u32 $0x140000, s6  }
0x6: {  	s20 =	simm.s32 $0x4200;
	s23 =	simm.s32 $0x1;
	s8 =	smul.u32 $0x14000, s2  }
0x7: {  	[smem:$0x7FF] =	sst s3;
	s4 =	sadd.s32 $0x9200, s5;
	s9 =	smul.u32 $0x2800, s2  }
0x8: {  	s14 =	sadd.s32 $0x5AA00, s5;
	s12 =	sadd.s32 $0x3400, s5;
	s24 =	smul.u32 $0x28000, s6  }
0x9: {  	_ =	strace $0x8000004D;
	s6 =	ssub.s32 $0x2, s6;
	s29 =	smul.u32 $0x50000, s2  }
0xa: {  	s15 =	smul.u32 $0x500, s2;
	s21 =	sshll.u32 s2, $0x6;
	s25 =	sshrl.u32 s6, $0x1  }
0xb: {  	s21 =	sor.u32 $0x1C03, s21;
	s7 =	sadd.s32 s8, s7;
	s11 =	sadd.s32 s9, s24  }
0xc: {  	s28 =	sshrl.u32 s9, $0x3;
	s13 =	ssub.s32 s6, s25;
	s9 =	sshrl.u32 s29, $0x2  }
0xd: {  	s24 =	simm.s32 $0x2;
	s25 =	simm.s32 $0x0;
	s7 =	sshrl.u32 s7, $0x3  }
0xe: {  	s26 =	sshrl.u32 s11, $0x3;
	s6 =	sadd.s32 s12, s28;
	s22 =	sadd.s32 s9, s1  }
0xf: {  	s9 =	sadd.s32 s4, s11;
	s16 =	sor.u32 $0x100, s11;
	s17 =	sor.u32 $0x180, s11  }
0x10: {  	s11 =	smax.u32 s13, $0x1;
	s12 =	sadd.s32 s15, s12;
	s15 =	simm.s32 $0x3  }
0x11: {  	s10 =	sadd.s32 s7, s5;
	s5 =	sadd.s32 s14, s26;
	s8 =	sadd.s32 $0x10, s6  }
0x12: {  	s30 =	sshrl.u32 s16, $0x3;
	s31 =	sshrl.u32 s17, $0x3;
	s16 =	simm.s32 $0x100  }
0x13: {  	s17 =	simm.s32 $0x80;
	s22 =	sshrl.u32 s22, $0x3;
	s7 =	sadd.s32 $0x10, s5  }
0x14: {  	s10 =	sadd.s32 $0x64A00, s10;
	s13 =	sadd.s32 s30, s14;
	s14 =	sadd.s32 s31, s14  }
.LBB2_1:
0x15: {  	[tilespmem:s3], [sflag:$0x3] =	stream.linear.gather [hbm4b:s5+s3], $0x80, $0x38;
	[tilespmem:$0x1C200] =	vst v63  }
0x16: {  	_ =	swait.ge [sflag:s15], $0x80  }
0x17: {  	[sflag:s15] =	ssyncset.done $0x0  }
0x18: {  	[sflag:s15] =	ssyncadd.s32 $0xFFFFFF80  }
0x19: {  	[tilespmem:s16], [sflag:$0x3] =	stream.linear.gather [hbm4b:s6+s3], $0x80, $0x38;
	[tilespmem:$0x1C200] =	vst v63  }
0x1a: {  	_ =	swait.ge [sflag:s15], $0x80  }
0x1b: {  	[sflag:s15] =	ssyncset.done $0x0  }
0x1c: {  	[sflag:s15] =	ssyncadd.s32 $0xFFFFFF80  }
0x1d: {  	[tilespmem:s18], [sflag:$0x1] =	stream.indirect.gather [hbm4b:s4+s17], $0x80, s3, s17, $0xb8;
	[tilespmem:$0x1C200] =	vst v63  }
0x1e: {  	_ = 	snop  }
0x1f: {  	[tilespmem:s17], [sflag:$0x3] =	stream.linear.gather [hbm4b:s7+s3], $0x80, $0x38;
	[tilespmem:$0x1C200] =	vst v63  }
0x20: {  	_ =	swait.ge [sflag:s15], $0x80  }
0x21: {  	[sflag:s15] =	ssyncset.done $0x0  }
0x22: {  	[sflag:s15] =	ssyncadd.s32 $0xFFFFFF80  }
0x23: {  	[tilespmem:s19], [sflag:$0x3] =	stream.linear.gather [hbm4b:s8+s3], $0x80, $0x38;
	[tilespmem:$0x1C200] =	vst v63  }
0x24: {  	_ =	swait.ge [sflag:s15], $0x80  }
0x25: {  	[sflag:s15] =	ssyncset.done $0x0  }
0x26: {  	[sflag:s15] =	ssyncadd.s32 $0xFFFFFF80  }
0x27: {  	[tilespmem:s20], [sflag:$0x2] =	stream.indirect.gather [hbm4b:s4+s17], $0x80, s17, s17, $0xb8;
	[tilespmem:$0x1C200] =	vst v63  }
0x28: {  	[spmem:s22], [sflag:s21] =	dma.local [hbm:s9], $0x2800  }
0x29: {  	_ =	swait.ge [sflag:s15], $0x2800  }
0x2a: {  	[sflag:s15] =	ssyncset.done $0x0  }
0x2b: {  	[sflag:s15] =	ssyncadd.s32 $0xFFFFD800  }
0x2c: {  	[bflag:$0x0] =	sbarrier.arrive $0xFFFF  }
0x2d: {  	_ =	swait.ge [sflag:s23], $0x4000  }
0x2e: {  	[sflag:s23] =	ssyncset.done $0x0  }
0x2f: {  	[sflag:s23] =	ssyncadd.s32 $0xFFFFC000  }
0x30: {  	[spmem:s1] =	stream.indirect.scatter.add.f32 [tilespmem:s18], [sflag:$0x3], $0x80, s16, s17, $0xb8;
	[tilespmem:$0x1C200] =	vst v63  }
0x31: {  	_ =	swait.ge [sflag:s15], $0x4000  }
0x32: {  	[sflag:s15] =	ssyncset.done $0x0  }
0x33: {  	s26 =	sadd.s32 $0x0, s13;
	[sflag:s15] =	ssyncadd.s32 $0xFFFFC000  }
0x34: {  	[tilespmem:s3], [sflag:$0x3] =	stream.linear.gather [hbm4b:s26+s3], $0x80, $0x38;
	[tilespmem:$0x1C200] =	vst v63  }
0x35: {  	_ =	swait.ge [sflag:s15], $0x80  }
0x36: {  	s30 =	sadd.s32 $0x0, s12;
	[sflag:s15] =	ssyncset.done $0x0  }
0x37: {  	s28 =	sadd.s32 $0x20, s30;
	[sflag:s15] =	ssyncadd.s32 $0xFFFFFF80  }
0x38: {  	[tilespmem:s16], [sflag:$0x3] =	stream.linear.gather [hbm4b:s28+s3], $0x80, $0x38;
	[tilespmem:$0x1C200] =	vst v63  }
0x39: {  	_ =	swait.ge [sflag:s15], $0x80  }
0x3a: {  	[sflag:s15] =	ssyncset.done $0x0  }
0x3b: {  	[sflag:s15] =	ssyncadd.s32 $0xFFFFFF80  }
0x3c: {  	[tilespmem:s18], [sflag:$0x1] =	stream.indirect.gather [hbm4b:s4+s17], $0x80, s3, s17, $0xb8;
	[tilespmem:$0x1C200] =	vst v63  }
0x3d: {  	_ =	swait.ge [sflag:s24], $0x4000  }
0x3e: {  	[sflag:s24] =	ssyncset.done $0x0  }
0x3f: {  	[sflag:s24] =	ssyncadd.s32 $0xFFFFC000  }
0x40: {  	[spmem:s1] =	stream.indirect.scatter.add.f32 [tilespmem:s20], [sflag:$0x3], $0x80, s19, s17, $0xb8;
	[tilespmem:$0x1C200] =	vst v63  }
0x41: {  	_ =	swait.ge [sflag:s15], $0x4000  }
0x42: {  	[sflag:s15] =	ssyncset.done $0x0  }
0x43: {  	s31 =	sadd.s32 $0x0, s14;
	[sflag:s15] =	ssyncadd.s32 $0xFFFFC000  }
0x44: {  	[tilespmem:s17], [sflag:$0x3] =	stream.linear.gather [hbm4b:s31+s3], $0x80, $0x38;
	[tilespmem:$0x1C200] =	vst v63  }
0x45: {  	_ =	swait.ge [sflag:s15], $0x80  }
0x46: {  	[sflag:s15] =	ssyncset.done $0x0  }
0x47: {  	s26 =	sadd.s32 $0x30, s30;
	[sflag:s15] =	ssyncadd.s32 $0xFFFFFF80  }
0x48: {  	[tilespmem:s19], [sflag:$0x3] =	stream.linear.gather [hbm4b:s26+s3], $0x80, $0x38;
	[tilespmem:$0x1C200] =	vst v63  }
0x49: {  	_ =	swait.ge [sflag:s15], $0x80  }
0x4a: {  	[sflag:s15] =	ssyncset.done $0x0  }
0x4b: {  	s26 =	simm.s32 $0x20;
	[sflag:s15] =	ssyncadd.s32 $0xFFFFFF80  }
.LBB2_2:
0x4c: {  	[tilespmem:s20], [sflag:$0x2] =	stream.indirect.gather [hbm4b:s4+s17], $0x80, s17, s17, $0xb8;
	[tilespmem:$0x1C200] =	vst v63  }
0x4d: {  	s28 =	smov.u32 s26  }
0x4e: {  	p0 =	sne.s32 s26, $0x4C0;
	s26 =	sadd.s32 $0x20, s26;
	_ =	swait.ge [sflag:s23], $0x4000  }
0x4f: {  	[sflag:s23] =	ssyncset.done $0x0  }
0x50: {  	[sflag:s23] =	ssyncadd.s32 $0xFFFFC000  }
0x51: {  	[spmem:s1] =	stream.indirect.scatter.add.f32 [tilespmem:s18], [sflag:$0x3], $0x80, s16, s17, $0xb8;
	[tilespmem:$0x1C200] =	vst v63  }
0x52: {  	_ =	swait.ge [sflag:s15], $0x4000  }
0x53: {  	[sflag:s15] =	ssyncset.done $0x0  }
0x54: {  	s29 =	sadd.s32 s28, s13;
	[sflag:s15] =	ssyncadd.s32 $0xFFFFC000  }
0x55: {  	[tilespmem:s3], [sflag:$0x3] =	stream.linear.gather [hbm4b:s29+s3], $0x80, $0x38;
	[tilespmem:$0x1C200] =	vst v63  }
0x56: {  	_ =	swait.ge [sflag:s15], $0x80  }
0x57: {  	s29 =	sadd.s32 s28, s12;
	[sflag:s15] =	ssyncset.done $0x0  }
0x58: {  	s30 =	sadd.s32 $0x20, s29;
	[sflag:s15] =	ssyncadd.s32 $0xFFFFFF80  }
0x59: {  	[tilespmem:s16], [sflag:$0x3] =	stream.linear.gather [hbm4b:s30+s3], $0x80, $0x38;
	[tilespmem:$0x1C200] =	vst v63  }
0x5a: {  	_ =	swait.ge [sflag:s15], $0x80  }
0x5b: {  	[sflag:s15] =	ssyncset.done $0x0  }
0x5c: {  	[sflag:s15] =	ssyncadd.s32 $0xFFFFFF80  }
0x5d: {  	[tilespmem:s18], [sflag:$0x1] =	stream.indirect.gather [hbm4b:s4+s17], $0x80, s3, s17, $0xb8;
	[tilespmem:$0x1C200] =	vst v63  }
0x5e: {  	_ =	swait.ge [sflag:s24], $0x4000  }
0x5f: {  	[sflag:s24] =	ssyncset.done $0x0  }
0x60: {  	[sflag:s24] =	ssyncadd.s32 $0xFFFFC000  }
0x61: {  	[spmem:s1] =	stream.indirect.scatter.add.f32 [tilespmem:s20], [sflag:$0x3], $0x80, s19, s17, $0xb8;
	[tilespmem:$0x1C200] =	vst v63  }
0x62: {  	_ =	swait.ge [sflag:s15], $0x4000  }
0x63: {  	[sflag:s15] =	ssyncset.done $0x0  }
0x64: {  	s28 =	sadd.s32 s28, s14;
	[sflag:s15] =	ssyncadd.s32 $0xFFFFC000  }
0x65: {  	[tilespmem:s17], [sflag:$0x3] =	stream.linear.gather [hbm4b:s28+s3], $0x80, $0x38;
	[tilespmem:$0x1C200] =	vst v63  }
0x66: {  	_ =	swait.ge [sflag:s15], $0x80  }
0x67: {  	[sflag:s15] =	ssyncset.done $0x0  }
.Ltmp0:
0x68: {  	s28 =	sadd.s32 $0x30, s29;
	[sflag:s15] =	ssyncadd.s32 $0xFFFFFF80;
	(pc) =	sbr.rel @p0 .LBB2_2-.Ltmp0, $4  }
0x69: {  	[tilespmem:s19], [sflag:$0x3] =	stream.linear.gather [hbm4b:s28+s3], $0x80, $0x38;
	[tilespmem:$0x1C200] =	vst v63  }
0x6a: {  	_ =	swait.ge [sflag:s15], $0x80  }
0x6b: {  	[sflag:s15] =	ssyncset.done $0x0  }
0x6c: {  	[sflag:s15] =	ssyncadd.s32 $0xFFFFFF80  }
0x6d: {  	[tilespmem:s20], [sflag:$0x2] =	stream.indirect.gather [hbm4b:s4+s17], $0x80, s17, s17, $0xb8;
	[tilespmem:$0x1C200] =	vst v63  }
0x6e: {  	_ =	swait.ge [sflag:s23], $0x4000  }
0x6f: {  	[sflag:s23] =	ssyncset.done $0x0  }
0x70: {  	[sflag:s23] =	ssyncadd.s32 $0xFFFFC000  }
0x71: {  	[spmem:s1] =	stream.indirect.scatter.add.f32 [tilespmem:s18], [sflag:$0x3], $0x80, s16, s17, $0xb8;
	[tilespmem:$0x1C200] =	vst v63  }
0x72: {  	_ =	swait.ge [sflag:s15], $0x4000  }
0x73: {  	[sflag:s15] =	ssyncset.done $0x0  }
0x74: {  	[sflag:s15] =	ssyncadd.s32 $0xFFFFC000  }
0x75: {  	_ =	swait.ge [sflag:s24], $0x4000  }
0x76: {  	[sflag:s24] =	ssyncset.done $0x0  }
0x77: {  	[sflag:s24] =	ssyncadd.s32 $0xFFFFC000  }
0x78: {  	[spmem:s1] =	stream.indirect.scatter.add.f32 [tilespmem:s20], [sflag:$0x3], $0x80, s19, s17, $0xb8;
	[tilespmem:$0x1C200] =	vst v63  }
0x79: {  	_ =	swait.ge [sflag:s15], $0x4000  }
0x7a: {  	s25 =	sadd.s32 $0x1, s25;
	[sflag:s15] =	ssyncset.done $0x0  }
0x7b: {  	p0 =	sne.s32 s25, s11;
	[sflag:s15] =	ssyncadd.s32 $0xFFFFC000  }
.Ltmp1:
0x7c: {  	[bflag:$0x0] =	sbarrier.arrive $0xFFFF;
	(pc) =	sbr.rel @p0 .LBB2_1-.Ltmp1, $4  }
0x7d: {  	[hbm:s10], [sflag:s21] =	dma.local [spmem:s22], $0x2800  }
0x7e: {  	_ =	swait.ge [sflag:s15], $0x2800  }
0x7f: {  	[sflag:s15] =	ssyncset.done $0x0  }
0x80: {  	[sflag:s15] =	ssyncadd.s32 $0xFFFFD800  }
0x81: {  	_ =	sfence.sel $0x180000  }
0x82: {  	[bflag:$0x0] =	sbarrier.arrive $0xFFFF  }
0x83: {  	p0 =	sne.s32 s2, $0x0;
	_ =	strace $0x9000004D  }
0x84: {  	s0 =	sadd.s32 @!p0 $0x100000, s0;
	[bflag:$0x2] =	sbarrier.arrive $0xFFFF  }
0x85: {  	[sflag:s0] =	ssyncadd.tile.s32 @!p0 $0x1;
	_ =	shalt  }
.Lfunc_end2:
_tile_overlayer_lowered:
.L_overlay_start_2:
0x86: {  	(tag) =	ssettag $0x2  }
0x87: {  	s0 =	rddreg [dreg:$0x0];
	s2 =	stileid.u32  }
0x88: {  	s1 =	rddreg [dreg:$0x1];
	p0 =	sne.s32 s2, $0x0  }
0x89: {  	s3 =	rddreg [dreg:$0x2];
	[bflag:$0x3] =	sbarrier.arrive $0xFFFF;
	s2 =	simm.s32 @!p0 $0x1C03  }
0x8a: {  	[timem:s3], [sflag:s2] =	dma.local @!p0 [hbm:s0], s1  }
0x8b: {  	s0 =	simm.s32 @!p0 $0x3  }
0x8c: {  	_ =	swait.ge @!p0 [sflag:s0], s1  }
0x8d: {  	s1 =	ssub.s32 @!p0 $0x0, s1;
	[sflag:s0] =	ssyncset.done @!p0 $0x0  }
0x8e: {  	[sflag:s0] =	ssyncadd.s32 @!p0 s1  }
0x8f: {  	[bflag:$0x3] =	sbarrier.arrive $0xFFFF  }
0x90: {  	_ =	shalt  }

// kernel: kernel.21.cloned.1.call-start
scs
__scs_entry_jumppad:
0x0: {  	(pc) =	sbr.rel $0x88, $3  }
0x1: {  	(tag) =	ssettag $0x0;
	lr =	simm.s32 $0x1  }
0x2: {  	[smem:$0x3F8F] =	sst lr;
	_ =	strace $0xD0000000  }
0x3: {  	_ = 	snop  }
0x4: {  	_ = 	snop  }
0x5: {  	_ = 	snop  }
0x6: {  	_ = 	snop  }
0x7: {  	_ = 	snop  }
__scs_overlays_trampoline_lowered:
0x8: {  	[smem:$0x3F9E] =	sst s0  }
0x9: {  	[smem:$0x3F9F] =	sst s1  }
0xa: {  	[smem:$0x3FA0] =	sst s2  }
0xb: {  	[smem:$0x3FA1] =	sst s3  }
0xc: {  	[smem:$0x3FA2] =	sst s4  }
0xd: {  	[smem:$0x3FA3] =	sst s5  }
0xe: {  	[smem:$0x3FA4] =	sst s6  }
0xf: {  	[smem:$0x3FA5] =	sst s7  }
0x10: {  	[smem:$0x3FA6] =	sst s8  }
0x11: {  	[smem:$0x3FA7] =	sst s9;
	s0 =	simm.s32 @!p0 $0x0  }
0x12: {  	s1 =	sld [smem:$0x3F8D];
	s0 =	simm.s32 @p0 $0x1  }
0x13: {  	[smem:$0x3FA8] =	sst s0;
	s0 =	simm.s32 @!p1 $0x0  }
0x14: {  	s2 =	sld [smem:$0x3F8C];
	s0 =	simm.s32 @p1 $0x1  }
0x15: {  	[smem:$0x3FA9] =	sst s0;
	s0 =	simm.s32 @!p2 $0x0  }
0x16: {  	s3 =	sld [smem:$0x3FDB];
	s0 =	simm.s32 @p2 $0x1  }
0x17: {  	s4 =	simm.s32 $0x1BF5;
	[smem:$0x3FAB] =	sst s0  }
0x18: {  	s0 =	sld [smem:$0x3F8E];
	_ =	swait.ge [sflag:s4], $0x0  }
0x19: {  	s7 =	sld [smem:$0x3F8F]  }
0x1a: {  	s8 =	sadd.s32 $0xFFFFE003, lr  }
0x1b: {  	s9 =	sadd.s32 $0xFFFFFEF7, lr;
	s5 =	simm.s32 $0xFFFFFFFF;
	p2 =	slt.u32 s8, $0xFFFFF086  }
0x1c: {  	p1 =	slt.u32 s9, $0xF7A;
	s5 =	simm.s32 @!p2 $0x0  }
0x1d: {  	s5 =	simm.s32 @p1 $0x1;
	p0 =	seq.s32 s7, s2  }
0x1e: {  	s7 =	smul.u32 @!p0 $0xF7A, s2;
	p2 =	seq.s32 @!p0 s5, $0x0  }
0x1f: {  	s9 =	smul.u32 $0xF7A, s1;
	s8 =	simm.s32 @!p0 $0x1BF5;
	p2 =	por !p2, p0  }
0x20: {  	[sflag:s8] =	ssyncset.s32 @!p0 $0xFFFFF086;
	s6 =	sadd.s32 @!p0 s3, s7;
	s7 =	simm.s32 @!p0 $0x108  }
0x21: {  	s3 =	sadd.s32 s3, s9;
	s6 =	sadd.s32 @!p0 $0x88, s6;
	s7 =	simm.s32 @p2 $0x1082  }
0x22: {  	[simem:s7], [sflag:s8] =	dma.local @!p0 [hbm:s6], $0xF7A  }
0x23: {  	s9 =	sor.u32 $0xD0000000, s2;
	s6 =	simm.s32 $0x108;
	_ =	swait.ge @!p0 [sflag:s8], $0x0  }
0x24: {  	s3 =	sadd.s32 $0x88, s3;
	s6 =	simm.s32 @!p1 $0x1082;
	[sflag:s4] =	ssyncset.s32 $0xFFFFF086  }
0x25: {  	[simem:s6], [sflag:s4] =	dma.local [hbm:s3], $0xF7A  }
0x26: {  	[smem:$0x3F8F] =	sst s1;
	(tag) =	ssettag s2;
	_ =	strace s9  }
0x27: {  	s1 =	sld [smem:$0x3F9F]  }
0x28: {  	s2 =	sld [smem:$0x3FA0]  }
0x29: {  	s4 =	sld [smem:$0x3FA2]  }
0x2a: {  	p0 =	seq.s32 s5, $0x0;
	s5 =	sld [smem:$0x3FA3]  }
0x2b: {  	s6 =	sld [smem:$0x3FA4]  }
0x2c: {  	s7 =	sld [smem:$0x3FA5]  }
0x2d: {  	s3 =	simm.s32 $0x108;
	s8 =	sld [smem:$0x3FA6]  }
0x2e: {  	s3 =	simm.s32 @!p0 $0x1082;
	s9 =	sld [smem:$0x3FA7]  }
0x2f: {  	lr =	sadd.s32 s0, s3;
	s0 =	sld [smem:$0x3F9E]  }
0x30: {  	s3 =	sld [smem:$0x3FA1]  }
0x31: {  	[smem:$0x3FAA] =	sst s10  }
0x32: {  	s10 =	sld [smem:$0x3FA8];
	_ =	sdelay $0x3  }
0x33: {  	p0 =	seq.s32 s10, $0x1;
	s10 =	sld [smem:$0x3FAA];
	_ =	sdelay $0x3  }
0x34: {  	[smem:$0x3FAA] =	sst s10  }
0x35: {  	s10 =	sld [smem:$0x3FA9];
	_ =	sdelay $0x3  }
0x36: {  	p1 =	seq.s32 s10, $0x1;
	s10 =	sld [smem:$0x3FAA];
	_ =	sdelay $0x3  }
0x37: {  	[smem:$0x3FAA] =	sst s10  }
0x38: {  	s10 =	sld [smem:$0x3FAB]  }
0x39: {  	_ = 	snop;
	(pc) =	sbr.ind lr, $3  }
0x3a: {  	_ = 	snop  }
0x3b: {  	_ = 	snop  }
0x3c: {  	p2 =	seq.s32 s10, $0x1;
	s10 =	sld [smem:$0x3FAA]  }
0x3d: {  	_ =	shalt  }
0x3e: {  	_ =	shalt  }
0x3f: {  	_ =	shalt  }
0x40: {  	_ =	shalt  }
0x41: {  	_ =	shalt  }
0x42: {  	_ =	shalt  }
0x43: {  	_ =	shalt  }
0x44: {  	_ =	shalt  }
0x45: {  	_ =	shalt  }
0x46: {  	_ =	shalt  }
0x47: {  	_ =	shalt  }
0x48: {  	_ =	shalt  }
0x49: {  	_ =	shalt  }
0x4a: {  	_ =	shalt  }
0x4b: {  	_ =	shalt  }
0x4c: {  	_ =	shalt  }
0x4d: {  	_ =	shalt  }
0x4e: {  	_ =	shalt  }
0x4f: {  	_ =	shalt  }
0x50: {  	_ =	shalt  }
0x51: {  	_ =	shalt  }
0x52: {  	_ =	shalt  }
0x53: {  	_ =	shalt  }
0x54: {  	_ =	shalt  }
0x55: {  	_ =	shalt  }
0x56: {  	_ =	shalt  }
0x57: {  	_ =	shalt  }
0x58: {  	_ =	shalt  }
0x59: {  	_ =	shalt  }
0x5a: {  	_ =	shalt  }
0x5b: {  	_ =	shalt  }
0x5c: {  	_ =	shalt  }
0x5d: {  	_ =	shalt  }
0x5e: {  	_ =	shalt  }
0x5f: {  	_ =	shalt  }
0x60: {  	_ =	shalt  }
0x61: {  	_ =	shalt  }
0x62: {  	_ =	shalt  }
0x63: {  	_ =	shalt  }
0x64: {  	_ =	shalt  }
0x65: {  	_ =	shalt  }
0x66: {  	_ =	shalt  }
0x67: {  	_ =	shalt  }
0x68: {  	_ =	shalt  }
0x69: {  	_ =	shalt  }
0x6a: {  	_ =	shalt  }
0x6b: {  	_ =	shalt  }
0x6c: {  	_ =	shalt  }
0x6d: {  	_ =	shalt  }
0x6e: {  	_ =	shalt  }
0x6f: {  	_ =	shalt  }
0x70: {  	_ =	shalt  }
0x71: {  	_ =	shalt  }
0x72: {  	_ =	shalt  }
0x73: {  	_ =	shalt  }
0x74: {  	_ =	shalt  }
0x75: {  	_ =	shalt  }
0x76: {  	_ =	shalt  }
0x77: {  	_ =	shalt  }
0x78: {  	_ =	shalt  }
0x79: {  	_ =	shalt  }
0x7a: {  	_ =	shalt  }
0x7b: {  	_ =	shalt  }
0x7c: {  	_ =	shalt  }
0x7d: {  	_ =	shalt  }
0x7e: {  	_ =	shalt  }
0x7f: {  	_ =	shalt  }
0x80: {  	_ =	shalt  }
0x81: {  	_ =	shalt  }
0x82: {  	_ =	shalt  }
0x83: {  	_ =	shalt  }
0x84: {  	_ =	shalt  }
0x85: {  	_ =	shalt  }
0x86: {  	_ =	shalt  }
0x87: {  	_ =	shalt  }
.Lfunc_end0:
.L_simem_size_0:
called_computation.3_lowered:
.L_overlay_start_0:
0x88: {  	s2 =	sld [smem:$0x3FD9]  }
0x89: {  	s3 =	sld [smem:$0x3FFE];
	_ =	sdelay $0x1  }
0x8a: {  	s1 =	srdreg.scid  }
0x8b: {  	s0 =	sand.u32 $0x1, s1  }
0x8c: {  	s16 =	sshll.u32 s0, $0xA;
	s2 =	sadd.s32 s3, s2  }
0x8d: {  	s2 =	sadd.s32 s2, s16  }
0x8e: {  	[smem:$0x3FB6] =	sst s2  }
0x8f: {  	_ = 	snop  }
0x90: {  	(tm) =	ssettm $0x1  }
0x91: {  	s17 =	sld [smem:$0x3FFB];
	_ =	sdelay $0x3  }
0x92: {  	_ =	strace s17  }
0x93: {  	s2 =	sld [smem:$0x3FFC];
	_ =	sdelay $0x3  }
0x94: {  	_ =	strace s2  }
0x95: {  	s2 =	sld [smem:$0x3FFD];
	_ =	sdelay $0x3  }
0x96: {  	_ =	strace s2  }
0x97: {  	_ =	strace $0x8FFFFFFF  }
0x98: {  	s18 =	sld [smem:$0x3FDB];
	_ =	sdelay $0x1  }
0x99: {  	s19 =	simm.s32 $_scs_section_size  }
0x9a: {  	s4 =	simm.s32 $_size__tile_overlayer_lowered;
	s5 =	simm.s32 $_tile_overlayer_lowered  }
0x9b: {  	s22 =	simm.s32 $0x1BFF;
	s21 =	sshll.u32 s5, $0x1;
	s2 =	sadd.s32 s19, s18  }
0x9c: {  	s6 =	simm.s32 $0x0;
	s20 =	sshll.u32 s4, $0x1;
	s4 =	sadd.s32 s21, s2  }
0x9d: {  	[timem:s6], [sflag:s22] =	dma.local [hbm:s4], s20  }
0x9e: {  	_ =	swait.ge [sflag:s22], s20  }
0x9f: {  	s3 =	ssub.s32 $0x0, s20;
	[sflag:s22] =	ssyncset.done $0x0  }
0xa0: {  	[sflag:s22] =	ssyncadd.s32 s3;
	_ =	sdelay $0x1  }
0xa1: {  	s23 =	simm.s32 $0x1B8B  }
0xa2: {  	_ =	swait.ge [sflag:s23], $0x1  }
0xa3: {  	[sflag:s23] =	ssyncset.done $0x0  }
0xa4: {  	s25 =	simm.s32 $0x1B8E;
	s24 =	sld [smem:$0x3FFE];
	[sflag:s23] =	ssyncadd.s32 $0xFFFFFFFF  }
0xa5: {  	s26 =	simm.s32 $execute0_lowered;
	[smem:$0x3FD2] =	sst s25  }
0xa6: {  	s4 =	sshll.u32 s26, $0x1;
	_ =	strace $0x8000004F;
	[dreg:$0x1] =	wrdreg $0xFFFFFFFF  }
0xa7: {  	s28 =	simm.s32 $_size_execute0_lowered;
	s2 =	sadd.s32 s2, s4;
	[dreg:$0x0] =	wrdreg $0x0  }
0xa8: {  	s4 =	sshll.u32 s28, $0x1;
	[dreg:$0x2] =	wrdreg s2  }
0xa9: {  	[dreg:$0x3] =	wrdreg s4  }
0xaa: {  	[dreg:$0x4] =	wrdreg $0xC0  }
0xab: {  	_ =	task [dreg:s6], $0x5FFFF  }
0xac: {  	[dreg:$0x1] =	wrdreg $0xFFFFFFFF  }
0xad: {  	[dreg:$0x0] =	wrdreg $0x60  }
0xae: {  	[dreg:$0x2] =	wrdreg s24  }
0xaf: {  	[dreg:$0x3] =	wrdreg $0x40800  }
0xb0: {  	[dreg:$0x4] =	wrdreg $0x9  }
0xb1: {  	_ =	task.clear_ibuf [dreg:s6], $0x5FFFF;
	_ =	strace $0x9000004F  }
0xb2: {  	s29 =	simm.s32 $0x9;
	_ =	strace $0x80000051  }
0xb3: {  	_ =	swait.ge [sflag:s29], $0x1  }
0xb4: {  	[sflag:s29] =	ssyncadd.s32 $0xFFFFFFFF  }
0xb5: {  	_ =	strace $0x90000051  }
0xb6: {  	_ =	sfence  }
0xb7: {  	s30 =	sld [smem:$0x0];
	_ =	sdelay $0x2  }
0xb8: {  	s31 =	sshll.u32 s1, $0xD;
	s1 =	sshrl.u32 s1, $0x2  }
0xb9: {  	s3 =	sand.u32 $0x4000, s31;
	s1 =	sadd.s32 s1, s30  }
0xba: {  	s0 =	sor.u32 s3, s0;
	s1 =	sshll.u32 s1, $0x11  }
0xbb: {  	s0 =	sor.u32 s1, s0  }
0xbc: {  	s0 =	sadd.s32 $0x8F2B, s0  }
0xbd: {  	[sflag:s0] =	ssyncadd.remote.s32 $0x1  }
0xbe: {  	_ =	sfence.sel $0xFFFF  }
0xbf: {  	[dreg:$0x0] =	wrdreg $0xFFFFFFFF;
	(pc) =	sbr.abs _section_cstart, $3  }
0xc0: {  	[dreg:$0x1] =	wrdreg $0xFFFFFFFF  }
0xc1: {  	_ =	task.clear_ibuf [dreg:s6], $0x2FFFF;
	_ =	strace $0x9FFFFFFF  }
0xc2: {  	(tm) =	ssettm $0x7FFFFFFF  }
0xc3: {  	_ =	shalt  }
tec
execute0_lowered:
.L_overlay_start_1:
0x0: {  	(tag) =	ssettag $0x1  }
0x1: {  	s3 =	rddreg [dreg:$0x0]  }
0x2: {  	s1 =	rddreg [dreg:$0x1]  }
0x3: {  	s0 =	rddreg [dreg:$0x2];
	s2 =	simm.s32 $0x0  }
0x4: {  	s4 =	srdreg.scid;
	s5 =	stileid.u32;
	p1 =	por $0x0, $0x0  }
0x5: {  	[smem:$0x7FF] =	sst s2;
	s4 =	sand.u32 $0x1, s4;
	s6 =	smul.u32 $0x280, s5  }
0x6: {  	s7 =	sadd.s32 $0x9200, s3;
	s18 =	sadd.s32 $0x8400, s3;
	s13 =	sadd.s32 $0x8A00, s3  }
0x7: {  	p0 =	sne.s32 s5, $0x0;
	s5 =	simm.s32 $0x1;
	_ =	strace $0x80000050  }
0x8: {  	s8 =	smul.u32 $0x2800, s4;
	s9 =	ssub.s32 $0x2, s4;
	s4 =	sshll.u32 s4, $0xA  }
0x9: {  	s10 =	sshrl.u32 s9, $0x1;
	s3 =	sadd.s32 s4, s3;
	s24 =	sshrl.u32 s6, $0x3  }
0xa: {  	s25 =	sadd.s32 $0x80, s6;
	s12 =	sadd.s32 $0x100, s6;
	s30 =	sadd.s32 $0x180, s6  }
0xb: {  	s11 =	sadd.s32 s8, s6;
	s22 =	ssub.s32 s9, s10;
	s3 =	sadd.s32 $0x59200, s3  }
0xc: {  	s17 =	sadd.s32 s18, s24;
	s26 =	sadd.s32 s8, s25;
	s28 =	sadd.s32 s8, s12  }
0xd: {  	s10 =	sshrl.u32 s25, $0x3;
	s29 =	sshrl.u32 s12, $0x3;
	s6 =	sadd.s32 $0x200, s6  }
0xe: {  	s31 =	sadd.s32 s8, s30;
	s19 =	sshrl.u32 s30, $0x3;
	s4 =	smax.u32 s22, $0x1  }
0xf: {  	s23 =	sshll.u32 s11, $0x4;
	s9 =	sshll.u32 s26, $0x4;
	s20 =	sadd.s32 $0xFFFFFFFF, s4  }
0x10: {  	s11 =	sshll.u32 s28, $0x4;
	s14 =	sadd.s32 s18, s10;
	p2 =	sne.s32 s20, $0x0  }
.Ltmp0:
0x11: {  	s12 =	sadd.s32 s18, s29;
	s8 =	sadd.s32 s8, s6;
	(pc) =	sbr.rel @!p2 .LBB2_3-.Ltmp0, $4  }
0x12: {  	s6 =	sshrl.u32 s6, $0x3;
	s16 =	sadd.s32 s7, s23;
	s15 =	sadd.s32 s7, s9  }
0x13: {  	s11 =	sadd.s32 s7, s11;
	s9 =	sshll.u32 s31, $0x4;
	s8 =	sshll.u32 s8, $0x4  }
0x14: {  	s4 =	sshrl.u32 @!p0 s1, $0x3;
	s10 =	sadd.s32 s7, s9;
	s9 =	sadd.s32 s18, s19  }
0x15: {  	s7 =	sadd.s32 s7, s8;
	s8 =	sadd.s32 s18, s6;
	s6 =	simm.s32 $0x80  }
0x16: {  	s19 =	simm.s32 @!p0 $0x1C01;
	s18 =	simm.s32 @!p0 $0x1  }
0x17: {  	[spmem:s4], [sflag:s19] =	dma.local @!p0 [hbm:s13], $0x800  }
0x18: {  	_ =	swait.ge @!p0 [sflag:s18], $0x800  }
0x19: {  	[sflag:s18] =	ssyncset.done @!p0 $0x0  }
0x1a: {  	[sflag:s18] =	ssyncadd.s32 @!p0 $0xFFFFF800  }
0x1b: {  	[bflag:$0x0] =	sbarrier.arrive $0xFFFF  }
0x1c: {  	[tilespmem:s6], [sflag:$0x1] =	stream.linear.gather [hbm4b:s16+s2], $0x4000, $0x38;
	[tilespmem:$0x4480] =	vst v63  }
0x1d: {  	_ =	swait.ge [sflag:s5], $0x4000  }
0x1e: {  	[sflag:s5] =	ssyncset.done $0x0  }
0x1f: {  	[sflag:s5] =	ssyncadd.s32 $0xFFFFC000  }
0x20: {  	[tilespmem:s2], [sflag:$0x1] =	stream.linear.gather [hbm4b:s17+s2], $0x80, $0x38;
	[tilespmem:$0x4480] =	vst v63  }
0x21: {  	_ =	swait.ge [sflag:s5], $0x80  }
0x22: {  	[sflag:s5] =	ssyncset.done $0x0  }
0x23: {  	[sflag:s5] =	ssyncadd.s32 $0xFFFFFF80  }
0x24: {  	[spmem:s1] =	stream.indirect.scatter.add.f32 [tilespmem:s6], [sflag:$0x1], $0x80, s2, s6, $0xb8;
	[tilespmem:$0x4480] =	vst v63  }
0x25: {  	_ =	swait.ge [sflag:s5], $0x4000  }
0x26: {  	[sflag:s5] =	ssyncset.done $0x0  }
0x27: {  	[sflag:s5] =	ssyncadd.s32 $0xFFFFC000  }
0x28: {  	[tilespmem:s6], [sflag:$0x1] =	stream.linear.gather [hbm4b:s15+s2], $0x4000, $0x38;
	[tilespmem:$0x4480] =	vst v63  }
0x29: {  	_ =	swait.ge [sflag:s5], $0x4000  }
0x2a: {  	[sflag:s5] =	ssyncset.done $0x0  }
0x2b: {  	[sflag:s5] =	ssyncadd.s32 $0xFFFFC000  }
0x2c: {  	[tilespmem:s2], [sflag:$0x1] =	stream.linear.gather [hbm4b:s14+s2], $0x80, $0x38;
	[tilespmem:$0x4480] =	vst v63  }
0x2d: {  	_ =	swait.ge [sflag:s5], $0x80  }
0x2e: {  	[sflag:s5] =	ssyncset.done $0x0  }
0x2f: {  	[sflag:s5] =	ssyncadd.s32 $0xFFFFFF80  }
0x30: {  	[spmem:s1] =	stream.indirect.scatter.add.f32 [tilespmem:s6], [sflag:$0x1], $0x80, s2, s6, $0xb8;
	[tilespmem:$0x4480] =	vst v63  }
0x31: {  	_ =	swait.ge [sflag:s5], $0x4000  }
0x32: {  	[sflag:s5] =	ssyncset.done $0x0  }
0x33: {  	[sflag:s5] =	ssyncadd.s32 $0xFFFFC000  }
0x34: {  	[tilespmem:s6], [sflag:$0x1] =	stream.linear.gather [hbm4b:s11+s2], $0x4000, $0x38;
	[tilespmem:$0x4480] =	vst v63  }
0x35: {  	_ =	swait.ge [sflag:s5], $0x4000  }
0x36: {  	[sflag:s5] =	ssyncset.done $0x0  }
0x37: {  	[sflag:s5] =	ssyncadd.s32 $0xFFFFC000  }
0x38: {  	[tilespmem:s2], [sflag:$0x1] =	stream.linear.gather [hbm4b:s12+s2], $0x80, $0x38;
	[tilespmem:$0x4480] =	vst v63  }
0x39: {  	_ =	swait.ge [sflag:s5], $0x80  }
0x3a: {  	[sflag:s5] =	ssyncset.done $0x0  }
0x3b: {  	[sflag:s5] =	ssyncadd.s32 $0xFFFFFF80  }
0x3c: {  	[spmem:s1] =	stream.indirect.scatter.add.f32 [tilespmem:s6], [sflag:$0x1], $0x80, s2, s6, $0xb8;
	[tilespmem:$0x4480] =	vst v63  }
0x3d: {  	_ =	swait.ge [sflag:s5], $0x4000  }
0x3e: {  	[sflag:s5] =	ssyncset.done $0x0  }
0x3f: {  	[sflag:s5] =	ssyncadd.s32 $0xFFFFC000  }
0x40: {  	[tilespmem:s6], [sflag:$0x1] =	stream.linear.gather [hbm4b:s10+s2], $0x4000, $0x38;
	[tilespmem:$0x4480] =	vst v63  }
0x41: {  	_ =	swait.ge [sflag:s5], $0x4000  }
0x42: {  	[sflag:s5] =	ssyncset.done $0x0  }
0x43: {  	[sflag:s5] =	ssyncadd.s32 $0xFFFFC000  }
0x44: {  	[tilespmem:s2], [sflag:$0x1] =	stream.linear.gather [hbm4b:s9+s2], $0x80, $0x38;
	[tilespmem:$0x4480] =	vst v63  }
0x45: {  	_ =	swait.ge [sflag:s5], $0x80  }
0x46: {  	[sflag:s5] =	ssyncset.done $0x0  }
0x47: {  	[sflag:s5] =	ssyncadd.s32 $0xFFFFFF80  }
0x48: {  	[spmem:s1] =	stream.indirect.scatter.add.f32 [tilespmem:s6], [sflag:$0x1], $0x80, s2, s6, $0xb8;
	[tilespmem:$0x4480] =	vst v63  }
0x49: {  	_ =	swait.ge [sflag:s5], $0x4000  }
0x4a: {  	[sflag:s5] =	ssyncset.done $0x0  }
0x4b: {  	[sflag:s5] =	ssyncadd.s32 $0xFFFFC000  }
0x4c: {  	[tilespmem:s6], [sflag:$0x1] =	stream.linear.gather [hbm4b:s7+s2], $0x4000, $0x38;
	[tilespmem:$0x4480] =	vst v63  }
0x4d: {  	_ =	swait.ge [sflag:s5], $0x4000  }
0x4e: {  	[sflag:s5] =	ssyncset.done $0x0  }
0x4f: {  	[sflag:s5] =	ssyncadd.s32 $0xFFFFC000  }
0x50: {  	[tilespmem:s2], [sflag:$0x1] =	stream.linear.gather [hbm4b:s8+s2], $0x80, $0x38;
	[tilespmem:$0x4480] =	vst v63  }
0x51: {  	_ =	swait.ge [sflag:s5], $0x80  }
0x52: {  	[sflag:s5] =	ssyncset.done $0x0  }
0x53: {  	[sflag:s5] =	ssyncadd.s32 $0xFFFFFF80  }
0x54: {  	[spmem:s1] =	stream.indirect.scatter.add.f32 [tilespmem:s6], [sflag:$0x1], $0x80, s2, s6, $0xb8;
	[tilespmem:$0x4480] =	vst v63  }
0x55: {  	s20 =	sadd.s32 $0xFFFFFFFF, s20;
	_ =	swait.ge [sflag:s5], $0x4000  }
0x56: {  	p2 =	sne.s32 s20, $0x0;
	[sflag:s5] =	ssyncset.done $0x0  }
.Ltmp1:
0x57: {  	[sflag:s5] =	ssyncadd.s32 $0xFFFFC000;
	(pc) =	sbr.rel @!p2 .LBB2_3-.Ltmp1, $4  }
0x58: {  	[bflag:$0x0] =	sbarrier.arrive $0xFFFF  }
0x59: {  	[hbm:s3], [sflag:s19] =	dma.local @!p0 [spmem:s4], $0x400  }
0x5a: {  	_ =	swait.ge @!p0 [sflag:s18], $0x400  }
0x5b: {  	p1 =	por $0x1, $0x1;
	[sflag:s18] =	ssyncset.done @!p0 $0x0  }
.LBB2_2:
0x5c: {  	[sflag:s18] =	ssyncadd.s32 @!p0 $0xFFFFFC00  }
0x5d: {  	[spmem:s4], [sflag:s19] =	dma.local @!p0 [hbm:s13], $0x800  }
0x5e: {  	s20 =	sadd.s32 $0xFFFFFFFF, s20;
	_ =	swait.ge @!p0 [sflag:s18], $0x800  }
0x5f: {  	p2 =	sne.s32 s20, $0x0;
	[sflag:s18] =	ssyncset.done @!p0 $0x0  }
0x60: {  	[sflag:s18] =	ssyncadd.s32 @!p0 $0xFFFFF800  }
0x61: {  	[bflag:$0x0] =	sbarrier.arrive $0xFFFF  }
0x62: {  	[tilespmem:s6], [sflag:$0x1] =	stream.linear.gather [hbm4b:s16+s2], $0x4000, $0x38;
	[tilespmem:$0x4480] =	vst v63  }
0x63: {  	_ =	swait.ge [sflag:s5], $0x4000  }
0x64: {  	[sflag:s5] =	ssyncset.done $0x0  }
0x65: {  	[sflag:s5] =	ssyncadd.s32 $0xFFFFC000  }
0x66: {  	[tilespmem:s2], [sflag:$0x1] =	stream.linear.gather [hbm4b:s17+s2], $0x80, $0x38;
	[tilespmem:$0x4480] =	vst v63  }
0x67: {  	_ =	swait.ge [sflag:s5], $0x80  }
0x68: {  	[sflag:s5] =	ssyncset.done $0x0  }
0x69: {  	[sflag:s5] =	ssyncadd.s32 $0xFFFFFF80  }
0x6a: {  	[spmem:s1] =	stream.indirect.scatter.add.f32 [tilespmem:s6], [sflag:$0x1], $0x80, s2, s6, $0xb8;
	[tilespmem:$0x4480] =	vst v63  }
0x6b: {  	_ =	swait.ge [sflag:s5], $0x4000  }
0x6c: {  	[sflag:s5] =	ssyncset.done $0x0  }
0x6d: {  	[sflag:s5] =	ssyncadd.s32 $0xFFFFC000  }
0x6e: {  	[tilespmem:s6], [sflag:$0x1] =	stream.linear.gather [hbm4b:s15+s2], $0x4000, $0x38;
	[tilespmem:$0x4480] =	vst v63  }
0x6f: {  	_ =	swait.ge [sflag:s5], $0x4000  }
0x70: {  	[sflag:s5] =	ssyncset.done $0x0  }
0x71: {  	[sflag:s5] =	ssyncadd.s32 $0xFFFFC000  }
0x72: {  	[tilespmem:s2], [sflag:$0x1] =	stream.linear.gather [hbm4b:s14+s2], $0x80, $0x38;
	[tilespmem:$0x4480] =	vst v63  }
0x73: {  	_ =	swait.ge [sflag:s5], $0x80  }
0x74: {  	[sflag:s5] =	ssyncset.done $0x0  }
0x75: {  	[sflag:s5] =	ssyncadd.s32 $0xFFFFFF80  }
0x76: {  	[spmem:s1] =	stream.indirect.scatter.add.f32 [tilespmem:s6], [sflag:$0x1], $0x80, s2, s6, $0xb8;
	[tilespmem:$0x4480] =	vst v63  }
0x77: {  	_ =	swait.ge [sflag:s5], $0x4000  }
0x78: {  	[sflag:s5] =	ssyncset.done $0x0  }
0x79: {  	[sflag:s5] =	ssyncadd.s32 $0xFFFFC000  }
0x7a: {  	[tilespmem:s6], [sflag:$0x1] =	stream.linear.gather [hbm4b:s11+s2], $0x4000, $0x38;
	[tilespmem:$0x4480] =	vst v63  }
0x7b: {  	_ =	swait.ge [sflag:s5], $0x4000  }
0x7c: {  	[sflag:s5] =	ssyncset.done $0x0  }
0x7d: {  	[sflag:s5] =	ssyncadd.s32 $0xFFFFC000  }
0x7e: {  	[tilespmem:s2], [sflag:$0x1] =	stream.linear.gather [hbm4b:s12+s2], $0x80, $0x38;
	[tilespmem:$0x4480] =	vst v63  }
0x7f: {  	_ =	swait.ge [sflag:s5], $0x80  }
0x80: {  	[sflag:s5] =	ssyncset.done $0x0  }
0x81: {  	[sflag:s5] =	ssyncadd.s32 $0xFFFFFF80  }
0x82: {  	[spmem:s1] =	stream.indirect.scatter.add.f32 [tilespmem:s6], [sflag:$0x1], $0x80, s2, s6, $0xb8;
	[tilespmem:$0x4480] =	vst v63  }
0x83: {  	_ =	swait.ge [sflag:s5], $0x4000  }
0x84: {  	[sflag:s5] =	ssyncset.done $0x0  }
0x85: {  	[sflag:s5] =	ssyncadd.s32 $0xFFFFC000  }
0x86: {  	[tilespmem:s6], [sflag:$0x1] =	stream.linear.gather [hbm4b:s10+s2], $0x4000, $0x38;
	[tilespmem:$0x4480] =	vst v63  }
0x87: {  	_ =	swait.ge [sflag:s5], $0x4000  }
0x88: {  	[sflag:s5] =	ssyncset.done $0x0  }
0x89: {  	[sflag:s5] =	ssyncadd.s32 $0xFFFFC000  }
0x8a: {  	[tilespmem:s2], [sflag:$0x1] =	stream.linear.gather [hbm4b:s9+s2], $0x80, $0x38;
	[tilespmem:$0x4480] =	vst v63  }
0x8b: {  	_ =	swait.ge [sflag:s5], $0x80  }
0x8c: {  	[sflag:s5] =	ssyncset.done $0x0  }
0x8d: {  	[sflag:s5] =	ssyncadd.s32 $0xFFFFFF80  }
0x8e: {  	[spmem:s1] =	stream.indirect.scatter.add.f32 [tilespmem:s6], [sflag:$0x1], $0x80, s2, s6, $0xb8;
	[tilespmem:$0x4480] =	vst v63  }
0x8f: {  	_ =	swait.ge [sflag:s5], $0x4000  }
0x90: {  	[sflag:s5] =	ssyncset.done $0x0  }
0x91: {  	[sflag:s5] =	ssyncadd.s32 $0xFFFFC000  }
0x92: {  	[tilespmem:s6], [sflag:$0x1] =	stream.linear.gather [hbm4b:s7+s2], $0x4000, $0x38;
	[tilespmem:$0x4480] =	vst v63  }
0x93: {  	_ =	swait.ge [sflag:s5], $0x4000  }
0x94: {  	[sflag:s5] =	ssyncset.done $0x0  }
0x95: {  	[sflag:s5] =	ssyncadd.s32 $0xFFFFC000  }
0x96: {  	[tilespmem:s2], [sflag:$0x1] =	stream.linear.gather [hbm4b:s8+s2], $0x80, $0x38;
	[tilespmem:$0x4480] =	vst v63  }
0x97: {  	_ =	swait.ge [sflag:s5], $0x80  }
0x98: {  	[sflag:s5] =	ssyncset.done $0x0  }
0x99: {  	[sflag:s5] =	ssyncadd.s32 $0xFFFFFF80  }
0x9a: {  	[spmem:s1] =	stream.indirect.scatter.add.f32 [tilespmem:s6], [sflag:$0x1], $0x80, s2, s6, $0xb8;
	[tilespmem:$0x4480] =	vst v63  }
0x9b: {  	_ =	swait.ge [sflag:s5], $0x4000  }
0x9c: {  	[sflag:s5] =	ssyncset.done $0x0  }
.Ltmp2:
0x9d: {  	[sflag:s5] =	ssyncadd.s32 $0xFFFFC000;
	(pc) =	sbr.rel @p2 .LBB2_2-.Ltmp2, $4  }
0x9e: {  	[bflag:$0x0] =	sbarrier.arrive $0xFFFF  }
0x9f: {  	[hbm:s3], [sflag:s19] =	dma.local @!p0 [spmem:s4], $0x400  }
0xa0: {  	_ =	swait.ge @!p0 [sflag:s18], $0x400  }
0xa1: {  	[sflag:s18] =	ssyncset.done @!p0 $0x0  }
.LBB2_3:
0xa2: {  	p1 =	por p0, !p1  }
0xa3: {  	s20 =	simm.s32 @!p0 $0x1C01;
	s19 =	simm.s32 @!p0 $0x1;
	[sflag:s18] =	ssyncadd.s32 @!p1 $0xFFFFFC00  }
0xa4: {  	[spmem:s4], [sflag:s20] =	dma.local @!p0 [hbm:s13], $0x800  }
0xa5: {  	_ =	swait.ge @!p0 [sflag:s19], $0x800  }
0xa6: {  	[sflag:s19] =	ssyncset.done @!p0 $0x0  }
0xa7: {  	[sflag:s19] =	ssyncadd.s32 @!p0 $0xFFFFF800  }
0xa8: {  	[bflag:$0x0] =	sbarrier.arrive $0xFFFF  }
0xa9: {  	[tilespmem:s6], [sflag:$0x1] =	stream.linear.gather [hbm4b:s16+s2], $0x4000, $0x38;
	[tilespmem:$0x4480] =	vst v63  }
0xaa: {  	_ =	swait.ge [sflag:s5], $0x4000  }
0xab: {  	[sflag:s5] =	ssyncset.done $0x0  }
0xac: {  	[sflag:s5] =	ssyncadd.s32 $0xFFFFC000  }
0xad: {  	[tilespmem:s2], [sflag:$0x1] =	stream.linear.gather [hbm4b:s17+s2], $0x80, $0x38;
	[tilespmem:$0x4480] =	vst v63  }
0xae: {  	_ =	swait.ge [sflag:s5], $0x80  }
0xaf: {  	[sflag:s5] =	ssyncset.done $0x0  }
0xb0: {  	[sflag:s5] =	ssyncadd.s32 $0xFFFFFF80  }
0xb1: {  	[spmem:s1] =	stream.indirect.scatter.add.f32 [tilespmem:s6], [sflag:$0x1], $0x80, s2, s6, $0xb8;
	[tilespmem:$0x4480] =	vst v63  }
0xb2: {  	_ =	swait.ge [sflag:s5], $0x4000  }
0xb3: {  	[sflag:s5] =	ssyncset.done $0x0  }
0xb4: {  	[sflag:s5] =	ssyncadd.s32 $0xFFFFC000  }
0xb5: {  	[tilespmem:s6], [sflag:$0x1] =	stream.linear.gather [hbm4b:s15+s2], $0x4000, $0x38;
	[tilespmem:$0x4480] =	vst v63  }
0xb6: {  	_ =	swait.ge [sflag:s5], $0x4000  }
0xb7: {  	[sflag:s5] =	ssyncset.done $0x0  }
0xb8: {  	[sflag:s5] =	ssyncadd.s32 $0xFFFFC000  }
0xb9: {  	[tilespmem:s2], [sflag:$0x1] =	stream.linear.gather [hbm4b:s14+s2], $0x80, $0x38;
	[tilespmem:$0x4480] =	vst v63  }
0xba: {  	_ =	swait.ge [sflag:s5], $0x80  }
0xbb: {  	[sflag:s5] =	ssyncset.done $0x0  }
0xbc: {  	[sflag:s5] =	ssyncadd.s32 $0xFFFFFF80  }
0xbd: {  	[spmem:s1] =	stream.indirect.scatter.add.f32 [tilespmem:s6], [sflag:$0x1], $0x80, s2, s6, $0xb8;
	[tilespmem:$0x4480] =	vst v63  }
0xbe: {  	_ =	swait.ge [sflag:s5], $0x4000  }
0xbf: {  	[sflag:s5] =	ssyncset.done $0x0  }
0xc0: {  	[sflag:s5] =	ssyncadd.s32 $0xFFFFC000  }
0xc1: {  	[tilespmem:s6], [sflag:$0x1] =	stream.linear.gather [hbm4b:s11+s2], $0x4000, $0x38;
	[tilespmem:$0x4480] =	vst v63  }
0xc2: {  	_ =	swait.ge [sflag:s5], $0x4000  }
0xc3: {  	[sflag:s5] =	ssyncset.done $0x0  }
0xc4: {  	[sflag:s5] =	ssyncadd.s32 $0xFFFFC000  }
0xc5: {  	[tilespmem:s2], [sflag:$0x1] =	stream.linear.gather [hbm4b:s12+s2], $0x80, $0x38;
	[tilespmem:$0x4480] =	vst v63  }
0xc6: {  	_ =	swait.ge [sflag:s5], $0x80  }
0xc7: {  	[sflag:s5] =	ssyncset.done $0x0  }
0xc8: {  	[sflag:s5] =	ssyncadd.s32 $0xFFFFFF80  }
0xc9: {  	[spmem:s1] =	stream.indirect.scatter.add.f32 [tilespmem:s6], [sflag:$0x1], $0x80, s2, s6, $0xb8;
	[tilespmem:$0x4480] =	vst v63  }
0xca: {  	_ =	swait.ge [sflag:s5], $0x4000  }
0xcb: {  	[sflag:s5] =	ssyncset.done $0x0  }
0xcc: {  	[sflag:s5] =	ssyncadd.s32 $0xFFFFC000  }
0xcd: {  	[tilespmem:s6], [sflag:$0x1] =	stream.linear.gather [hbm4b:s10+s2], $0x4000, $0x38;
	[tilespmem:$0x4480] =	vst v63  }
0xce: {  	_ =	swait.ge [sflag:s5], $0x4000  }
0xcf: {  	[sflag:s5] =	ssyncset.done $0x0  }
0xd0: {  	[sflag:s5] =	ssyncadd.s32 $0xFFFFC000  }
0xd1: {  	[tilespmem:s2], [sflag:$0x1] =	stream.linear.gather [hbm4b:s9+s2], $0x80, $0x38;
	[tilespmem:$0x4480] =	vst v63  }
0xd2: {  	_ =	swait.ge [sflag:s5], $0x80  }
0xd3: {  	[sflag:s5] =	ssyncset.done $0x0  }
0xd4: {  	[sflag:s5] =	ssyncadd.s32 $0xFFFFFF80  }
0xd5: {  	[spmem:s1] =	stream.indirect.scatter.add.f32 [tilespmem:s6], [sflag:$0x1], $0x80, s2, s6, $0xb8;
	[tilespmem:$0x4480] =	vst v63  }
0xd6: {  	_ =	swait.ge [sflag:s5], $0x4000  }
0xd7: {  	[sflag:s5] =	ssyncset.done $0x0  }
0xd8: {  	[sflag:s5] =	ssyncadd.s32 $0xFFFFC000  }
0xd9: {  	[tilespmem:s6], [sflag:$0x1] =	stream.linear.gather [hbm4b:s7+s2], $0x4000, $0x38;
	[tilespmem:$0x4480] =	vst v63  }
0xda: {  	_ =	swait.ge [sflag:s5], $0x4000  }
0xdb: {  	[sflag:s5] =	ssyncset.done $0x0  }
0xdc: {  	[sflag:s5] =	ssyncadd.s32 $0xFFFFC000  }
0xdd: {  	[tilespmem:s2], [sflag:$0x1] =	stream.linear.gather [hbm4b:s8+s2], $0x80, $0x38;
	[tilespmem:$0x4480] =	vst v63  }
0xde: {  	_ =	swait.ge [sflag:s5], $0x80  }
0xdf: {  	[sflag:s5] =	ssyncset.done $0x0  }
0xe0: {  	[sflag:s5] =	ssyncadd.s32 $0xFFFFFF80  }
0xe1: {  	[spmem:s1] =	stream.indirect.scatter.add.f32 [tilespmem:s6], [sflag:$0x1], $0x80, s2, s6, $0xb8;
	[tilespmem:$0x4480] =	vst v63  }
0xe2: {  	_ =	swait.ge [sflag:s5], $0x4000  }
0xe3: {  	[sflag:s5] =	ssyncset.done $0x0  }
0xe4: {  	[sflag:s5] =	ssyncadd.s32 $0xFFFFC000  }
0xe5: {  	[bflag:$0x0] =	sbarrier.arrive $0xFFFF  }
0xe6: {  	[hbm:s3], [sflag:s20] =	dma.local @!p0 [spmem:s4], $0x400  }
0xe7: {  	_ =	swait.ge @!p0 [sflag:s19], $0x400  }
0xe8: {  	[sflag:s19] =	ssyncset.done @!p0 $0x0  }
0xe9: {  	[sflag:s19] =	ssyncadd.s32 @!p0 $0xFFFFFC00  }
0xea: {  	_ =	sfence.sel $0x180000  }
0xeb: {  	[bflag:$0x0] =	sbarrier.arrive $0xFFFF  }
0xec: {  	_ =	strace $0x90000050  }
0xed: {  	s0 =	sadd.s32 @!p0 $0x100000, s0;
	[bflag:$0x2] =	sbarrier.arrive $0xFFFF  }
0xee: {  	[sflag:s0] =	ssyncadd.tile.s32 @!p0 $0x1;
	_ =	shalt  }
.Lfunc_end2:
_tile_overlayer_lowered:
.L_overlay_start_2:
0xef: {  	(tag) =	ssettag $0x2  }
0xf0: {  	s0 =	rddreg [dreg:$0x0];
	s2 =	stileid.u32  }
0xf1: {  	s1 =	rddreg [dreg:$0x1];
	p0 =	sne.s32 s2, $0x0  }
0xf2: {  	s3 =	rddreg [dreg:$0x2];
	[bflag:$0x3] =	sbarrier.arrive $0xFFFF;
	s2 =	simm.s32 @!p0 $0x1C01  }
0xf3: {  	[timem:s3], [sflag:s2] =	dma.local @!p0 [hbm:s0], s1  }
0xf4: {  	s0 =	simm.s32 @!p0 $0x1  }
0xf5: {  	_ =	swait.ge @!p0 [sflag:s0], s1  }
0xf6: {  	s1 =	ssub.s32 @!p0 $0x0, s1;
	[sflag:s0] =	ssyncset.done @!p0 $0x0  }
0xf7: {  	[sflag:s0] =	ssyncadd.s32 @!p0 s1  }
0xf8: {  	[bflag:$0x3] =	sbarrier.arrive $0xFFFF  }
0xf9: {  	_ =	shalt  }

</sc_bundles>
